<compile_context>
chip_gen: v7x
topology: tpu7x:2x2x1
jax: 0.10.2.dev20260603
libtpu: 0.0.44.dev20260713+nightly
codegen_flags: <defaults>
</compile_context>

<pallas_src>
import functools
import math

import jax
import jax.numpy as jnp
from jax import lax
from jax.experimental import pallas as pl
from jax.experimental.pallas import tpu as pltpu
from jax.experimental.pallas import tpu_sc as plsc

_C = math.sqrt(2.0 / math.pi)
_K = _C * 0.044715
_S1 = -2.0 * _C
_S2 = -2.0 * _C * 0.044715

_D = 2048
_ROWS = 8192
_TC_ROWS = 7168
_SC_ROWS = _ROWS - _TC_ROWS

_CH = 256
_NBUF = 4

_NW = 32
_RPW = _SC_ROWS // _NW
_CHW = 8
_SUB = 2


def _gelu(x):
    u = x * (_C + _K * (x * x))
    h = 0.5 * x
    return h + h * jnp.tanh(u)


def _tc_body(x_hbm, o_hbm, inb, outb, in_sem, out_sem):
    nchunks = _TC_ROWS // _CH
    rounds = nchunks // _NBUF

    def start_in(chunk, slot):
        pltpu.make_async_copy(
            x_hbm.at[pl.ds(chunk * _CH, _CH), :], inb.at[slot], in_sem.at[slot]
        ).start()

    def wait_in(chunk, slot):
        pltpu.make_async_copy(
            x_hbm.at[pl.ds(chunk * _CH, _CH), :], inb.at[slot], in_sem.at[slot]
        ).wait()

    def start_out(chunk, slot):
        pltpu.make_async_copy(
            outb.at[slot], o_hbm.at[pl.ds(chunk * _CH, _CH), :], out_sem.at[slot]
        ).start()

    def wait_out(chunk, slot):
        pltpu.make_async_copy(
            outb.at[slot], o_hbm.at[pl.ds(chunk * _CH, _CH), :], out_sem.at[slot]
        ).wait()

    for s in range(_NBUF):
        start_in(s, s)

    def round_body(r, _):
        for s in range(_NBUF):
            chunk = r * _NBUF + s
            wait_in(chunk, s)

            @pl.when(r > 0)
            def _():
                wait_out(chunk - _NBUF, s)

            outb[s] = _gelu(inb[s])
            start_out(chunk, s)

            @pl.when(r < rounds - 1)
            def _():
                start_in(chunk + _NBUF, s)

        return 0

    jax.lax.fori_loop(0, rounds, round_body, 0)

    for s in range(_NBUF):
        wait_out(nchunks - _NBUF + s, s)


def _tc_gelu(x2):
    return pl.pallas_call(
        _tc_body,
        in_specs=[pl.BlockSpec(memory_space=pltpu.HBM)],
        out_specs=pl.BlockSpec(memory_space=pltpu.HBM),
        out_shape=jax.ShapeDtypeStruct((_TC_ROWS, _D), jnp.float32),
        scratch_shapes=[
            pltpu.VMEM((_NBUF, _CH, _D), jnp.float32),
            pltpu.VMEM((_NBUF, _CH, _D), jnp.float32),
            pltpu.SemaphoreType.DMA((_NBUF,)),
            pltpu.SemaphoreType.DMA((_NBUF,)),
        ],
    )(x2)


@functools.partial(
    pl.kernel,
    mesh=plsc.VectorSubcoreMesh(core_axis_name="c", subcore_axis_name="s"),
    out_type=jax.ShapeDtypeStruct((_SC_ROWS, _D), jnp.float32),
    scratch_types=[
        pltpu.VMEM((_CHW, _D), jnp.float32),
        pltpu.VMEM((_CHW, _D), jnp.float32),
    ],
)
def _sc_gelu(x_hbm, o_hbm, inb, outb):
    wid = lax.axis_index("s") * 2 + lax.axis_index("c")
    base = _TC_ROWS + wid * _RPW

    def chunk_body(i, _):
        r0 = base + i * _CHW
        pltpu.sync_copy(x_hbm.at[pl.ds(r0, _CHW), :], inb)

        def sub_body(j, _):
            x = inb[pl.ds(j * _SUB, _SUB), :]
            e = jnp.exp(x * (_S1 + _S2 * (x * x)))
            outb[pl.ds(j * _SUB, _SUB), :] = x / (1.0 + e)
            return 0

        lax.fori_loop(0, _CHW // _SUB, sub_body, 0)
        pltpu.sync_copy(outb, o_hbm.at[pl.ds(r0, _CHW), :])
        return 0

    lax.fori_loop(0, _RPW // _CHW, chunk_body, 0)


def kernel(x, log_k_blend):
    B, T, D = x.shape
    x2 = x.reshape(B * T, D)
    y_tc = _tc_gelu(x2)
    y_sc = _sc_gelu(x2)
    out = jnp.concatenate([y_tc, y_sc], axis=0)
    return out.reshape(B, T, D)

# --- scband reference (transcript-rebuilt; emitter-appended) ---
"""Pipeline reference for scband-gelu272-23648089932100 (READ-ONLY COPY).

The authoritative reference and input builder live on the scoring server;
editing this copy changes nothing except your own understanding.
"""

import jax, jax.numpy as jnp
import numpy as np
import math

FIRE_THRESH = 0.85
N_BUF = 512

def setup_inputs(seed: int = 0) -> dict:
    key = jax.random.key(seed)
    k1, _ = jax.random.split(key)
    x = jax.random.normal(k1, (4, 2048, 2048), dtype=jnp.float32)
    log_k_blend = jnp.asarray(math.log(1.0), dtype=jnp.float32)
    return {"x": x, "log_k_blend": log_k_blend}

def _gelu(x):
    c = math.sqrt(2.0 / math.pi)
    return 0.5 * x * (1.0 + jnp.tanh(c * (x + 0.044715 * jnp.power(x, 3))))

def reference(x, log_k_blend):
    # Faithful single-call trace of GELU272.forward on a freshly constructed module:
    # buffers are None -> allocated zero; mask is all-False -> the `else` branch fires,
    # which (with no grad) stores the pass-1 stats into slot 0 and returns y = gelu(x).
    B, T, D = x.shape
    k_blend = jnp.clip(jnp.exp(log_k_blend), 0.01, 5.0)  # computed as in torch forward (unused on pass-1 exit)
    y = _gelu(x)
    # --- no-grad buffer bookkeeping (state side effects; do not affect the returned value) ---
    m_curr = jax.lax.stop_gradient(y).reshape(B * T, D)
    mean_vec = m_curr.mean(axis=0)
    std_sc = m_curr.std()
    buf_keys = jnp.zeros((N_BUF, D), dtype=y.dtype)
    buf_mean = jnp.zeros((N_BUF, D), dtype=y.dtype)
    buf_std = jnp.zeros((N_BUF,), dtype=y.dtype)
    mask = jnp.zeros((N_BUF,), dtype=bool)
    norm = jnp.sqrt(jnp.sum(mean_vec * mean_vec)) + 1e-12
    buf_keys = buf_keys.at[0].set(mean_vec / norm)
    buf_mean = buf_mean.at[0].set(mean_vec)
    buf_std = buf_std.at[0].set(std_sc)
    mask = mask.at[0].set(True)
    # early return on pass-1 buffer write: output is y
    del k_blend, buf_keys, buf_mean, buf_std, mask
    return y

if __name__ == "__main__":
    import jax
    _d = setup_inputs()
    print(jax.jit(kernel)(*tuple(_d.values())))

</pallas_src>

<mosaic_0001>
#map = affine_map<(d0, d1) -> (0, 0)>
module attributes {stable_mosaic.version = 14 : i64} {
  func.func @_sc_gelu(%arg0: i32, %arg1: i32, %arg2: memref<8192x2048xf32, #tpu.memory_space<hbm>>, %arg3: memref<1024x2048xf32, #tpu.memory_space<hbm>>, %arg4: memref<8x2048xf32, #tpu.memory_space<vmem>>, %arg5: memref<8x2048xf32, #tpu.memory_space<vmem>>) attributes {dimension_semantics = [#tpu.dimension_semantics<core_parallel>, #tpu.dimension_semantics<subcore_parallel>], iteration_bounds = array<i64: 2, 16>, scalar_prefetch = 0 : i64, scratch_operands = 2 : i64, tpu.core_type = #tpu.core_type<sc_vector_subcore>, window_params = [{transform_indices = #map}, {transform_indices = #map}]} {
    %mul3A = arith.constant 2 : i32
    %mul3A_0 = arith.muli %arg1, %mul3A : i32
    %add3A = arith.addi %mul3A_0, %arg0 : i32
    %mul3A_1 = arith.constant 32 : i32
    %mul3A_2 = arith.muli %add3A, %mul3A_1 : i32
    %add3A_3 = arith.constant 7168 : i32
    %add3A_4 = arith.addi %add3A_3, %mul3A_2 : i32
    %scan3A = arith.constant 0 : i32
    %scan3A_5 = arith.constant 0 : i32
    %scan3A_6 = arith.constant 4 : i32
    %scan3A_7 = arith.addi %scan3A_5, %scan3A_6 : i32
    %scan3A_8 = arith.constant 1 : i32
    %scan3A_9 = scf.for %scan3A_11 = %scan3A_5 to %scan3A_7 step %scan3A_8 iter_args(%scan3A_12 = %scan3A) -> (i32)  : i32 {
      %mul3A_13 = arith.constant 8 : i32
      %mul3A_14 = arith.muli %scan3A_11, %mul3A_13 : i32
      %add3A_15 = arith.addi %add3A_4, %mul3A_14 : i32
      "tpu.region"() ({
        %run_scoped3A = tpu.sem_alloc : memref<!tpu.dma_semaphore, #tpu.memory_space<semaphore_mem>>
        %dma_start3A = arith.constant 0 : i32
        %dma_start3A_24 = tpu.memref_slice %arg2[%add3A_15, %dma_start3A] : memref<8192x2048xf32, #tpu.memory_space<hbm>> -> memref<8x2048xf32, #tpu.memory_space<hbm>>
        %dma_start3A_25 = arith.constant 0 : i32
        %dma_start3A_26 = tpu.memref_slice %arg2[%add3A_15, %dma_start3A_25] : memref<8192x2048xf32, #tpu.memory_space<hbm>> -> memref<8x2048xf32, #tpu.memory_space<hbm>>
        tpu.enqueue_dma source(%dma_start3A_26 : memref<8x2048xf32, #tpu.memory_space<hbm>>) target(%arg4 : memref<8x2048xf32, #tpu.memory_space<vmem>>) target_semaphore(%run_scoped3A : memref<!tpu.dma_semaphore, #tpu.memory_space<semaphore_mem>>)
        %dma_wait3A = arith.constant 0 : i32
        %dma_wait3A_27 = tpu.memref_slice %arg2[%add3A_15, %dma_wait3A] : memref<8192x2048xf32, #tpu.memory_space<hbm>> -> memref<8x2048xf32, #tpu.memory_space<hbm>>
        %dma_wait3A_28 = arith.constant 0 : i32
        %dma_wait3A_29 = tpu.memref_slice %arg2[%add3A_15, %dma_wait3A_28] : memref<8192x2048xf32, #tpu.memory_space<hbm>> -> memref<8x2048xf32, #tpu.memory_space<hbm>>
        tpu.wait_dma2 semaphore(%run_scoped3A : memref<!tpu.dma_semaphore, #tpu.memory_space<semaphore_mem>>) src(%dma_wait3A_29 : memref<8x2048xf32, #tpu.memory_space<hbm>>) dst(%arg4 : memref<8x2048xf32, #tpu.memory_space<vmem>>)
        tpu.yield
      }) : () -> ()
      %scan3A_16 = arith.constant 0 : i32
      %scan3A_17 = arith.constant 0 : i32
      %scan3A_18 = arith.constant 4 : i32
      %scan3A_19 = arith.addi %scan3A_17, %scan3A_18 : i32
      %scan3A_20 = arith.constant 1 : i32
      %scan3A_21 = scf.for %scan3A_24 = %scan3A_17 to %scan3A_19 step %scan3A_20 iter_args(%scan3A_25 = %scan3A_16) -> (i32)  : i32 {
        %mul3A_26 = arith.constant 2 : i32
        %mul3A_27 = arith.muli %scan3A_24, %mul3A_26 : i32
        %get3A = arith.index_cast %mul3A_27 : i32 to index
        %get3A_28 = arith.constant 0 : index
        %get3A_29 = tpu.vector_load %arg4[%get3A, %get3A_28] {strides = array<i32>} : memref<8x2048xf32, #tpu.memory_space<vmem>>, vector<2x2048xf32>,
        %get3A_30 = vector.shape_cast %get3A_29 : vector<2x2048xf32> to vector<2x2048xf32>
        %mul3A_31 = arith.mulf %get3A_30, %get3A_30 : vector<2x2048xf32>
        %mul3A_32 = arith.constant -0.0713548139 : f32
        %mul3A_33 = vector.broadcast %mul3A_32 : f32 to vector<2x2048xf32>
        %mul3A_34 = arith.mulf %mul3A_33, %mul3A_31 : vector<2x2048xf32>
        %add3A_35 = arith.constant -1.59576917 : f32
        %add3A_36 = vector.broadcast %add3A_35 : f32 to vector<2x2048xf32>
        %add3A_37 = arith.addf %add3A_36, %mul3A_34 : vector<2x2048xf32>
        %mul3A_38 = arith.mulf %get3A_30, %add3A_37 : vector<2x2048xf32>
        %exp3A = math.exp %mul3A_38 : vector<2x2048xf32>
        %add3A_39 = arith.constant 1.000000e+00 : f32
        %add3A_40 = vector.broadcast %add3A_39 : f32 to vector<2x2048xf32>
        %add3A_41 = arith.addf %add3A_40, %exp3A : vector<2x2048xf32>
        %div3A = arith.divf %get3A_30, %add3A_41 : vector<2x2048xf32>
        %mul3A_42 = arith.constant 2 : i32
        %mul3A_43 = arith.muli %scan3A_24, %mul3A_42 : i32
        %swap3A = arith.index_cast %mul3A_43 : i32 to index
        %swap3A_44 = arith.constant 0 : index
        %swap3A_45 = tpu.vector_load %arg5[%swap3A, %swap3A_44] {strides = array<i32>} : memref<8x2048xf32, #tpu.memory_space<vmem>>, vector<2x2048xf32>,
        %swap3A_46 = vector.shape_cast %swap3A_45 : vector<2x2048xf32> to vector<2x2048xf32>
        %swap3A_47 = vector.shape_cast %div3A : vector<2x2048xf32> to vector<2x2048xf32>
        tpu.vector_store %arg5[%swap3A, %swap3A_44], %swap3A_47 {strides = array<i32>} : memref<8x2048xf32, #tpu.memory_space<vmem>>, vector<2x2048xf32>,
        %scan3A_48 = arith.constant 0 : i32
        scf.yield %scan3A_48 : i32
      }
      %scan3A_22 = arith.constant 4 : i32
      "tpu.region"() ({
        %run_scoped3A = tpu.sem_alloc : memref<!tpu.dma_semaphore, #tpu.memory_space<semaphore_mem>>
        %dma_start3A = arith.constant 0 : i32
        %dma_start3A_24 = tpu.memref_slice %arg3[%add3A_15, %dma_start3A] : memref<1024x2048xf32, #tpu.memory_space<hbm>> -> memref<8x2048xf32, #tpu.memory_space<hbm>>
        %dma_start3A_25 = arith.constant 0 : i32
        %dma_start3A_26 = tpu.memref_slice %arg3[%add3A_15, %dma_start3A_25] : memref<1024x2048xf32, #tpu.memory_space<hbm>> -> memref<8x2048xf32, #tpu.memory_space<hbm>>
        tpu.enqueue_dma source(%arg5 : memref<8x2048xf32, #tpu.memory_space<vmem>>) target(%dma_start3A_26 : memref<8x2048xf32, #tpu.memory_space<hbm>>) target_semaphore(%run_scoped3A : memref<!tpu.dma_semaphore, #tpu.memory_space<semaphore_mem>>)
        %dma_wait3A = arith.constant 0 : i32
        %dma_wait3A_27 = tpu.memref_slice %arg3[%add3A_15, %dma_wait3A] : memref<1024x2048xf32, #tpu.memory_space<hbm>> -> memref<8x2048xf32, #tpu.memory_space<hbm>>
        %dma_wait3A_28 = arith.constant 0 : i32
        %dma_wait3A_29 = tpu.memref_slice %arg3[%add3A_15, %dma_wait3A_28] : memref<1024x2048xf32, #tpu.memory_space<hbm>> -> memref<8x2048xf32, #tpu.memory_space<hbm>>
        tpu.wait_dma2 semaphore(%run_scoped3A : memref<!tpu.dma_semaphore, #tpu.memory_space<semaphore_mem>>) src(%arg5 : memref<8x2048xf32, #tpu.memory_space<vmem>>) dst(%dma_wait3A_29 : memref<8x2048xf32, #tpu.memory_space<hbm>>)
        tpu.yield
      }) : () -> ()
      %scan3A_23 = arith.constant 0 : i32
      scf.yield %scan3A_23 : i32
    }
    %scan3A_10 = arith.constant 4 : i32
    return
  }
}

module attributes {stable_mosaic.version = 14 : i64} {
  func.func @_tc_body(%arg0: memref<8192x2048xf32, #tpu.memory_space<hbm>>, %arg1: memref<7168x2048xf32, #tpu.memory_space<hbm>>, %arg2: memref<4x256x2048xf32, #tpu.memory_space<vmem>>, %arg3: memref<4x256x2048xf32, #tpu.memory_space<vmem>>, %arg4: memref<4x!tpu.dma_semaphore, #tpu.memory_space<semaphore_mem>>, %arg5: memref<4x!tpu.dma_semaphore, #tpu.memory_space<semaphore_mem>>) attributes {dimension_semantics = [], scalar_prefetch = 0 : i64, scratch_operands = 4 : i64, tpu.core_type = #tpu.core_type<tc>} {
    %dma_start3A = arith.constant 0 : i32
    %dma_start3A_0 = arith.constant 0 : i32
    %dma_start3A_1 = tpu.memref_slice %arg4[%dma_start3A_0] : memref<4x!tpu.dma_semaphore, #tpu.memory_space<semaphore_mem>> -> memref<1x!tpu.dma_semaphore, #tpu.memory_space<semaphore_mem>>
    %dma_start3A_2 = tpu.memref_squeeze %dma_start3A_1 : memref<1x!tpu.dma_semaphore, #tpu.memory_space<semaphore_mem>> -> memref<!tpu.dma_semaphore, #tpu.memory_space<semaphore_mem>>
    %dma_start3A_3 = arith.constant 0 : i32
    %dma_start3A_4 = arith.constant 0 : i32
    %dma_start3A_5 = tpu.memref_slice %arg2[%dma_start3A, %dma_start3A_3, %dma_start3A_4] : memref<4x256x2048xf32, #tpu.memory_space<vmem>> -> memref<1x256x2048xf32, #tpu.memory_space<vmem>>
    %dma_start3A_6 = tpu.memref_squeeze %dma_start3A_5 : memref<1x256x2048xf32, #tpu.memory_space<vmem>> -> memref<256x2048xf32, #tpu.memory_space<vmem>>
    %dma_start3A_7 = arith.constant 0 : i32
    %dma_start3A_8 = arith.constant 0 : i32
    %dma_start3A_9 = tpu.memref_slice %arg0[%dma_start3A_7, %dma_start3A_8] : memref<8192x2048xf32, #tpu.memory_space<hbm>> -> memref<256x2048xf32, #tpu.memory_space<hbm>>
    tpu.enqueue_dma source(%dma_start3A_9 : memref<256x2048xf32, #tpu.memory_space<hbm>>) target(%dma_start3A_6 : memref<256x2048xf32, #tpu.memory_space<vmem>>) target_semaphore(%dma_start3A_2 : memref<!tpu.dma_semaphore, #tpu.memory_space<semaphore_mem>>)
    %dma_start3A_10 = arith.constant 1 : i32
    %dma_start3A_11 = arith.constant 1 : i32
    %dma_start3A_12 = tpu.memref_slice %arg4[%dma_start3A_11] : memref<4x!tpu.dma_semaphore, #tpu.memory_space<semaphore_mem>> -> memref<1x!tpu.dma_semaphore, #tpu.memory_space<semaphore_mem>>
    %dma_start3A_13 = tpu.memref_squeeze %dma_start3A_12 : memref<1x!tpu.dma_semaphore, #tpu.memory_space<semaphore_mem>> -> memref<!tpu.dma_semaphore, #tpu.memory_space<semaphore_mem>>
    %dma_start3A_14 = arith.constant 0 : i32
    %dma_start3A_15 = arith.constant 0 : i32
    %dma_start3A_16 = tpu.memref_slice %arg2[%dma_start3A_10, %dma_start3A_14, %dma_start3A_15] : memref<4x256x2048xf32, #tpu.memory_space<vmem>> -> memref<1x256x2048xf32, #tpu.memory_space<vmem>>
    %dma_start3A_17 = tpu.memref_squeeze %dma_start3A_16 : memref<1x256x2048xf32, #tpu.memory_space<vmem>> -> memref<256x2048xf32, #tpu.memory_space<vmem>>
    %dma_start3A_18 = arith.constant 256 : i32
    %dma_start3A_19 = arith.constant 0 : i32
    %dma_start3A_20 = tpu.memref_slice %arg0[%dma_start3A_18, %dma_start3A_19] : memref<8192x2048xf32, #tpu.memory_space<hbm>> -> memref<256x2048xf32, #tpu.memory_space<hbm>>
    tpu.enqueue_dma source(%dma_start3A_20 : memref<256x2048xf32, #tpu.memory_space<hbm>>) target(%dma_start3A_17 : memref<256x2048xf32, #tpu.memory_space<vmem>>) target_semaphore(%dma_start3A_13 : memref<!tpu.dma_semaphore, #tpu.memory_space<semaphore_mem>>)
    %dma_start3A_21 = arith.constant 2 : i32
    %dma_start3A_22 = arith.constant 2 : i32
    %dma_start3A_23 = tpu.memref_slice %arg4[%dma_start3A_22] : memref<4x!tpu.dma_semaphore, #tpu.memory_space<semaphore_mem>> -> memref<1x!tpu.dma_semaphore, #tpu.memory_space<semaphore_mem>>
    %dma_start3A_24 = tpu.memref_squeeze %dma_start3A_23 : memref<1x!tpu.dma_semaphore, #tpu.memory_space<semaphore_mem>> -> memref<!tpu.dma_semaphore, #tpu.memory_space<semaphore_mem>>
    %dma_start3A_25 = arith.constant 0 : i32
    %dma_start3A_26 = arith.constant 0 : i32
    %dma_start3A_27 = tpu.memref_slice %arg2[%dma_start3A_21, %dma_start3A_25, %dma_start3A_26] : memref<4x256x2048xf32, #tpu.memory_space<vmem>> -> memref<1x256x2048xf32, #tpu.memory_space<vmem>>
    %dma_start3A_28 = tpu.memref_squeeze %dma_start3A_27 : memref<1x256x2048xf32, #tpu.memory_space<vmem>> -> memref<256x2048xf32, #tpu.memory_space<vmem>>
    %dma_start3A_29 = arith.constant 512 : i32
    %dma_start3A_30 = arith.constant 0 : i32
    %dma_start3A_31 = tpu.memref_slice %arg0[%dma_start3A_29, %dma_start3A_30] : memref<8192x2048xf32, #tpu.memory_space<hbm>> -> memref<256x2048xf32, #tpu.memory_space<hbm>>
    tpu.enqueue_dma source(%dma_start3A_31 : memref<256x2048xf32, #tpu.memory_space<hbm>>) target(%dma_start3A_28 : memref<256x2048xf32, #tpu.memory_space<vmem>>) target_semaphore(%dma_start3A_24 : memref<!tpu.dma_semaphore, #tpu.memory_space<semaphore_mem>>)
    %dma_start3A_32 = arith.constant 3 : i32
    %dma_start3A_33 = arith.constant 3 : i32
    %dma_start3A_34 = tpu.memref_slice %arg4[%dma_start3A_33] : memref<4x!tpu.dma_semaphore, #tpu.memory_space<semaphore_mem>> -> memref<1x!tpu.dma_semaphore, #tpu.memory_space<semaphore_mem>>
    %dma_start3A_35 = tpu.memref_squeeze %dma_start3A_34 : memref<1x!tpu.dma_semaphore, #tpu.memory_space<semaphore_mem>> -> memref<!tpu.dma_semaphore, #tpu.memory_space<semaphore_mem>>
    %dma_start3A_36 = arith.constant 0 : i32
    %dma_start3A_37 = arith.constant 0 : i32
    %dma_start3A_38 = tpu.memref_slice %arg2[%dma_start3A_32, %dma_start3A_36, %dma_start3A_37] : memref<4x256x2048xf32, #tpu.memory_space<vmem>> -> memref<1x256x2048xf32, #tpu.memory_space<vmem>>
    %dma_start3A_39 = tpu.memref_squeeze %dma_start3A_38 : memref<1x256x2048xf32, #tpu.memory_space<vmem>> -> memref<256x2048xf32, #tpu.memory_space<vmem>>
    %dma_start3A_40 = arith.constant 768 : i32
    %dma_start3A_41 = arith.constant 0 : i32
    %dma_start3A_42 = tpu.memref_slice %arg0[%dma_start3A_40, %dma_start3A_41] : memref<8192x2048xf32, #tpu.memory_space<hbm>> -> memref<256x2048xf32, #tpu.memory_space<hbm>>
    tpu.enqueue_dma source(%dma_start3A_42 : memref<256x2048xf32, #tpu.memory_space<hbm>>) target(%dma_start3A_39 : memref<256x2048xf32, #tpu.memory_space<vmem>>) target_semaphore(%dma_start3A_35 : memref<!tpu.dma_semaphore, #tpu.memory_space<semaphore_mem>>)
    %scan3A = arith.constant 0 : i32
    %scan3A_43 = arith.constant 7 : i32
    %scan3A_44 = arith.addi %scan3A, %scan3A_43 : i32
    %scan3A_45 = arith.constant 1 : i32
    scf.for %scan3A_90 = %scan3A to %scan3A_44 step %scan3A_45  : i32 {
      %mul3A = arith.constant 4 : i32
      %mul3A_91 = arith.muli %scan3A_90, %mul3A : i32
      %add3A = arith.constant 0 : i32
      %add3A_92 = arith.addi %mul3A_91, %add3A : i32
      %mul3A_93 = arith.constant 256 : i32
      %mul3A_94 = arith.muli %add3A_92, %mul3A_93 : i32
      %dma_wait3A_95 = arith.constant 0 : i32
      %dma_wait3A_96 = arith.constant 0 : i32
      %dma_wait3A_97 = tpu.memref_slice %arg4[%dma_wait3A_96] : memref<4x!tpu.dma_semaphore, #tpu.memory_space<semaphore_mem>> -> memref<1x!tpu.dma_semaphore, #tpu.memory_space<semaphore_mem>>
      %dma_wait3A_98 = tpu.memref_squeeze %dma_wait3A_97 : memref<1x!tpu.dma_semaphore, #tpu.memory_space<semaphore_mem>> -> memref<!tpu.dma_semaphore, #tpu.memory_space<semaphore_mem>>
      %dma_wait3A_99 = arith.constant 0 : i32
      %dma_wait3A_100 = arith.constant 0 : i32
      %dma_wait3A_101 = tpu.memref_slice %arg2[%dma_wait3A_95, %dma_wait3A_99, %dma_wait3A_100] : memref<4x256x2048xf32, #tpu.memory_space<vmem>> -> memref<1x256x2048xf32, #tpu.memory_space<vmem>>
      %dma_wait3A_102 = tpu.memref_squeeze %dma_wait3A_101 : memref<1x256x2048xf32, #tpu.memory_space<vmem>> -> memref<256x2048xf32, #tpu.memory_space<vmem>>
      %dma_wait3A_103 = arith.constant 0 : i32
      %dma_wait3A_104 = tpu.memref_slice %arg0[%mul3A_94, %dma_wait3A_103] : memref<8192x2048xf32, #tpu.memory_space<hbm>> -> memref<256x2048xf32, #tpu.memory_space<hbm>>
      tpu.wait_dma2 semaphore(%dma_wait3A_98 : memref<!tpu.dma_semaphore, #tpu.memory_space<semaphore_mem>>) src(%dma_wait3A_104 : memref<256x2048xf32, #tpu.memory_space<hbm>>) dst(%dma_wait3A_102 : memref<256x2048xf32, #tpu.memory_space<vmem>>)
      %gt3A = arith.constant 0 : i32
      %gt3A_105 = arith.cmpi sgt, %scan3A_90, %gt3A : i32
      %convert_element_type3A = arith.extui %gt3A_105 : i1 to i32
      %cond3A = arith.constant 0 : i32
      %cond3A_106 = arith.cmpi ne, %convert_element_type3A, %cond3A : i32
      scf.if %cond3A_106 {
        %sub3A = arith.constant 4 : i32
        %sub3A_345 = arith.subi %add3A_92, %sub3A : i32
        %mul3A_346 = arith.constant 256 : i32
        %mul3A_347 = arith.muli %sub3A_345, %mul3A_346 : i32
        %dma_wait3A_348 = arith.constant 0 : i32
        %dma_wait3A_349 = arith.constant 0 : i32
        %dma_wait3A_350 = tpu.memref_slice %arg5[%dma_wait3A_349] : memref<4x!tpu.dma_semaphore, #tpu.memory_space<semaphore_mem>> -> memref<1x!tpu.dma_semaphore, #tpu.memory_space<semaphore_mem>>
        %dma_wait3A_351 = tpu.memref_squeeze %dma_wait3A_350 : memref<1x!tpu.dma_semaphore, #tpu.memory_space<semaphore_mem>> -> memref<!tpu.dma_semaphore, #tpu.memory_space<semaphore_mem>>
        %dma_wait3A_352 = arith.constant 0 : i32
        %dma_wait3A_353 = tpu.memref_slice %arg1[%mul3A_347, %dma_wait3A_352] : memref<7168x2048xf32, #tpu.memory_space<hbm>> -> memref<256x2048xf32, #tpu.memory_space<hbm>>
        %dma_wait3A_354 = arith.constant 0 : i32
        %dma_wait3A_355 = arith.constant 0 : i32
        %dma_wait3A_356 = tpu.memref_slice %arg3[%dma_wait3A_348, %dma_wait3A_354, %dma_wait3A_355] : memref<4x256x2048xf32, #tpu.memory_space<vmem>> -> memref<1x256x2048xf32, #tpu.memory_space<vmem>>
        %dma_wait3A_357 = tpu.memref_squeeze %dma_wait3A_356 : memref<1x256x2048xf32, #tpu.memory_space<vmem>> -> memref<256x2048xf32, #tpu.memory_space<vmem>>
        tpu.wait_dma2 semaphore(%dma_wait3A_351 : memref<!tpu.dma_semaphore, #tpu.memory_space<semaphore_mem>>) src(%dma_wait3A_357 : memref<256x2048xf32, #tpu.memory_space<vmem>>) dst(%dma_wait3A_353 : memref<256x2048xf32, #tpu.memory_space<hbm>>)
      } else {
      }
      %get3A = arith.constant 0 : index
      %get3A_107 = arith.constant 0 : index
      %get3A_108 = arith.constant 0 : index
      %get3A_109 = vector.load %arg2[%get3A, %get3A_107, %get3A_108] : memref<4x256x2048xf32, #tpu.memory_space<vmem>>, vector<1x256x2048xf32>
      %get3A_110 = vector.shape_cast %get3A_109 : vector<1x256x2048xf32> to vector<256x2048xf32>
      %mul3A_111 = arith.constant 5.000000e-01 : f32
      %mul3A_112 = vector.broadcast %mul3A_111 : f32 to vector<256x2048xf32>
      %mul3A_113 = arith.mulf %mul3A_112, %get3A_110 : vector<256x2048xf32>
      %integer_pow3A = arith.mulf %get3A_110, %get3A_110 : vector<256x2048xf32>
      %integer_pow3A_114 = arith.mulf %get3A_110, %integer_pow3A : vector<256x2048xf32>
      %mul3A_115 = arith.constant 4.471500e-02 : f32
      %mul3A_116 = vector.broadcast %mul3A_115 : f32 to vector<256x2048xf32>
      %mul3A_117 = arith.mulf %mul3A_116, %integer_pow3A_114 : vector<256x2048xf32>
      %add3A_118 = arith.addf %get3A_110, %mul3A_117 : vector<256x2048xf32>
      %mul3A_119 = arith.constant 0.797884583 : f32
      %mul3A_120 = vector.broadcast %mul3A_119 : f32 to vector<256x2048xf32>
      %mul3A_121 = arith.mulf %mul3A_120, %add3A_118 : vector<256x2048xf32>
      %tanh3A = math.tanh %mul3A_121 : vector<256x2048xf32>
      %add3A_122 = arith.constant 1.000000e+00 : f32
      %add3A_123 = vector.broadcast %add3A_122 : f32 to vector<256x2048xf32>
      %add3A_124 = arith.addf %add3A_123, %tanh3A : vector<256x2048xf32>
      %mul3A_125 = arith.mulf %mul3A_113, %add3A_124 : vector<256x2048xf32>
      %swap3A = arith.constant 0 : index
      %swap3A_126 = arith.constant 0 : index
      %swap3A_127 = arith.constant 0 : index
      %swap3A_128 = vector.load %arg3[%swap3A, %swap3A_126, %swap3A_127] : memref<4x256x2048xf32, #tpu.memory_space<vmem>>, vector<1x256x2048xf32>
      %swap3A_129 = vector.shape_cast %swap3A_128 : vector<1x256x2048xf32> to vector<256x2048xf32>
      %swap3A_130 = vector.shape_cast %mul3A_125 : vector<256x2048xf32> to vector<1x256x2048xf32>
      tpu.vector_store %arg3[%swap3A, %swap3A_126, %swap3A_127], %swap3A_130 {strides = array<i32>} : memref<4x256x2048xf32, #tpu.memory_space<vmem>>, vector<1x256x2048xf32>,
      %mul3A_131 = arith.constant 256 : i32
      %mul3A_132 = arith.muli %add3A_92, %mul3A_131 : i32
      %dma_start3A_133 = arith.constant 0 : i32
      %dma_start3A_134 = arith.constant 0 : i32
      %dma_start3A_135 = tpu.memref_slice %arg5[%dma_start3A_134] : memref<4x!tpu.dma_semaphore, #tpu.memory_space<semaphore_mem>> -> memref<1x!tpu.dma_semaphore, #tpu.memory_space<semaphore_mem>>
      %dma_start3A_136 = tpu.memref_squeeze %dma_start3A_135 : memref<1x!tpu.dma_semaphore, #tpu.memory_space<semaphore_mem>> -> memref<!tpu.dma_semaphore, #tpu.memory_space<semaphore_mem>>
      %dma_start3A_137 = arith.constant 0 : i32
      %dma_start3A_138 = tpu.memref_slice %arg1[%mul3A_132, %dma_start3A_137] : memref<7168x2048xf32, #tpu.memory_space<hbm>> -> memref<256x2048xf32, #tpu.memory_space<hbm>>
      %dma_start3A_139 = arith.constant 0 : i32
      %dma_start3A_140 = arith.constant 0 : i32
      %dma_start3A_141 = tpu.memref_slice %arg3[%dma_start3A_133, %dma_start3A_139, %dma_start3A_140] : memref<4x256x2048xf32, #tpu.memory_space<vmem>> -> memref<1x256x2048xf32, #tpu.memory_space<vmem>>
      %dma_start3A_142 = tpu.memref_squeeze %dma_start3A_141 : memref<1x256x2048xf32, #tpu.memory_space<vmem>> -> memref<256x2048xf32, #tpu.memory_space<vmem>>
      tpu.enqueue_dma source(%dma_start3A_142 : memref<256x2048xf32, #tpu.memory_space<vmem>>) target(%dma_start3A_138 : memref<256x2048xf32, #tpu.memory_space<hbm>>) target_semaphore(%dma_start3A_136 : memref<!tpu.dma_semaphore, #tpu.memory_space<semaphore_mem>>)
      %lt3A = arith.constant 6 : i32
      %lt3A_143 = arith.cmpi slt, %scan3A_90, %lt3A : i32
      %convert_element_type3A_144 = arith.extui %lt3A_143 : i1 to i32
      %cond3A_145 = arith.constant 0 : i32
      %cond3A_146 = arith.cmpi ne, %convert_element_type3A_144, %cond3A_145 : i32
      scf.if %cond3A_146 {
        %add3A_345 = arith.constant 4 : i32
        %add3A_346 = arith.addi %add3A_92, %add3A_345 : i32
        %mul3A_347 = arith.constant 256 : i32
        %mul3A_348 = arith.muli %add3A_346, %mul3A_347 : i32
        %dma_start3A_349 = arith.constant 0 : i32
        %dma_start3A_350 = arith.constant 0 : i32
        %dma_start3A_351 = tpu.memref_slice %arg4[%dma_start3A_350] : memref<4x!tpu.dma_semaphore, #tpu.memory_space<semaphore_mem>> -> memref<1x!tpu.dma_semaphore, #tpu.memory_space<semaphore_mem>>
        %dma_start3A_352 = tpu.memref_squeeze %dma_start3A_351 : memref<1x!tpu.dma_semaphore, #tpu.memory_space<semaphore_mem>> -> memref<!tpu.dma_semaphore, #tpu.memory_space<semaphore_mem>>
        %dma_start3A_353 = arith.constant 0 : i32
        %dma_start3A_354 = arith.constant 0 : i32
        %dma_start3A_355 = tpu.memref_slice %arg2[%dma_start3A_349, %dma_start3A_353, %dma_start3A_354] : memref<4x256x2048xf32, #tpu.memory_space<vmem>> -> memref<1x256x2048xf32, #tpu.memory_space<vmem>>
        %dma_start3A_356 = tpu.memref_squeeze %dma_start3A_355 : memref<1x256x2048xf32, #tpu.memory_space<vmem>> -> memref<256x2048xf32, #tpu.memory_space<vmem>>
        %dma_start3A_357 = arith.constant 0 : i32
        %dma_start3A_358 = tpu.memref_slice %arg0[%mul3A_348, %dma_start3A_357] : memref<8192x2048xf32, #tpu.memory_space<hbm>> -> memref<256x2048xf32, #tpu.memory_space<hbm>>
        tpu.enqueue_dma source(%dma_start3A_358 : memref<256x2048xf32, #tpu.memory_space<hbm>>) target(%dma_start3A_356 : memref<256x2048xf32, #tpu.memory_space<vmem>>) target_semaphore(%dma_start3A_352 : memref<!tpu.dma_semaphore, #tpu.memory_space<semaphore_mem>>)
      } else {
      }
      %mul3A_147 = arith.constant 4 : i32
      %mul3A_148 = arith.muli %scan3A_90, %mul3A_147 : i32
      %add3A_149 = arith.constant 1 : i32
      %add3A_150 = arith.addi %mul3A_148, %add3A_149 : i32
      %mul3A_151 = arith.constant 256 : i32
      %mul3A_152 = arith.muli %add3A_150, %mul3A_151 : i32
      %dma_wait3A_153 = arith.constant 1 : i32
      %dma_wait3A_154 = arith.constant 1 : i32
      %dma_wait3A_155 = tpu.memref_slice %arg4[%dma_wait3A_154] : memref<4x!tpu.dma_semaphore, #tpu.memory_space<semaphore_mem>> -> memref<1x!tpu.dma_semaphore, #tpu.memory_space<semaphore_mem>>
      %dma_wait3A_156 = tpu.memref_squeeze %dma_wait3A_155 : memref<1x!tpu.dma_semaphore, #tpu.memory_space<semaphore_mem>> -> memref<!tpu.dma_semaphore, #tpu.memory_space<semaphore_mem>>
      %dma_wait3A_157 = arith.constant 0 : i32
      %dma_wait3A_158 = arith.constant 0 : i32
      %dma_wait3A_159 = tpu.memref_slice %arg2[%dma_wait3A_153, %dma_wait3A_157, %dma_wait3A_158] : memref<4x256x2048xf32, #tpu.memory_space<vmem>> -> memref<1x256x2048xf32, #tpu.memory_space<vmem>>
      %dma_wait3A_160 = tpu.memref_squeeze %dma_wait3A_159 : memref<1x256x2048xf32, #tpu.memory_space<vmem>> -> memref<256x2048xf32, #tpu.memory_space<vmem>>
      %dma_wait3A_161 = arith.constant 0 : i32
      %dma_wait3A_162 = tpu.memref_slice %arg0[%mul3A_152, %dma_wait3A_161] : memref<8192x2048xf32, #tpu.memory_space<hbm>> -> memref<256x2048xf32, #tpu.memory_space<hbm>>
      tpu.wait_dma2 semaphore(%dma_wait3A_156 : memref<!tpu.dma_semaphore, #tpu.memory_space<semaphore_mem>>) src(%dma_wait3A_162 : memref<256x2048xf32, #tpu.memory_space<hbm>>) dst(%dma_wait3A_160 : memref<256x2048xf32, #tpu.memory_space<vmem>>)
      %gt3A_163 = arith.constant 0 : i32
      %gt3A_164 = arith.cmpi sgt, %scan3A_90, %gt3A_163 : i32
      %convert_element_type3A_165 = arith.extui %gt3A_164 : i1 to i32
      %cond3A_166 = arith.constant 0 : i32
      %cond3A_167 = arith.cmpi ne, %convert_element_type3A_165, %cond3A_166 : i32
      scf.if %cond3A_167 {
        %sub3A = arith.constant 4 : i32
        %sub3A_345 = arith.subi %add3A_150, %sub3A : i32
        %mul3A_346 = arith.constant 256 : i32
        %mul3A_347 = arith.muli %sub3A_345, %mul3A_346 : i32
        %dma_wait3A_348 = arith.constant 1 : i32
        %dma_wait3A_349 = arith.constant 1 : i32
        %dma_wait3A_350 = tpu.memref_slice %arg5[%dma_wait3A_349] : memref<4x!tpu.dma_semaphore, #tpu.memory_space<semaphore_mem>> -> memref<1x!tpu.dma_semaphore, #tpu.memory_space<semaphore_mem>>
        %dma_wait3A_351 = tpu.memref_squeeze %dma_wait3A_350 : memref<1x!tpu.dma_semaphore, #tpu.memory_space<semaphore_mem>> -> memref<!tpu.dma_semaphore, #tpu.memory_space<semaphore_mem>>
        %dma_wait3A_352 = arith.constant 0 : i32
        %dma_wait3A_353 = tpu.memref_slice %arg1[%mul3A_347, %dma_wait3A_352] : memref<7168x2048xf32, #tpu.memory_space<hbm>> -> memref<256x2048xf32, #tpu.memory_space<hbm>>
        %dma_wait3A_354 = arith.constant 0 : i32
        %dma_wait3A_355 = arith.constant 0 : i32
        %dma_wait3A_356 = tpu.memref_slice %arg3[%dma_wait3A_348, %dma_wait3A_354, %dma_wait3A_355] : memref<4x256x2048xf32, #tpu.memory_space<vmem>> -> memref<1x256x2048xf32, #tpu.memory_space<vmem>>
        %dma_wait3A_357 = tpu.memref_squeeze %dma_wait3A_356 : memref<1x256x2048xf32, #tpu.memory_space<vmem>> -> memref<256x2048xf32, #tpu.memory_space<vmem>>
        tpu.wait_dma2 semaphore(%dma_wait3A_351 : memref<!tpu.dma_semaphore, #tpu.memory_space<semaphore_mem>>) src(%dma_wait3A_357 : memref<256x2048xf32, #tpu.memory_space<vmem>>) dst(%dma_wait3A_353 : memref<256x2048xf32, #tpu.memory_space<hbm>>)
      } else {
      }
      %get3A_168 = arith.constant 1 : index
      %get3A_169 = arith.constant 0 : index
      %get3A_170 = arith.constant 0 : index
      %get3A_171 = vector.load %arg2[%get3A_168, %get3A_169, %get3A_170] : memref<4x256x2048xf32, #tpu.memory_space<vmem>>, vector<1x256x2048xf32>
      %get3A_172 = vector.shape_cast %get3A_171 : vector<1x256x2048xf32> to vector<256x2048xf32>
      %mul3A_173 = arith.constant 5.000000e-01 : f32
      %mul3A_174 = vector.broadcast %mul3A_173 : f32 to vector<256x2048xf32>
      %mul3A_175 = arith.mulf %mul3A_174, %get3A_172 : vector<256x2048xf32>
      %integer_pow3A_176 = arith.mulf %get3A_172, %get3A_172 : vector<256x2048xf32>
      %integer_pow3A_177 = arith.mulf %get3A_172, %integer_pow3A_176 : vector<256x2048xf32>
      %mul3A_178 = arith.constant 4.471500e-02 : f32
      %mul3A_179 = vector.broadcast %mul3A_178 : f32 to vector<256x2048xf32>
      %mul3A_180 = arith.mulf %mul3A_179, %integer_pow3A_177 : vector<256x2048xf32>
      %add3A_181 = arith.addf %get3A_172, %mul3A_180 : vector<256x2048xf32>
      %mul3A_182 = arith.constant 0.797884583 : f32
      %mul3A_183 = vector.broadcast %mul3A_182 : f32 to vector<256x2048xf32>
      %mul3A_184 = arith.mulf %mul3A_183, %add3A_181 : vector<256x2048xf32>
      %tanh3A_185 = math.tanh %mul3A_184 : vector<256x2048xf32>
      %add3A_186 = arith.constant 1.000000e+00 : f32
      %add3A_187 = vector.broadcast %add3A_186 : f32 to vector<256x2048xf32>
      %add3A_188 = arith.addf %add3A_187, %tanh3A_185 : vector<256x2048xf32>
      %mul3A_189 = arith.mulf %mul3A_175, %add3A_188 : vector<256x2048xf32>
      %swap3A_190 = arith.constant 1 : index
      %swap3A_191 = arith.constant 0 : index
      %swap3A_192 = arith.constant 0 : index
      %swap3A_193 = vector.load %arg3[%swap3A_190, %swap3A_191, %swap3A_192] : memref<4x256x2048xf32, #tpu.memory_space<vmem>>, vector<1x256x2048xf32>
      %swap3A_194 = vector.shape_cast %swap3A_193 : vector<1x256x2048xf32> to vector<256x2048xf32>
      %swap3A_195 = vector.shape_cast %mul3A_189 : vector<256x2048xf32> to vector<1x256x2048xf32>
      tpu.vector_store %arg3[%swap3A_190, %swap3A_191, %swap3A_192], %swap3A_195 {strides = array<i32>} : memref<4x256x2048xf32, #tpu.memory_space<vmem>>, vector<1x256x2048xf32>,
      %mul3A_196 = arith.constant 256 : i32
      %mul3A_197 = arith.muli %add3A_150, %mul3A_196 : i32
      %dma_start3A_198 = arith.constant 1 : i32
      %dma_start3A_199 = arith.constant 1 : i32
      %dma_start3A_200 = tpu.memref_slice %arg5[%dma_start3A_199] : memref<4x!tpu.dma_semaphore, #tpu.memory_space<semaphore_mem>> -> memref<1x!tpu.dma_semaphore, #tpu.memory_space<semaphore_mem>>
      %dma_start3A_201 = tpu.memref_squeeze %dma_start3A_200 : memref<1x!tpu.dma_semaphore, #tpu.memory_space<semaphore_mem>> -> memref<!tpu.dma_semaphore, #tpu.memory_space<semaphore_mem>>
      %dma_start3A_202 = arith.constant 0 : i32
      %dma_start3A_203 = tpu.memref_slice %arg1[%mul3A_197, %dma_start3A_202] : memref<7168x2048xf32, #tpu.memory_space<hbm>> -> memref<256x2048xf32, #tpu.memory_space<hbm>>
      %dma_start3A_204 = arith.constant 0 : i32
      %dma_start3A_205 = arith.constant 0 : i32
      %dma_start3A_206 = tpu.memref_slice %arg3[%dma_start3A_198, %dma_start3A_204, %dma_start3A_205] : memref<4x256x2048xf32, #tpu.memory_space<vmem>> -> memref<1x256x2048xf32, #tpu.memory_space<vmem>>
      %dma_start3A_207 = tpu.memref_squeeze %dma_start3A_206 : memref<1x256x2048xf32, #tpu.memory_space<vmem>> -> memref<256x2048xf32, #tpu.memory_space<vmem>>
      tpu.enqueue_dma source(%dma_start3A_207 : memref<256x2048xf32, #tpu.memory_space<vmem>>) target(%dma_start3A_203 : memref<256x2048xf32, #tpu.memory_space<hbm>>) target_semaphore(%dma_start3A_201 : memref<!tpu.dma_semaphore, #tpu.memory_space<semaphore_mem>>)
      %lt3A_208 = arith.constant 6 : i32
      %lt3A_209 = arith.cmpi slt, %scan3A_90, %lt3A_208 : i32
      %convert_element_type3A_210 = arith.extui %lt3A_209 : i1 to i32
      %cond3A_211 = arith.constant 0 : i32
      %cond3A_212 = arith.cmpi ne, %convert_element_type3A_210, %cond3A_211 : i32
      scf.if %cond3A_212 {
        %add3A_345 = arith.constant 4 : i32
        %add3A_346 = arith.addi %add3A_150, %add3A_345 : i32
        %mul3A_347 = arith.constant 256 : i32
        %mul3A_348 = arith.muli %add3A_346, %mul3A_347 : i32
        %dma_start3A_349 = arith.constant 1 : i32
        %dma_start3A_350 = arith.constant 1 : i32
        %dma_start3A_351 = tpu.memref_slice %arg4[%dma_start3A_350] : memref<4x!tpu.dma_semaphore, #tpu.memory_space<semaphore_mem>> -> memref<1x!tpu.dma_semaphore, #tpu.memory_space<semaphore_mem>>
        %dma_start3A_352 = tpu.memref_squeeze %dma_start3A_351 : memref<1x!tpu.dma_semaphore, #tpu.memory_space<semaphore_mem>> -> memref<!tpu.dma_semaphore, #tpu.memory_space<semaphore_mem>>
        %dma_start3A_353 = arith.constant 0 : i32
        %dma_start3A_354 = arith.constant 0 : i32
        %dma_start3A_355 = tpu.memref_slice %arg2[%dma_start3A_349, %dma_start3A_353, %dma_start3A_354] : memref<4x256x2048xf32, #tpu.memory_space<vmem>> -> memref<1x256x2048xf32, #tpu.memory_space<vmem>>
        %dma_start3A_356 = tpu.memref_squeeze %dma_start3A_355 : memref<1x256x2048xf32, #tpu.memory_space<vmem>> -> memref<256x2048xf32, #tpu.memory_space<vmem>>
        %dma_start3A_357 = arith.constant 0 : i32
        %dma_start3A_358 = tpu.memref_slice %arg0[%mul3A_348, %dma_start3A_357] : memref<8192x2048xf32, #tpu.memory_space<hbm>> -> memref<256x2048xf32, #tpu.memory_space<hbm>>
        tpu.enqueue_dma source(%dma_start3A_358 : memref<256x2048xf32, #tpu.memory_space<hbm>>) target(%dma_start3A_356 : memref<256x2048xf32, #tpu.memory_space<vmem>>) target_semaphore(%dma_start3A_352 : memref<!tpu.dma_semaphore, #tpu.memory_space<semaphore_mem>>)
      } else {
      }
      %mul3A_213 = arith.constant 4 : i32
      %mul3A_214 = arith.muli %scan3A_90, %mul3A_213 : i32
      %add3A_215 = arith.constant 2 : i32
      %add3A_216 = arith.addi %mul3A_214, %add3A_215 : i32
      %mul3A_217 = arith.constant 256 : i32
      %mul3A_218 = arith.muli %add3A_216, %mul3A_217 : i32
      %dma_wait3A_219 = arith.constant 2 : i32
      %dma_wait3A_220 = arith.constant 2 : i32
      %dma_wait3A_221 = tpu.memref_slice %arg4[%dma_wait3A_220] : memref<4x!tpu.dma_semaphore, #tpu.memory_space<semaphore_mem>> -> memref<1x!tpu.dma_semaphore, #tpu.memory_space<semaphore_mem>>
      %dma_wait3A_222 = tpu.memref_squeeze %dma_wait3A_221 : memref<1x!tpu.dma_semaphore, #tpu.memory_space<semaphore_mem>> -> memref<!tpu.dma_semaphore, #tpu.memory_space<semaphore_mem>>
      %dma_wait3A_223 = arith.constant 0 : i32
      %dma_wait3A_224 = arith.constant 0 : i32
      %dma_wait3A_225 = tpu.memref_slice %arg2[%dma_wait3A_219, %dma_wait3A_223, %dma_wait3A_224] : memref<4x256x2048xf32, #tpu.memory_space<vmem>> -> memref<1x256x2048xf32, #tpu.memory_space<vmem>>
      %dma_wait3A_226 = tpu.memref_squeeze %dma_wait3A_225 : memref<1x256x2048xf32, #tpu.memory_space<vmem>> -> memref<256x2048xf32, #tpu.memory_space<vmem>>
      %dma_wait3A_227 = arith.constant 0 : i32
      %dma_wait3A_228 = tpu.memref_slice %arg0[%mul3A_218, %dma_wait3A_227] : memref<8192x2048xf32, #tpu.memory_space<hbm>> -> memref<256x2048xf32, #tpu.memory_space<hbm>>
      tpu.wait_dma2 semaphore(%dma_wait3A_222 : memref<!tpu.dma_semaphore, #tpu.memory_space<semaphore_mem>>) src(%dma_wait3A_228 : memref<256x2048xf32, #tpu.memory_space<hbm>>) dst(%dma_wait3A_226 : memref<256x2048xf32, #tpu.memory_space<vmem>>)
      %gt3A_229 = arith.constant 0 : i32
      %gt3A_230 = arith.cmpi sgt, %scan3A_90, %gt3A_229 : i32
      %convert_element_type3A_231 = arith.extui %gt3A_230 : i1 to i32
      %cond3A_232 = arith.constant 0 : i32
      %cond3A_233 = arith.cmpi ne, %convert_element_type3A_231, %cond3A_232 : i32
      scf.if %cond3A_233 {
        %sub3A = arith.constant 4 : i32
        %sub3A_345 = arith.subi %add3A_216, %sub3A : i32
        %mul3A_346 = arith.constant 256 : i32
        %mul3A_347 = arith.muli %sub3A_345, %mul3A_346 : i32
        %dma_wait3A_348 = arith.constant 2 : i32
        %dma_wait3A_349 = arith.constant 2 : i32
        %dma_wait3A_350 = tpu.memref_slice %arg5[%dma_wait3A_349] : memref<4x!tpu.dma_semaphore, #tpu.memory_space<semaphore_mem>> -> memref<1x!tpu.dma_semaphore, #tpu.memory_space<semaphore_mem>>
        %dma_wait3A_351 = tpu.memref_squeeze %dma_wait3A_350 : memref<1x!tpu.dma_semaphore, #tpu.memory_space<semaphore_mem>> -> memref<!tpu.dma_semaphore, #tpu.memory_space<semaphore_mem>>
        %dma_wait3A_352 = arith.constant 0 : i32
        %dma_wait3A_353 = tpu.memref_slice %arg1[%mul3A_347, %dma_wait3A_352] : memref<7168x2048xf32, #tpu.memory_space<hbm>> -> memref<256x2048xf32, #tpu.memory_space<hbm>>
        %dma_wait3A_354 = arith.constant 0 : i32
        %dma_wait3A_355 = arith.constant 0 : i32
        %dma_wait3A_356 = tpu.memref_slice %arg3[%dma_wait3A_348, %dma_wait3A_354, %dma_wait3A_355] : memref<4x256x2048xf32, #tpu.memory_space<vmem>> -> memref<1x256x2048xf32, #tpu.memory_space<vmem>>
        %dma_wait3A_357 = tpu.memref_squeeze %dma_wait3A_356 : memref<1x256x2048xf32, #tpu.memory_space<vmem>> -> memref<256x2048xf32, #tpu.memory_space<vmem>>
        tpu.wait_dma2 semaphore(%dma_wait3A_351 : memref<!tpu.dma_semaphore, #tpu.memory_space<semaphore_mem>>) src(%dma_wait3A_357 : memref<256x2048xf32, #tpu.memory_space<vmem>>) dst(%dma_wait3A_353 : memref<256x2048xf32, #tpu.memory_space<hbm>>)
      } else {
      }
      %get3A_234 = arith.constant 2 : index
      %get3A_235 = arith.constant 0 : index
      %get3A_236 = arith.constant 0 : index
      %get3A_237 = vector.load %arg2[%get3A_234, %get3A_235, %get3A_236] : memref<4x256x2048xf32, #tpu.memory_space<vmem>>, vector<1x256x2048xf32>
      %get3A_238 = vector.shape_cast %get3A_237 : vector<1x256x2048xf32> to vector<256x2048xf32>
      %mul3A_239 = arith.constant 5.000000e-01 : f32
      %mul3A_240 = vector.broadcast %mul3A_239 : f32 to vector<256x2048xf32>
      %mul3A_241 = arith.mulf %mul3A_240, %get3A_238 : vector<256x2048xf32>
      %integer_pow3A_242 = arith.mulf %get3A_238, %get3A_238 : vector<256x2048xf32>
      %integer_pow3A_243 = arith.mulf %get3A_238, %integer_pow3A_242 : vector<256x2048xf32>
      %mul3A_244 = arith.constant 4.471500e-02 : f32
      %mul3A_245 = vector.broadcast %mul3A_244 : f32 to vector<256x2048xf32>
      %mul3A_246 = arith.mulf %mul3A_245, %integer_pow3A_243 : vector<256x2048xf32>
      %add3A_247 = arith.addf %get3A_238, %mul3A_246 : vector<256x2048xf32>
      %mul3A_248 = arith.constant 0.797884583 : f32
      %mul3A_249 = vector.broadcast %mul3A_248 : f32 to vector<256x2048xf32>
      %mul3A_250 = arith.mulf %mul3A_249, %add3A_247 : vector<256x2048xf32>
      %tanh3A_251 = math.tanh %mul3A_250 : vector<256x2048xf32>
      %add3A_252 = arith.constant 1.000000e+00 : f32
      %add3A_253 = vector.broadcast %add3A_252 : f32 to vector<256x2048xf32>
      %add3A_254 = arith.addf %add3A_253, %tanh3A_251 : vector<256x2048xf32>
      %mul3A_255 = arith.mulf %mul3A_241, %add3A_254 : vector<256x2048xf32>
      %swap3A_256 = arith.constant 2 : index
      %swap3A_257 = arith.constant 0 : index
      %swap3A_258 = arith.constant 0 : index
      %swap3A_259 = vector.load %arg3[%swap3A_256, %swap3A_257, %swap3A_258] : memref<4x256x2048xf32, #tpu.memory_space<vmem>>, vector<1x256x2048xf32>
      %swap3A_260 = vector.shape_cast %swap3A_259 : vector<1x256x2048xf32> to vector<256x2048xf32>
      %swap3A_261 = vector.shape_cast %mul3A_255 : vector<256x2048xf32> to vector<1x256x2048xf32>
      tpu.vector_store %arg3[%swap3A_256, %swap3A_257, %swap3A_258], %swap3A_261 {strides = array<i32>} : memref<4x256x2048xf32, #tpu.memory_space<vmem>>, vector<1x256x2048xf32>,
      %mul3A_262 = arith.constant 256 : i32
      %mul3A_263 = arith.muli %add3A_216, %mul3A_262 : i32
      %dma_start3A_264 = arith.constant 2 : i32
      %dma_start3A_265 = arith.constant 2 : i32
      %dma_start3A_266 = tpu.memref_slice %arg5[%dma_start3A_265] : memref<4x!tpu.dma_semaphore, #tpu.memory_space<semaphore_mem>> -> memref<1x!tpu.dma_semaphore, #tpu.memory_space<semaphore_mem>>
      %dma_start3A_267 = tpu.memref_squeeze %dma_start3A_266 : memref<1x!tpu.dma_semaphore, #tpu.memory_space<semaphore_mem>> -> memref<!tpu.dma_semaphore, #tpu.memory_space<semaphore_mem>>
      %dma_start3A_268 = arith.constant 0 : i32
      %dma_start3A_269 = tpu.memref_slice %arg1[%mul3A_263, %dma_start3A_268] : memref<7168x2048xf32, #tpu.memory_space<hbm>> -> memref<256x2048xf32, #tpu.memory_space<hbm>>
      %dma_start3A_270 = arith.constant 0 : i32
      %dma_start3A_271 = arith.constant 0 : i32
      %dma_start3A_272 = tpu.memref_slice %arg3[%dma_start3A_264, %dma_start3A_270, %dma_start3A_271] : memref<4x256x2048xf32, #tpu.memory_space<vmem>> -> memref<1x256x2048xf32, #tpu.memory_space<vmem>>
      %dma_start3A_273 = tpu.memref_squeeze %dma_start3A_272 : memref<1x256x2048xf32, #tpu.memory_space<vmem>> -> memref<256x2048xf32, #tpu.memory_space<vmem>>
      tpu.enqueue_dma source(%dma_start3A_273 : memref<256x2048xf32, #tpu.memory_space<vmem>>) target(%dma_start3A_269 : memref<256x2048xf32, #tpu.memory_space<hbm>>) target_semaphore(%dma_start3A_267 : memref<!tpu.dma_semaphore, #tpu.memory_space<semaphore_mem>>)
      %lt3A_274 = arith.constant 6 : i32
      %lt3A_275 = arith.cmpi slt, %scan3A_90, %lt3A_274 : i32
      %convert_element_type3A_276 = arith.extui %lt3A_275 : i1 to i32
      %cond3A_277 = arith.constant 0 : i32
      %cond3A_278 = arith.cmpi ne, %convert_element_type3A_276, %cond3A_277 : i32
      scf.if %cond3A_278 {
        %add3A_345 = arith.constant 4 : i32
        %add3A_346 = arith.addi %add3A_216, %add3A_345 : i32
        %mul3A_347 = arith.constant 256 : i32
        %mul3A_348 = arith.muli %add3A_346, %mul3A_347 : i32
        %dma_start3A_349 = arith.constant 2 : i32
        %dma_start3A_350 = arith.constant 2 : i32
        %dma_start3A_351 = tpu.memref_slice %arg4[%dma_start3A_350] : memref<4x!tpu.dma_semaphore, #tpu.memory_space<semaphore_mem>> -> memref<1x!tpu.dma_semaphore, #tpu.memory_space<semaphore_mem>>
        %dma_start3A_352 = tpu.memref_squeeze %dma_start3A_351 : memref<1x!tpu.dma_semaphore, #tpu.memory_space<semaphore_mem>> -> memref<!tpu.dma_semaphore, #tpu.memory_space<semaphore_mem>>
        %dma_start3A_353 = arith.constant 0 : i32
        %dma_start3A_354 = arith.constant 0 : i32
        %dma_start3A_355 = tpu.memref_slice %arg2[%dma_start3A_349, %dma_start3A_353, %dma_start3A_354] : memref<4x256x2048xf32, #tpu.memory_space<vmem>> -> memref<1x256x2048xf32, #tpu.memory_space<vmem>>
        %dma_start3A_356 = tpu.memref_squeeze %dma_start3A_355 : memref<1x256x2048xf32, #tpu.memory_space<vmem>> -> memref<256x2048xf32, #tpu.memory_space<vmem>>
        %dma_start3A_357 = arith.constant 0 : i32
        %dma_start3A_358 = tpu.memref_slice %arg0[%mul3A_348, %dma_start3A_357] : memref<8192x2048xf32, #tpu.memory_space<hbm>> -> memref<256x2048xf32, #tpu.memory_space<hbm>>
        tpu.enqueue_dma source(%dma_start3A_358 : memref<256x2048xf32, #tpu.memory_space<hbm>>) target(%dma_start3A_356 : memref<256x2048xf32, #tpu.memory_space<vmem>>) target_semaphore(%dma_start3A_352 : memref<!tpu.dma_semaphore, #tpu.memory_space<semaphore_mem>>)
      } else {
      }
      %mul3A_279 = arith.constant 4 : i32
      %mul3A_280 = arith.muli %scan3A_90, %mul3A_279 : i32
      %add3A_281 = arith.constant 3 : i32
      %add3A_282 = arith.addi %mul3A_280, %add3A_281 : i32
      %mul3A_283 = arith.constant 256 : i32
      %mul3A_284 = arith.muli %add3A_282, %mul3A_283 : i32
      %dma_wait3A_285 = arith.constant 3 : i32
      %dma_wait3A_286 = arith.constant 3 : i32
      %dma_wait3A_287 = tpu.memref_slice %arg4[%dma_wait3A_286] : memref<4x!tpu.dma_semaphore, #tpu.memory_space<semaphore_mem>> -> memref<1x!tpu.dma_semaphore, #tpu.memory_space<semaphore_mem>>
      %dma_wait3A_288 = tpu.memref_squeeze %dma_wait3A_287 : memref<1x!tpu.dma_semaphore, #tpu.memory_space<semaphore_mem>> -> memref<!tpu.dma_semaphore, #tpu.memory_space<semaphore_mem>>
      %dma_wait3A_289 = arith.constant 0 : i32
      %dma_wait3A_290 = arith.constant 0 : i32
      %dma_wait3A_291 = tpu.memref_slice %arg2[%dma_wait3A_285, %dma_wait3A_289, %dma_wait3A_290] : memref<4x256x2048xf32, #tpu.memory_space<vmem>> -> memref<1x256x2048xf32, #tpu.memory_space<vmem>>
      %dma_wait3A_292 = tpu.memref_squeeze %dma_wait3A_291 : memref<1x256x2048xf32, #tpu.memory_space<vmem>> -> memref<256x2048xf32, #tpu.memory_space<vmem>>
      %dma_wait3A_293 = arith.constant 0 : i32
      %dma_wait3A_294 = tpu.memref_slice %arg0[%mul3A_284, %dma_wait3A_293] : memref<8192x2048xf32, #tpu.memory_space<hbm>> -> memref<256x2048xf32, #tpu.memory_space<hbm>>
      tpu.wait_dma2 semaphore(%dma_wait3A_288 : memref<!tpu.dma_semaphore, #tpu.memory_space<semaphore_mem>>) src(%dma_wait3A_294 : memref<256x2048xf32, #tpu.memory_space<hbm>>) dst(%dma_wait3A_292 : memref<256x2048xf32, #tpu.memory_space<vmem>>)
      %gt3A_295 = arith.constant 0 : i32
      %gt3A_296 = arith.cmpi sgt, %scan3A_90, %gt3A_295 : i32
      %convert_element_type3A_297 = arith.extui %gt3A_296 : i1 to i32
      %cond3A_298 = arith.constant 0 : i32
      %cond3A_299 = arith.cmpi ne, %convert_element_type3A_297, %cond3A_298 : i32
      scf.if %cond3A_299 {
        %sub3A = arith.constant 4 : i32
        %sub3A_345 = arith.subi %add3A_282, %sub3A : i32
        %mul3A_346 = arith.constant 256 : i32
        %mul3A_347 = arith.muli %sub3A_345, %mul3A_346 : i32
        %dma_wait3A_348 = arith.constant 3 : i32
        %dma_wait3A_349 = arith.constant 3 : i32
        %dma_wait3A_350 = tpu.memref_slice %arg5[%dma_wait3A_349] : memref<4x!tpu.dma_semaphore, #tpu.memory_space<semaphore_mem>> -> memref<1x!tpu.dma_semaphore, #tpu.memory_space<semaphore_mem>>
        %dma_wait3A_351 = tpu.memref_squeeze %dma_wait3A_350 : memref<1x!tpu.dma_semaphore, #tpu.memory_space<semaphore_mem>> -> memref<!tpu.dma_semaphore, #tpu.memory_space<semaphore_mem>>
        %dma_wait3A_352 = arith.constant 0 : i32
        %dma_wait3A_353 = tpu.memref_slice %arg1[%mul3A_347, %dma_wait3A_352] : memref<7168x2048xf32, #tpu.memory_space<hbm>> -> memref<256x2048xf32, #tpu.memory_space<hbm>>
        %dma_wait3A_354 = arith.constant 0 : i32
        %dma_wait3A_355 = arith.constant 0 : i32
        %dma_wait3A_356 = tpu.memref_slice %arg3[%dma_wait3A_348, %dma_wait3A_354, %dma_wait3A_355] : memref<4x256x2048xf32, #tpu.memory_space<vmem>> -> memref<1x256x2048xf32, #tpu.memory_space<vmem>>
        %dma_wait3A_357 = tpu.memref_squeeze %dma_wait3A_356 : memref<1x256x2048xf32, #tpu.memory_space<vmem>> -> memref<256x2048xf32, #tpu.memory_space<vmem>>
        tpu.wait_dma2 semaphore(%dma_wait3A_351 : memref<!tpu.dma_semaphore, #tpu.memory_space<semaphore_mem>>) src(%dma_wait3A_357 : memref<256x2048xf32, #tpu.memory_space<vmem>>) dst(%dma_wait3A_353 : memref<256x2048xf32, #tpu.memory_space<hbm>>)
      } else {
      }
      %get3A_300 = arith.constant 3 : index
      %get3A_301 = arith.constant 0 : index
      %get3A_302 = arith.constant 0 : index
      %get3A_303 = vector.load %arg2[%get3A_300, %get3A_301, %get3A_302] : memref<4x256x2048xf32, #tpu.memory_space<vmem>>, vector<1x256x2048xf32>
      %get3A_304 = vector.shape_cast %get3A_303 : vector<1x256x2048xf32> to vector<256x2048xf32>
      %mul3A_305 = arith.constant 5.000000e-01 : f32
      %mul3A_306 = vector.broadcast %mul3A_305 : f32 to vector<256x2048xf32>
      %mul3A_307 = arith.mulf %mul3A_306, %get3A_304 : vector<256x2048xf32>
      %integer_pow3A_308 = arith.mulf %get3A_304, %get3A_304 : vector<256x2048xf32>
      %integer_pow3A_309 = arith.mulf %get3A_304, %integer_pow3A_308 : vector<256x2048xf32>
      %mul3A_310 = arith.constant 4.471500e-02 : f32
      %mul3A_311 = vector.broadcast %mul3A_310 : f32 to vector<256x2048xf32>
      %mul3A_312 = arith.mulf %mul3A_311, %integer_pow3A_309 : vector<256x2048xf32>
      %add3A_313 = arith.addf %get3A_304, %mul3A_312 : vector<256x2048xf32>
      %mul3A_314 = arith.constant 0.797884583 : f32
      %mul3A_315 = vector.broadcast %mul3A_314 : f32 to vector<256x2048xf32>
      %mul3A_316 = arith.mulf %mul3A_315, %add3A_313 : vector<256x2048xf32>
      %tanh3A_317 = math.tanh %mul3A_316 : vector<256x2048xf32>
      %add3A_318 = arith.constant 1.000000e+00 : f32
      %add3A_319 = vector.broadcast %add3A_318 : f32 to vector<256x2048xf32>
      %add3A_320 = arith.addf %add3A_319, %tanh3A_317 : vector<256x2048xf32>
      %mul3A_321 = arith.mulf %mul3A_307, %add3A_320 : vector<256x2048xf32>
      %swap3A_322 = arith.constant 3 : index
      %swap3A_323 = arith.constant 0 : index
      %swap3A_324 = arith.constant 0 : index
      %swap3A_325 = vector.load %arg3[%swap3A_322, %swap3A_323, %swap3A_324] : memref<4x256x2048xf32, #tpu.memory_space<vmem>>, vector<1x256x2048xf32>
      %swap3A_326 = vector.shape_cast %swap3A_325 : vector<1x256x2048xf32> to vector<256x2048xf32>
      %swap3A_327 = vector.shape_cast %mul3A_321 : vector<256x2048xf32> to vector<1x256x2048xf32>
      tpu.vector_store %arg3[%swap3A_322, %swap3A_323, %swap3A_324], %swap3A_327 {strides = array<i32>} : memref<4x256x2048xf32, #tpu.memory_space<vmem>>, vector<1x256x2048xf32>,
      %mul3A_328 = arith.constant 256 : i32
      %mul3A_329 = arith.muli %add3A_282, %mul3A_328 : i32
      %dma_start3A_330 = arith.constant 3 : i32
      %dma_start3A_331 = arith.constant 3 : i32
      %dma_start3A_332 = tpu.memref_slice %arg5[%dma_start3A_331] : memref<4x!tpu.dma_semaphore, #tpu.memory_space<semaphore_mem>> -> memref<1x!tpu.dma_semaphore, #tpu.memory_space<semaphore_mem>>
      %dma_start3A_333 = tpu.memref_squeeze %dma_start3A_332 : memref<1x!tpu.dma_semaphore, #tpu.memory_space<semaphore_mem>> -> memref<!tpu.dma_semaphore, #tpu.memory_space<semaphore_mem>>
      %dma_start3A_334 = arith.constant 0 : i32
      %dma_start3A_335 = tpu.memref_slice %arg1[%mul3A_329, %dma_start3A_334] : memref<7168x2048xf32, #tpu.memory_space<hbm>> -> memref<256x2048xf32, #tpu.memory_space<hbm>>
      %dma_start3A_336 = arith.constant 0 : i32
      %dma_start3A_337 = arith.constant 0 : i32
      %dma_start3A_338 = tpu.memref_slice %arg3[%dma_start3A_330, %dma_start3A_336, %dma_start3A_337] : memref<4x256x2048xf32, #tpu.memory_space<vmem>> -> memref<1x256x2048xf32, #tpu.memory_space<vmem>>
      %dma_start3A_339 = tpu.memref_squeeze %dma_start3A_338 : memref<1x256x2048xf32, #tpu.memory_space<vmem>> -> memref<256x2048xf32, #tpu.memory_space<vmem>>
      tpu.enqueue_dma source(%dma_start3A_339 : memref<256x2048xf32, #tpu.memory_space<vmem>>) target(%dma_start3A_335 : memref<256x2048xf32, #tpu.memory_space<hbm>>) target_semaphore(%dma_start3A_333 : memref<!tpu.dma_semaphore, #tpu.memory_space<semaphore_mem>>)
      %lt3A_340 = arith.constant 6 : i32
      %lt3A_341 = arith.cmpi slt, %scan3A_90, %lt3A_340 : i32
      %convert_element_type3A_342 = arith.extui %lt3A_341 : i1 to i32
      %cond3A_343 = arith.constant 0 : i32
      %cond3A_344 = arith.cmpi ne, %convert_element_type3A_342, %cond3A_343 : i32
      scf.if %cond3A_344 {
        %add3A_345 = arith.constant 4 : i32
        %add3A_346 = arith.addi %add3A_282, %add3A_345 : i32
        %mul3A_347 = arith.constant 256 : i32
        %mul3A_348 = arith.muli %add3A_346, %mul3A_347 : i32
        %dma_start3A_349 = arith.constant 3 : i32
        %dma_start3A_350 = arith.constant 3 : i32
        %dma_start3A_351 = tpu.memref_slice %arg4[%dma_start3A_350] : memref<4x!tpu.dma_semaphore, #tpu.memory_space<semaphore_mem>> -> memref<1x!tpu.dma_semaphore, #tpu.memory_space<semaphore_mem>>
        %dma_start3A_352 = tpu.memref_squeeze %dma_start3A_351 : memref<1x!tpu.dma_semaphore, #tpu.memory_space<semaphore_mem>> -> memref<!tpu.dma_semaphore, #tpu.memory_space<semaphore_mem>>
        %dma_start3A_353 = arith.constant 0 : i32
        %dma_start3A_354 = arith.constant 0 : i32
        %dma_start3A_355 = tpu.memref_slice %arg2[%dma_start3A_349, %dma_start3A_353, %dma_start3A_354] : memref<4x256x2048xf32, #tpu.memory_space<vmem>> -> memref<1x256x2048xf32, #tpu.memory_space<vmem>>
        %dma_start3A_356 = tpu.memref_squeeze %dma_start3A_355 : memref<1x256x2048xf32, #tpu.memory_space<vmem>> -> memref<256x2048xf32, #tpu.memory_space<vmem>>
        %dma_start3A_357 = arith.constant 0 : i32
        %dma_start3A_358 = tpu.memref_slice %arg0[%mul3A_348, %dma_start3A_357] : memref<8192x2048xf32, #tpu.memory_space<hbm>> -> memref<256x2048xf32, #tpu.memory_space<hbm>>
        tpu.enqueue_dma source(%dma_start3A_358 : memref<256x2048xf32, #tpu.memory_space<hbm>>) target(%dma_start3A_356 : memref<256x2048xf32, #tpu.memory_space<vmem>>) target_semaphore(%dma_start3A_352 : memref<!tpu.dma_semaphore, #tpu.memory_space<semaphore_mem>>)
      } else {
      }
    }
    %scan3A_46 = arith.constant 7 : i32
    %dma_wait3A = arith.constant 0 : i32
    %dma_wait3A_47 = arith.constant 0 : i32
    %dma_wait3A_48 = tpu.memref_slice %arg5[%dma_wait3A_47] : memref<4x!tpu.dma_semaphore, #tpu.memory_space<semaphore_mem>> -> memref<1x!tpu.dma_semaphore, #tpu.memory_space<semaphore_mem>>
    %dma_wait3A_49 = tpu.memref_squeeze %dma_wait3A_48 : memref<1x!tpu.dma_semaphore, #tpu.memory_space<semaphore_mem>> -> memref<!tpu.dma_semaphore, #tpu.memory_space<semaphore_mem>>
    %dma_wait3A_50 = arith.constant 6144 : i32
    %dma_wait3A_51 = arith.constant 0 : i32
    %dma_wait3A_52 = tpu.memref_slice %arg1[%dma_wait3A_50, %dma_wait3A_51] : memref<7168x2048xf32, #tpu.memory_space<hbm>> -> memref<256x2048xf32, #tpu.memory_space<hbm>>
    %dma_wait3A_53 = arith.constant 0 : i32
    %dma_wait3A_54 = arith.constant 0 : i32
    %dma_wait3A_55 = tpu.memref_slice %arg3[%dma_wait3A, %dma_wait3A_53, %dma_wait3A_54] : memref<4x256x2048xf32, #tpu.memory_space<vmem>> -> memref<1x256x2048xf32, #tpu.memory_space<vmem>>
    %dma_wait3A_56 = tpu.memref_squeeze %dma_wait3A_55 : memref<1x256x2048xf32, #tpu.memory_space<vmem>> -> memref<256x2048xf32, #tpu.memory_space<vmem>>
    tpu.wait_dma2 semaphore(%dma_wait3A_49 : memref<!tpu.dma_semaphore, #tpu.memory_space<semaphore_mem>>) src(%dma_wait3A_56 : memref<256x2048xf32, #tpu.memory_space<vmem>>) dst(%dma_wait3A_52 : memref<256x2048xf32, #tpu.memory_space<hbm>>)
    %dma_wait3A_57 = arith.constant 1 : i32
    %dma_wait3A_58 = arith.constant 1 : i32
    %dma_wait3A_59 = tpu.memref_slice %arg5[%dma_wait3A_58] : memref<4x!tpu.dma_semaphore, #tpu.memory_space<semaphore_mem>> -> memref<1x!tpu.dma_semaphore, #tpu.memory_space<semaphore_mem>>
    %dma_wait3A_60 = tpu.memref_squeeze %dma_wait3A_59 : memref<1x!tpu.dma_semaphore, #tpu.memory_space<semaphore_mem>> -> memref<!tpu.dma_semaphore, #tpu.memory_space<semaphore_mem>>
    %dma_wait3A_61 = arith.constant 6400 : i32
    %dma_wait3A_62 = arith.constant 0 : i32
    %dma_wait3A_63 = tpu.memref_slice %arg1[%dma_wait3A_61, %dma_wait3A_62] : memref<7168x2048xf32, #tpu.memory_space<hbm>> -> memref<256x2048xf32, #tpu.memory_space<hbm>>
    %dma_wait3A_64 = arith.constant 0 : i32
    %dma_wait3A_65 = arith.constant 0 : i32
    %dma_wait3A_66 = tpu.memref_slice %arg3[%dma_wait3A_57, %dma_wait3A_64, %dma_wait3A_65] : memref<4x256x2048xf32, #tpu.memory_space<vmem>> -> memref<1x256x2048xf32, #tpu.memory_space<vmem>>
    %dma_wait3A_67 = tpu.memref_squeeze %dma_wait3A_66 : memref<1x256x2048xf32, #tpu.memory_space<vmem>> -> memref<256x2048xf32, #tpu.memory_space<vmem>>
    tpu.wait_dma2 semaphore(%dma_wait3A_60 : memref<!tpu.dma_semaphore, #tpu.memory_space<semaphore_mem>>) src(%dma_wait3A_67 : memref<256x2048xf32, #tpu.memory_space<vmem>>) dst(%dma_wait3A_63 : memref<256x2048xf32, #tpu.memory_space<hbm>>)
    %dma_wait3A_68 = arith.constant 2 : i32
    %dma_wait3A_69 = arith.constant 2 : i32
    %dma_wait3A_70 = tpu.memref_slice %arg5[%dma_wait3A_69] : memref<4x!tpu.dma_semaphore, #tpu.memory_space<semaphore_mem>> -> memref<1x!tpu.dma_semaphore, #tpu.memory_space<semaphore_mem>>
    %dma_wait3A_71 = tpu.memref_squeeze %dma_wait3A_70 : memref<1x!tpu.dma_semaphore, #tpu.memory_space<semaphore_mem>> -> memref<!tpu.dma_semaphore, #tpu.memory_space<semaphore_mem>>
    %dma_wait3A_72 = arith.constant 6656 : i32
    %dma_wait3A_73 = arith.constant 0 : i32
    %dma_wait3A_74 = tpu.memref_slice %arg1[%dma_wait3A_72, %dma_wait3A_73] : memref<7168x2048xf32, #tpu.memory_space<hbm>> -> memref<256x2048xf32, #tpu.memory_space<hbm>>
    %dma_wait3A_75 = arith.constant 0 : i32
    %dma_wait3A_76 = arith.constant 0 : i32
    %dma_wait3A_77 = tpu.memref_slice %arg3[%dma_wait3A_68, %dma_wait3A_75, %dma_wait3A_76] : memref<4x256x2048xf32, #tpu.memory_space<vmem>> -> memref<1x256x2048xf32, #tpu.memory_space<vmem>>
    %dma_wait3A_78 = tpu.memref_squeeze %dma_wait3A_77 : memref<1x256x2048xf32, #tpu.memory_space<vmem>> -> memref<256x2048xf32, #tpu.memory_space<vmem>>
    tpu.wait_dma2 semaphore(%dma_wait3A_71 : memref<!tpu.dma_semaphore, #tpu.memory_space<semaphore_mem>>) src(%dma_wait3A_78 : memref<256x2048xf32, #tpu.memory_space<vmem>>) dst(%dma_wait3A_74 : memref<256x2048xf32, #tpu.memory_space<hbm>>)
    %dma_wait3A_79 = arith.constant 3 : i32
    %dma_wait3A_80 = arith.constant 3 : i32
    %dma_wait3A_81 = tpu.memref_slice %arg5[%dma_wait3A_80] : memref<4x!tpu.dma_semaphore, #tpu.memory_space<semaphore_mem>> -> memref<1x!tpu.dma_semaphore, #tpu.memory_space<semaphore_mem>>
    %dma_wait3A_82 = tpu.memref_squeeze %dma_wait3A_81 : memref<1x!tpu.dma_semaphore, #tpu.memory_space<semaphore_mem>> -> memref<!tpu.dma_semaphore, #tpu.memory_space<semaphore_mem>>
    %dma_wait3A_83 = arith.constant 6912 : i32
    %dma_wait3A_84 = arith.constant 0 : i32
    %dma_wait3A_85 = tpu.memref_slice %arg1[%dma_wait3A_83, %dma_wait3A_84] : memref<7168x2048xf32, #tpu.memory_space<hbm>> -> memref<256x2048xf32, #tpu.memory_space<hbm>>
    %dma_wait3A_86 = arith.constant 0 : i32
    %dma_wait3A_87 = arith.constant 0 : i32
    %dma_wait3A_88 = tpu.memref_slice %arg3[%dma_wait3A_79, %dma_wait3A_86, %dma_wait3A_87] : memref<4x256x2048xf32, #tpu.memory_space<vmem>> -> memref<1x256x2048xf32, #tpu.memory_space<vmem>>
    %dma_wait3A_89 = tpu.memref_squeeze %dma_wait3A_88 : memref<1x256x2048xf32, #tpu.memory_space<vmem>> -> memref<256x2048xf32, #tpu.memory_space<vmem>>
    tpu.wait_dma2 semaphore(%dma_wait3A_82 : memref<!tpu.dma_semaphore, #tpu.memory_space<semaphore_mem>>) src(%dma_wait3A_89 : memref<256x2048xf32, #tpu.memory_space<vmem>>) dst(%dma_wait3A_85 : memref<256x2048xf32, #tpu.memory_space<hbm>>)
    return
  }
}

</mosaic_0001>

<sc_bundles>
// kernel: kernel.4.cloned.1.call-start
scs
__scs_entry_jumppad:
0x0: {  	(pc) =	sbr.rel $0x88, $3  }
0x1: {  	(tag) =	ssettag $0x0;
	lr =	simm.s32 $0x1  }
0x2: {  	[smem:$0x3FA0] =	sst lr;
	_ =	strace $0xD0000000  }
0x3: {  	_ = 	snop  }
0x4: {  	_ = 	snop  }
0x5: {  	_ = 	snop  }
0x6: {  	_ = 	snop  }
0x7: {  	_ = 	snop  }
__scs_overlays_trampoline_lowered:
0x8: {  	[smem:$0x3FAF] =	sst s0  }
0x9: {  	[smem:$0x3FB0] =	sst s1  }
0xa: {  	[smem:$0x3FB1] =	sst s2  }
0xb: {  	[smem:$0x3FB2] =	sst s3  }
0xc: {  	[smem:$0x3FB3] =	sst s4  }
0xd: {  	[smem:$0x3FB4] =	sst s5  }
0xe: {  	[smem:$0x3FB5] =	sst s6  }
0xf: {  	[smem:$0x3FB6] =	sst s7  }
0x10: {  	[smem:$0x3FB7] =	sst s8  }
0x11: {  	[smem:$0x3FB8] =	sst s9;
	s0 =	simm.s32 @!p0 $0x0  }
0x12: {  	s1 =	sld [smem:$0x3F9E];
	s0 =	simm.s32 @p0 $0x1  }
0x13: {  	[smem:$0x3FB9] =	sst s0;
	s0 =	simm.s32 @!p1 $0x0  }
0x14: {  	s2 =	sld [smem:$0x3F9D];
	s0 =	simm.s32 @p1 $0x1  }
0x15: {  	[smem:$0x3FBA] =	sst s0;
	s0 =	simm.s32 @!p2 $0x0  }
0x16: {  	s3 =	sld [smem:$0x3FDB];
	s0 =	simm.s32 @p2 $0x1  }
0x17: {  	s4 =	simm.s32 $0x1BF5;
	[smem:$0x3FBC] =	sst s0  }
0x18: {  	s0 =	sld [smem:$0x3F9F];
	_ =	swait.ge [sflag:s4], $0x0  }
0x19: {  	s7 =	sld [smem:$0x3FA0]  }
0x1a: {  	s8 =	sadd.s32 $0xFFFFE003, lr  }
0x1b: {  	s9 =	sadd.s32 $0xFFFFFEF7, lr;
	s5 =	simm.s32 $0xFFFFFFFF;
	p2 =	slt.u32 s8, $0xFFFFF086  }
0x1c: {  	p1 =	slt.u32 s9, $0xF7A;
	s5 =	simm.s32 @!p2 $0x0  }
0x1d: {  	s5 =	simm.s32 @p1 $0x1;
	p0 =	seq.s32 s7, s2  }
0x1e: {  	s7 =	smul.u32 @!p0 $0xF7A, s2;
	p2 =	seq.s32 @!p0 s5, $0x0  }
0x1f: {  	s9 =	smul.u32 $0xF7A, s1;
	s8 =	simm.s32 @!p0 $0x1BF5;
	p2 =	por !p2, p0  }
0x20: {  	[sflag:s8] =	ssyncset.s32 @!p0 $0xFFFFF086;
	s6 =	sadd.s32 @!p0 s3, s7;
	s7 =	simm.s32 @!p0 $0x108  }
0x21: {  	s3 =	sadd.s32 s3, s9;
	s6 =	sadd.s32 @!p0 $0x88, s6;
	s7 =	simm.s32 @p2 $0x1082  }
0x22: {  	[simem:s7], [sflag:s8] =	dma.local @!p0 [hbm:s6], $0xF7A  }
0x23: {  	s9 =	sor.u32 $0xD0000000, s2;
	s6 =	simm.s32 $0x108;
	_ =	swait.ge @!p0 [sflag:s8], $0x0  }
0x24: {  	s3 =	sadd.s32 $0x88, s3;
	s6 =	simm.s32 @!p1 $0x1082;
	[sflag:s4] =	ssyncset.s32 $0xFFFFF086  }
0x25: {  	[simem:s6], [sflag:s4] =	dma.local [hbm:s3], $0xF7A  }
0x26: {  	[smem:$0x3FA0] =	sst s1;
	(tag) =	ssettag s2;
	_ =	strace s9  }
0x27: {  	s1 =	sld [smem:$0x3FB0]  }
0x28: {  	s2 =	sld [smem:$0x3FB1]  }
0x29: {  	s4 =	sld [smem:$0x3FB3]  }
0x2a: {  	p0 =	seq.s32 s5, $0x0;
	s5 =	sld [smem:$0x3FB4]  }
0x2b: {  	s6 =	sld [smem:$0x3FB5]  }
0x2c: {  	s7 =	sld [smem:$0x3FB6]  }
0x2d: {  	s3 =	simm.s32 $0x108;
	s8 =	sld [smem:$0x3FB7]  }
0x2e: {  	s3 =	simm.s32 @!p0 $0x1082;
	s9 =	sld [smem:$0x3FB8]  }
0x2f: {  	lr =	sadd.s32 s0, s3;
	s0 =	sld [smem:$0x3FAF]  }
0x30: {  	s3 =	sld [smem:$0x3FB2]  }
0x31: {  	[smem:$0x3FBB] =	sst s10  }
0x32: {  	s10 =	sld [smem:$0x3FB9];
	_ =	sdelay $0x3  }
0x33: {  	p0 =	seq.s32 s10, $0x1;
	s10 =	sld [smem:$0x3FBB];
	_ =	sdelay $0x3  }
0x34: {  	[smem:$0x3FBB] =	sst s10  }
0x35: {  	s10 =	sld [smem:$0x3FBA];
	_ =	sdelay $0x3  }
0x36: {  	p1 =	seq.s32 s10, $0x1;
	s10 =	sld [smem:$0x3FBB];
	_ =	sdelay $0x3  }
0x37: {  	[smem:$0x3FBB] =	sst s10  }
0x38: {  	s10 =	sld [smem:$0x3FBC]  }
0x39: {  	_ = 	snop;
	(pc) =	sbr.ind lr, $3  }
0x3a: {  	_ = 	snop  }
0x3b: {  	_ = 	snop  }
0x3c: {  	p2 =	seq.s32 s10, $0x1;
	s10 =	sld [smem:$0x3FBB]  }
0x3d: {  	_ =	shalt  }
0x3e: {  	_ =	shalt  }
0x3f: {  	_ =	shalt  }
0x40: {  	_ =	shalt  }
0x41: {  	_ =	shalt  }
0x42: {  	_ =	shalt  }
0x43: {  	_ =	shalt  }
0x44: {  	_ =	shalt  }
0x45: {  	_ =	shalt  }
0x46: {  	_ =	shalt  }
0x47: {  	_ =	shalt  }
0x48: {  	_ =	shalt  }
0x49: {  	_ =	shalt  }
0x4a: {  	_ =	shalt  }
0x4b: {  	_ =	shalt  }
0x4c: {  	_ =	shalt  }
0x4d: {  	_ =	shalt  }
0x4e: {  	_ =	shalt  }
0x4f: {  	_ =	shalt  }
0x50: {  	_ =	shalt  }
0x51: {  	_ =	shalt  }
0x52: {  	_ =	shalt  }
0x53: {  	_ =	shalt  }
0x54: {  	_ =	shalt  }
0x55: {  	_ =	shalt  }
0x56: {  	_ =	shalt  }
0x57: {  	_ =	shalt  }
0x58: {  	_ =	shalt  }
0x59: {  	_ =	shalt  }
0x5a: {  	_ =	shalt  }
0x5b: {  	_ =	shalt  }
0x5c: {  	_ =	shalt  }
0x5d: {  	_ =	shalt  }
0x5e: {  	_ =	shalt  }
0x5f: {  	_ =	shalt  }
0x60: {  	_ =	shalt  }
0x61: {  	_ =	shalt  }
0x62: {  	_ =	shalt  }
0x63: {  	_ =	shalt  }
0x64: {  	_ =	shalt  }
0x65: {  	_ =	shalt  }
0x66: {  	_ =	shalt  }
0x67: {  	_ =	shalt  }
0x68: {  	_ =	shalt  }
0x69: {  	_ =	shalt  }
0x6a: {  	_ =	shalt  }
0x6b: {  	_ =	shalt  }
0x6c: {  	_ =	shalt  }
0x6d: {  	_ =	shalt  }
0x6e: {  	_ =	shalt  }
0x6f: {  	_ =	shalt  }
0x70: {  	_ =	shalt  }
0x71: {  	_ =	shalt  }
0x72: {  	_ =	shalt  }
0x73: {  	_ =	shalt  }
0x74: {  	_ =	shalt  }
0x75: {  	_ =	shalt  }
0x76: {  	_ =	shalt  }
0x77: {  	_ =	shalt  }
0x78: {  	_ =	shalt  }
0x79: {  	_ =	shalt  }
0x7a: {  	_ =	shalt  }
0x7b: {  	_ =	shalt  }
0x7c: {  	_ =	shalt  }
0x7d: {  	_ =	shalt  }
0x7e: {  	_ =	shalt  }
0x7f: {  	_ =	shalt  }
0x80: {  	_ =	shalt  }
0x81: {  	_ =	shalt  }
0x82: {  	_ =	shalt  }
0x83: {  	_ =	shalt  }
0x84: {  	_ =	shalt  }
0x85: {  	_ =	shalt  }
0x86: {  	_ =	shalt  }
0x87: {  	_ =	shalt  }
.Lfunc_end0:
.L_simem_size_0:
called_computation_lowered:
.L_overlay_start_0:
0x88: {  	s2 =	sld [smem:$0x3FD9]  }
0x89: {  	s3 =	sld [smem:$0x3FFE];
	_ =	sdelay $0x1  }
0x8a: {  	s1 =	srdreg.scid  }
0x8b: {  	s0 =	sand.u32 $0x1, s1  }
0x8c: {  	s17 =	sshll.u32 s0, $0xA;
	s2 =	sadd.s32 s3, s2  }
0x8d: {  	s2 =	sadd.s32 s2, s17  }
0x8e: {  	[smem:$0x3FC7] =	sst s2  }
0x8f: {  	_ = 	snop  }
0x90: {  	s2 =	sld [smem:$0x3FC9];
	(tm) =	ssettm $0x1  }
0x91: {  	s18 =	sld [smem:$0x3FFB];
	_ =	sdelay $0x3  }
0x92: {  	_ =	strace s18  }
0x93: {  	s3 =	sld [smem:$0x3FFC];
	_ =	sdelay $0x3  }
0x94: {  	_ =	strace s3  }
0x95: {  	s3 =	sld [smem:$0x3FFD];
	_ =	sdelay $0x3  }
0x96: {  	_ =	strace s3  }
0x97: {  	_ =	strace $0x8FFFFFFF  }
0x98: {  	s19 =	sld [smem:$0x3FDB];
	_ =	sdelay $0x1  }
0x99: {  	s4 =	simm.s32 $_scs_section_size  }
0x9a: {  	s5 =	simm.s32 $_size__tile_overlayer_lowered;
	s6 =	simm.s32 $_tile_overlayer_lowered  }
0x9b: {  	s22 =	simm.s32 $0x1BFF;
	s21 =	sshll.u32 s6, $0x1;
	s3 =	sadd.s32 s4, s19  }
0x9c: {  	s7 =	simm.s32 $0x0;
	s20 =	sshll.u32 s5, $0x1;
	s5 =	sadd.s32 s21, s3  }
0x9d: {  	[timem:s7], [sflag:s22] =	dma.local [hbm:s5], s20  }
0x9e: {  	_ =	swait.ge [sflag:s22], s20  }
0x9f: {  	s4 =	ssub.s32 $0x0, s20;
	[sflag:s22] =	ssyncset.done $0x0  }
0xa0: {  	[sflag:s22] =	ssyncadd.s32 s4;
	_ =	sdelay $0x1  }
0xa1: {  	s23 =	simm.s32 $0x1B8B  }
0xa2: {  	_ =	swait.ge [sflag:s23], $0x1  }
0xa3: {  	[sflag:s23] =	ssyncset.done $0x0  }
0xa4: {  	s25 =	simm.s32 $0x1B8E;
	s24 =	sld [smem:$0x3FFE];
	[sflag:s23] =	ssyncadd.s32 $0xFFFFFFFF  }
0xa5: {  	s26 =	simm.s32 $execute0_lowered;
	[smem:$0x3FD2] =	sst s25  }
0xa6: {  	s5 =	sshll.u32 s26, $0x1;
	_ =	strace $0x80000046;
	[dreg:$0x1] =	wrdreg $0xFFFFFFFF  }
0xa7: {  	s28 =	simm.s32 $_size_execute0_lowered;
	s3 =	sadd.s32 s3, s5;
	[dreg:$0x0] =	wrdreg $0x0  }
0xa8: {  	s5 =	sshll.u32 s28, $0x1;
	[dreg:$0x2] =	wrdreg s3  }
0xa9: {  	[dreg:$0x3] =	wrdreg s5  }
0xaa: {  	[dreg:$0x4] =	wrdreg $0xC0  }
0xab: {  	_ =	task [dreg:s7], $0x5FFFF  }
0xac: {  	[dreg:$0x1] =	wrdreg $0xFFFFFFFF  }
0xad: {  	[dreg:$0x0] =	wrdreg $0x60  }
0xae: {  	[dreg:$0x2] =	wrdreg s2  }
0xaf: {  	[dreg:$0x3] =	wrdreg s24  }
0xb0: {  	[dreg:$0x4] =	wrdreg $0x9  }
0xb1: {  	_ =	task.clear_ibuf [dreg:s7], $0x5FFFF;
	_ =	strace $0x90000046  }
0xb2: {  	s29 =	simm.s32 $0x9;
	_ =	strace $0x80000048  }
0xb3: {  	_ =	swait.ge [sflag:s29], $0x1  }
0xb4: {  	[sflag:s29] =	ssyncadd.s32 $0xFFFFFFFF  }
0xb5: {  	_ =	strace $0x90000048  }
0xb6: {  	_ =	sfence  }
0xb7: {  	s30 =	sld [smem:$0x0];
	_ =	sdelay $0x2  }
0xb8: {  	s31 =	sshll.u32 s1, $0xD;
	s1 =	sshrl.u32 s1, $0x2  }
0xb9: {  	s3 =	sand.u32 $0x4000, s31;
	s1 =	sadd.s32 s1, s30  }
0xba: {  	s0 =	sor.u32 s3, s0;
	s1 =	sshll.u32 s1, $0x11  }
0xbb: {  	s0 =	sor.u32 s1, s0  }
0xbc: {  	s0 =	sadd.s32 $0x8F2B, s0  }
0xbd: {  	[sflag:s0] =	ssyncadd.remote.s32 $0x1  }
0xbe: {  	_ =	sfence.sel $0xFFFF  }
0xbf: {  	[dreg:$0x0] =	wrdreg $0xFFFFFFFF;
	(pc) =	sbr.abs _section_cstart, $3  }
0xc0: {  	[dreg:$0x1] =	wrdreg $0xFFFFFFFF  }
0xc1: {  	_ =	task.clear_ibuf [dreg:s7], $0x2FFFF;
	_ =	strace $0x9FFFFFFF  }
0xc2: {  	(tm) =	ssettm $0x7FFFFFFF  }
0xc3: {  	_ =	shalt  }
tec
execute0_lowered:
.L_overlay_start_1:
0x0: {  	(tag) =	ssettag $0x1  }
0x1: {  	s1 =	rddreg [dreg:$0x0]  }
0x2: {  	s4 =	rddreg [dreg:$0x1]  }
0x3: {  	s3 =	srdreg.scid;
	s0 =	rddreg [dreg:$0x2];
	s2 =	simm.s32 $0x0  }
0x4: {  	s8 =	simm.s32 $0x4000;
	s9 =	simm.s32 $0x0;
	s5 =	sand.u32 $0x1, s3  }
0x5: {  	[smem:$0x7FF] =	sst s2;
	s3 =	stileid.u32;
	s6 =	ssub.s32 $0x2, s5  }
0x6: {  	s4 =	sadd.s32 $0x400, s4;
	_ =	strace $0x80000047;
	s7 =	sshrl.u32 s6, $0x1  }
0x7: {  	s31 =	sshll.u32 s3, $0x3;
	s5 =	sshll.u32 s5, $0x2;
	s6 =	ssub.s32 s6, s7  }
0x8: {  	s5 =	sor.u32 s5, s31;
	s7 =	simm.s32 $0x1;
	s6 =	smax.u32 s6, $0x1  }
.LBB2_1:
0x9: {  	s10 =	simm.s32 $0x0  }
.LBB2_2:
0xa: {  	s11 =	sadd.s32 s5, s10  }
0xb: {  	s11 =	sshll.u32 s11, $0xB  }
0xc: {  	s11 =	sadd.s32 $0x1C0000, s11  }
0xd: {  	s12 =	simm.s32 $0x0;
	s13 =	sadd.s32 s1, s11  }
0xe: {  	[tilespmem:s12], [sflag:$0x1] =	stream.linear.gather [hbm4b:s13+s12], $0x4000, $0x38;
	[tilespmem:$0x8000] =	vst v63  }
0xf: {  	_ =	swait.ge [sflag:s7], $0x4000  }
0x10: {  	[sflag:s7] =	ssyncset.done $0x0  }
0x11: {  	[sflag:s7] =	ssyncadd.s32 $0xFFFFC000  }
.LBB2_3:
0x12: {  	s13 =	sshll.u32 s12, $0x8  }
0x13: {  	v35 =	vld [tilespmem:s13+$0x0]  }
0x14: {  	v37 =	vld [tilespmem:s13+$0x10]  }
0x15: {  	v47 =	vld [tilespmem:s13+$0x20]  }
0x16: {  	v56 =	vld [tilespmem:s13+$0x30]  }
0x17: {  	v46 =	vld [tilespmem:s13+$0x40]  }
0x18: {  	v55 =	vld [tilespmem:s13+$0x50]  }
0x19: {  	v45 =	vld [tilespmem:s13+$0x60]  }
0x1a: {  	v48 =	vld [tilespmem:s13+$0x70];
	s14 =	sor.u32 $0x400, s13  }
0x1b: {  	s26 =	sor.u32 $0x410, s13;
	v38 =	vld [tilespmem:s14+$0x0]  }
0x1c: {  	s28 =	sor.u32 $0x420, s13;
	v49 =	vld [tilespmem:s26+$0x0]  }
0x1d: {  	s29 =	sor.u32 $0x430, s13;
	v40 =	vld [tilespmem:s28+$0x0]  }
0x1e: {  	s30 =	sor.u32 $0x440, s13;
	v50 =	vld [tilespmem:s29+$0x0]  }
0x1f: {  	s31 =	sor.u32 $0x450, s13;
	v41 =	vld [tilespmem:s30+$0x0]  }
0x20: {  	s15 =	sor.u32 $0x460, s13;
	v51 =	vld [tilespmem:s31+$0x0]  }
0x21: {  	s16 =	sor.u32 $0x470, s13;
	v42 =	vld [tilespmem:s15+$0x0]  }
0x22: {  	s17 =	sor.u32 $0x800, s13;
	v52 =	vld [tilespmem:s16+$0x0]  }
0x23: {  	s18 =	sor.u32 $0x810, s13;
	v43 =	vld [tilespmem:s17+$0x0]  }
0x24: {  	s19 =	sor.u32 $0x820, s13;
	v53 =	vld [tilespmem:s18+$0x0];
	v0 =	vmul.f32 v35, v35;
	v1 =	vmul.f32 v37, v37  }
0x25: {  	s20 =	sor.u32 $0x830, s13;
	v44 =	vld [tilespmem:s19+$0x0];
	v2 =	vmul.f32 v47, v47;
	v3 =	vmul.f32 v56, v56  }
0x26: {  	s21 =	sor.u32 $0x840, s13;
	v54 =	vld [tilespmem:s20+$0x0];
	v4 =	vmul.f32 v46, v46;
	v5 =	vmul.f32 v55, v55  }
0x27: {  	s22 =	sor.u32 $0x850, s13;
	v58 =	vld [tilespmem:s21+$0x0];
	v6 =	vmul.f32 v45, v45;
	v7 =	vmul.f32 v48, v48  }
0x28: {  	s23 =	sor.u32 $0x860, s13;
	v57 =	vld [tilespmem:s22+$0x0];
	v8 =	vmul.f32 v38, v38;
	v9 =	vmul.f32 v49, v49  }
0x29: {  	s24 =	sor.u32 $0x870, s13;
	v59 =	vld [tilespmem:s23+$0x0];
	v10 =	vmul.f32 v40, v40;
	v11 =	vmul.f32 v50, v50  }
0x2a: {  	s25 =	sor.u32 $0xC00, s13;
	v61 =	vld [tilespmem:s24+$0x0];
	v12 =	vmul.f32 v41, v41;
	v13 =	vmul.f32 v51, v51  }
0x2b: {  	v60 =	vld [tilespmem:s25+$0x0];
	s26 =	sor.u32 $0xC10, s13;
	v14 =	vmul.f32 v42, v42;
	v15 =	vmul.f32 v52, v52  }
0x2c: {  	v62 =	vld [tilespmem:s26+$0x0];
	v16 =	vmul.f32 v43, v43;
	v17 =	vmul.f32 v53, v53  }
0x2d: {  	s28 =	sor.u32 $0xC20, s13;
	v18 =	vmul.f32 v44, v44;
	v19 =	vmul.f32 v54, v54  }
0x2e: {  	v63 =	vld [tilespmem:s28+$0x0];
	v20 =	vmul.f32 v58, v58;
	v21 =	vmul.f32 v57, v57  }
0x2f: {  	v22 =	vmul.f32 v59, v59;
	v23 =	vmul.f32 v61, v61  }
0x30: {  	v24 =	vmul.f32 v60, v60;
	v0 =	vmul.f32 $7.135481390e-02, v0  }
0x31: {  	v1 =	vmul.f32 $7.135481390e-02, v1;
	v25 =	vmul.f32 v62, v62  }
0x32: {  	s29 =	sor.u32 $0xC30, s13;
	v2 =	vmul.f32 $7.135481390e-02, v2;
	v3 =	vmul.f32 $7.135481390e-02, v3  }
0x33: {  	v28 =	vld [tilespmem:s29+$0x0];
	v26 =	vmul.f32 v63, v63;
	v0 =	vsub.f32 $-1.595769170e+00, v0;
	v1 =	vsub.f32 $-1.595769170e+00, v1  }
0x34: {  	s31 =	sor.u32 $0xC50, s13;
	v4 =	vmul.f32 $7.135481390e-02, v4;
	v2 =	vsub.f32 $-1.595769170e+00, v2;
	v3 =	vsub.f32 $-1.595769170e+00, v3  }
0x35: {  	v30 =	vld [tilespmem:s31+$0x0];
	v0 =	vmul.f32 v0, v35;
	v1 =	vmul.f32 v1, v37  }
0x36: {  	v2 =	vmul.f32 v2, v47;
	v3 =	vmul.f32 v3, v56  }
0x37: {  	s16 =	sor.u32 $0xC70, s13;
	[tilespmem:$0x1E410] =	vst v47;
	v47 =	vmul.f32 $7.135481390e-02, v5;
	v0 =	vmul.f32 $1.442695020e+00, v0  }
0x38: {  	s20 =	sor.u32 $0x1030, s13;
	v32 =	vld [tilespmem:s16+$0x0];
	v27 =	vmul.f32 $1.442695020e+00, v1;
	v1 =	vmul.f32 v28, v28  }
0x39: {  	v36 =	vld [tilespmem:s20+$0x0];
	[tilespmem:$0x1E430] =	vst v56;
	v39 =	vsub.f32 $-1.595769170e+00, v4;
	v2 =	vmul.f32 $1.442695020e+00, v2;
	v56 =	vmul.f32 $1.442695020e+00, v3  }
0x3a: {  	s30 =	sor.u32 $0xC40, s13;
	v3 =	vmul.f32 v30, v30;
	v4 =	vsub.f32 $-1.595769170e+00, v47;
	v47 =	vmul.f32 $7.135481390e-02, v8  }
0x3b: {  	v29 =	vld [tilespmem:s30+$0x0];
	(erf) = vpow2.f32 v0;
	v0 =	vmul.f32 v39, v46  }
0x3c: {  	s15 =	sor.u32 $0xC60, s13;
	[tilespmem:$0x1E450] =	vst v46;
	v39 =	vmul.f32 $7.135481390e-02, v6;
	v46 =	vmul.f32 $7.135481390e-02, v7  }
0x3d: {  	v31 =	vld [tilespmem:s15+$0x0];
	v4 =	vmul.f32 v4, v55;
	v7 =	vmul.f32 v32, v32  }
0x3e: {  	[tilespmem:$0x1E470] =	vst v55;
	v55 =	vmul.f32 $7.135481390e-02, v9;
	v9 =	vmul.f32 v36, v36  }
0x3f: {  	v1 =	vmul.f32 $7.135481390e-02, v1;
	v3 =	vmul.f32 $7.135481390e-02, v3  }
0x40: {  	(erf) = vpow2.f32 v27;
	v27 =	vmul.f32 v29, v29  }
0x41: {  	(erf) = vpow2.f32 v2;
	v0 =	vmul.f32 $1.442695020e+00, v0  }
0x42: {  	v2 =	vmul.f32 v31, v31;
	v6 =	vsub.f32 $-1.595769170e+00, v46;
	v4 =	vmul.f32 $1.442695020e+00, v4  }
0x43: {  	v8 =	vsub.f32 $-1.595769170e+00, v55;
	v46 =	vmul.f32 $7.135481390e-02, v20;
	v55 =	vmul.f32 $7.135481390e-02, v24  }
0x44: {  	v5 =	vsub.f32 $-1.595769170e+00, v39;
	v7 =	vmul.f32 $7.135481390e-02, v7;
	(erf) = vpow2.f32 v56  }
0x45: {  	s19 =	sor.u32 $0x1020, s13;
	v9 =	vmul.f32 $7.135481390e-02, v9;
	(erf) = vpow2.f32 v0  }
0x46: {  	s17 =	sor.u32 $0x1000, s13;
	[tilespmem:$0x1E3E0] =	vst v35;
	v35 =	vld [tilespmem:s19+$0x0];
	v1 =	vsub.f32 $-1.595769170e+00, v1;
	v5 =	vmul.f32 v5, v45;
	v6 =	vmul.f32 v6, v48  }
0x47: {  	v33 =	vld [tilespmem:s17+$0x0];
	[tilespmem:$0x1E490] =	vst v45;
	v3 =	vsub.f32 $-1.595769170e+00, v3;
	v8 =	vmul.f32 v8, v49;
	v45 =	vmul.f32 $7.135481390e-02, v19  }
0x48: {  	s18 =	sor.u32 $0x1010, s13;
	[tilespmem:$0x1E4B0] =	vst v48;
	v0 =	vsub.f32 $-1.595769170e+00, v47;
	v47 =	vmul.f32 $7.135481390e-02, v21;
	v48 =	vmul.f32 $7.135481390e-02, v22  }
0x49: {  	v34 =	vld [tilespmem:s18+$0x0];
	[tilespmem:$0x1E4F0] =	vst v49;
	v49 =	vmul.f32 $7.135481390e-02, v23;
	v2 =	vmul.f32 $7.135481390e-02, v2  }
0x4a: {  	v1 =	vmul.f32 v1, v28;
	v3 =	vmul.f32 v3, v30  }
0x4b: {  	(erf) = vpow2.f32 v4;
	v4 =	vmul.f32 v35, v35  }
0x4c: {  	v19 =	vsub.f32 $-1.595769170e+00, v46;
	v56 =	vmul.f32 $1.442695020e+00, v5;
	v5 =	vmul.f32 v33, v33  }
0x4d: {  	v23 =	vsub.f32 $-1.595769170e+00, v55;
	v0 =	vmul.f32 v0, v38;
	v39 =	vmul.f32 $1.442695020e+00, v6  }
0x4e: {  	v7 =	vsub.f32 $-1.595769170e+00, v7;
	v6 =	vmul.f32 v34, v34;
	v8 =	vmul.f32 $1.442695020e+00, v8  }
0x4f: {  	[tilespmem:$0x1E4D0] =	vst v38;
	v38 =	vmul.f32 $7.135481390e-02, v26;
	v19 =	vmul.f32 v19, v58  }
0x50: {  	v23 =	vmul.f32 v23, v60;
	v7 =	vmul.f32 v7, v32  }
0x51: {  	v20 =	vsub.f32 $-1.595769170e+00, v47;
	v1 =	vmul.f32 $1.442695020e+00, v1;
	v4 =	vmul.f32 $7.135481390e-02, v4  }
0x52: {  	v21 =	vsub.f32 $-1.595769170e+00, v48;
	(erf) = vpow2.f32 v56;
	v0 =	vmul.f32 $1.442695020e+00, v0  }
0x53: {  	s21 =	sor.u32 $0x1040, s13;
	v22 =	vsub.f32 $-1.595769170e+00, v49;
	v56 =	vmul.f32 $7.135481390e-02, v25;
	v5 =	vmul.f32 $7.135481390e-02, v5  }
0x54: {  	[tilespmem:$0x1E3F0] =	vst v37;
	v37 =	vld [tilespmem:s21+$0x0];
	v2 =	vsub.f32 $-1.595769170e+00, v2;
	v6 =	vmul.f32 $7.135481390e-02, v6;
	v20 =	vmul.f32 v20, v57  }
0x55: {  	[tilespmem:$0x1E510] =	vst v40;
	v21 =	vmul.f32 v21, v59;
	v22 =	vmul.f32 v22, v61  }
0x56: {  	[tilespmem:$0x1E690] =	vst v59;
	v2 =	vmul.f32 v2, v31;
	v59 =	vmul.f32 $1.442695020e+00, v19  }
0x57: {  	[tilespmem:$0x1E530] =	vst v50;
	v25 =	vsub.f32 $-1.595769170e+00, v38;
	(erf) = vpow2.f32 v39;
	v39 =	vmul.f32 $7.135481390e-02, v27  }
0x58: {  	[tilespmem:$0x1E550] =	vst v41;
	v27 =	vmul.f32 $1.442695020e+00, v7;
	(erf) = vpow2.f32 v0  }
0x59: {  	[tilespmem:$0x1E6B0] =	vst v61;
	v0 =	vmul.f32 v37, v37;
	v25 =	vmul.f32 v25, v63  }
0x5a: {  	[tilespmem:$0x1E710] =	vst v63;
	v61 =	vmul.f32 $1.442695020e+00, v20;
	v63 =	vmul.f32 $1.442695020e+00, v21  }
0x5b: {  	[tilespmem:$0x1E570] =	vst v51;
	v2 =	vmul.f32 $1.442695020e+00, v2;
	(erf) = vpow2.f32 v8  }
0x5c: {  	[tilespmem:$0x1E590] =	vst v42;
	v8 =	vmul.f32 $7.135481390e-02, v10;
	v10 =	vmul.f32 $7.135481390e-02, v11  }
0x5d: {  	[tilespmem:$0x1E5B0] =	vst v52;
	v24 =	vsub.f32 $-1.595769170e+00, v56;
	v11 =	vmul.f32 $7.135481390e-02, v12;
	v12 =	vmul.f32 $7.135481390e-02, v13  }
0x5e: {  	[tilespmem:$0x1E5D0] =	vst v43;
	v5 =	vsub.f32 $-1.595769170e+00, v5;
	v13 =	vmul.f32 $7.135481390e-02, v14;
	v14 =	vmul.f32 $7.135481390e-02, v15  }
0x5f: {  	[tilespmem:$0x1E5F0] =	vst v53;
	v6 =	vsub.f32 $-1.595769170e+00, v6;
	v15 =	vmul.f32 $7.135481390e-02, v16;
	v16 =	vmul.f32 $7.135481390e-02, v17  }
0x60: {  	[tilespmem:$0x1E610] =	vst v44;
	v17 =	vmul.f32 $7.135481390e-02, v18;
	v18 =	vsub.f32 $-1.595769170e+00, v45;
	v24 =	vmul.f32 v24, v62  }
0x61: {  	[tilespmem:$0x1E630] =	vst v54;
	v26 =	vsub.f32 $-1.595769170e+00, v39;
	v5 =	vmul.f32 v5, v33;
	v6 =	vmul.f32 v6, v34  }
0x62: {  	[tilespmem:$0x1E650] =	vst v58;
	v19 =	vmul.f32 $1.442695020e+00, v25;
	v8 =	vsub.f32 $-1.595769170e+00, v8;
	v10 =	vsub.f32 $-1.595769170e+00, v10  }
0x63: {  	[tilespmem:$0x1E670] =	vst v57;
	v0 =	vmul.f32 $7.135481390e-02, v0;
	v11 =	vsub.f32 $-1.595769170e+00, v11;
	v12 =	vsub.f32 $-1.595769170e+00, v12  }
0x64: {  	[tilespmem:$0x1E790] =	vst v31;
	v13 =	vsub.f32 $-1.595769170e+00, v13;
	v18 =	vmul.f32 v18, v54;
	v26 =	vmul.f32 v26, v29  }
0x65: {  	s22 =	sor.u32 $0x1050, s13;
	[tilespmem:$0x1E7D0] =	vst v33;
	v14 =	vsub.f32 $-1.595769170e+00, v14;
	v31 =	vmul.f32 $1.442695020e+00, v5;
	v33 =	vmul.f32 $1.442695020e+00, v6  }
0x66: {  	[tilespmem:$0x1E730] =	vst v28;
	v28 =	vld [tilespmem:s22+$0x0];
	v15 =	vsub.f32 $-1.595769170e+00, v15;
	v8 =	vmul.f32 v8, v40;
	v10 =	vmul.f32 v10, v50  }
0x67: {  	[tilespmem:$0x1E6D0] =	vst v60;
	v16 =	vsub.f32 $-1.595769170e+00, v16;
	v11 =	vmul.f32 v11, v41;
	v12 =	vmul.f32 v12, v51  }
0x68: {  	[tilespmem:$0x1E6F0] =	vst v62;
	v17 =	vsub.f32 $-1.595769170e+00, v17;
	v13 =	vmul.f32 v13, v42;
	v14 =	vmul.f32 v14, v52  }
0x69: {  	[tilespmem:$0x1E750] =	vst v29;
	v0 =	vsub.f32 $-1.595769170e+00, v0;
	v15 =	vmul.f32 v15, v43;
	v16 =	vmul.f32 v16, v53  }
0x6a: {  	[tilespmem:$0x1E770] =	vst v30;
	v17 =	vmul.f32 v17, v44;
	v57 =	vmul.f32 $1.442695020e+00, v18  }
0x6b: {  	s29 =	sor.u32 $0x1430, s13;
	[tilespmem:$0x1E7B0] =	vst v32;
	v40 =	vmul.f32 v28, v28;
	v0 =	vmul.f32 v0, v37  }
0x6c: {  	[tilespmem:$0x1E7F0] =	vst v34;
	v38 =	vsub.f32 $-1.595769170e+00, v9;
	v9 =	vld [tilespmem:s29+$0x0];
	v8 =	vmul.f32 $1.442695020e+00, v8;
	v10 =	vmul.f32 $1.442695020e+00, v10  }
0x6d: {  	[tilespmem:$0x1E830] =	vst v36;
	v43 =	vmul.f32 $1.442695020e+00, v11;
	v45 =	vmul.f32 $1.442695020e+00, v12  }
0x6e: {  	[tilespmem:$0x1E810] =	vst v35;
	v47 =	vmul.f32 $1.442695020e+00, v13;
	v49 =	vmul.f32 $1.442695020e+00, v14  }
0x6f: {  	[tilespmem:$0x1E850] =	vst v37;
	v51 =	vmul.f32 $1.442695020e+00, v15;
	v53 =	vmul.f32 $1.442695020e+00, v16  }
0x70: {  	[tilespmem:$0x1E870] =	vst v28;
	v55 =	vmul.f32 $1.442695020e+00, v17;
	v13 =	vmul.f32 $1.442695020e+00, v22  }
0x71: {  	s24 =	sor.u32 $0x1070, s13;
	[tilespmem:$0x1E930] =	vst v9;
	v44 =	vpop (erf);
	v15 =	vmul.f32 $1.442695020e+00, v23;
	(erf) = vpow2.f32 v8  }
0x72: {  	v29 =	vsub.f32 $-1.595769170e+00, v4;
	v42 =	vld [tilespmem:s24+$0x0];
	[tilespmem:$0x1DBB0] =	vst v44;
	v46 =	vpop (erf);
	v17 =	vmul.f32 $1.442695020e+00, v24;
	(erf) = vpow2.f32 v10  }
0x73: {  	s23 =	sor.u32 $0x1060, s13;
	[tilespmem:$0x1DBC0] =	vst v46;
	v48 =	vpop (erf);
	v24 =	vmul.f32 $1.442695020e+00, v3;
	(erf) = vpow2.f32 v43  }
0x74: {  	v3 =	vmul.f32 v29, v35;
	v35 =	vld [tilespmem:s23+$0x0];
	[tilespmem:$0x1DBD0] =	vst v48;
	v50 =	vpop (erf);
	(erf) = vpow2.f32 v45  }
0x75: {  	v22 =	vmul.f32 $1.442695020e+00, v26;
	[tilespmem:$0x1DBE0] =	vst v50;
	v52 =	vpop (erf);
	(erf) = vpow2.f32 v47  }
0x76: {  	v0 =	vmul.f32 $1.442695020e+00, v0;
	[tilespmem:$0x1DBF0] =	vst v52;
	(erf) = vpow2.f32 v49  }
0x77: {  	s25 =	sor.u32 $0x1400, s13;
	v39 =	vmul.f32 $1.442695020e+00, v3;
	v54 =	vpop (erf);
	[tilespmem:$0x1E8B0] =	vst v42;
	(erf) = vpow2.f32 v51  }
0x78: {  	s26 =	sor.u32 $0x1410, s13;
	[tilespmem:$0x1DC00] =	vst v54;
	v56 =	vpop (erf);
	v43 =	vmul.f32 $7.135481390e-02, v40;
	v47 =	vld [tilespmem:s25+$0x0];
	(erf) = vpow2.f32 v53  }
0x79: {  	[tilespmem:$0x1DC10] =	vst v56;
	v58 =	vpop (erf);
	v44 =	vmul.f32 v35, v35;
	v53 =	vld [tilespmem:s26+$0x0];
	(erf) = vpow2.f32 v55  }
0x7a: {  	[tilespmem:$0x1E890] =	vst v35;
	v60 =	vpop (erf);
	v49 =	vmul.f32 v42, v42;
	(erf) = vpow2.f32 v57  }
0x7b: {  	s28 =	sor.u32 $0x1420, s13;
	[tilespmem:$0x1DC20] =	vst v58;
	v62 =	vpop (erf);
	v48 =	vmul.f32 $7.135481390e-02, v44;
	(erf) = vpow2.f32 v59  }
0x7c: {  	[tilespmem:$0x1DC30] =	vst v60;
	v54 =	vmul.f32 $7.135481390e-02, v49;
	v12 =	vpop (erf);
	v59 =	vld [tilespmem:s28+$0x0];
	(erf) = vpow2.f32 v61  }
0x7d: {  	[tilespmem:$0x1DC40] =	vst v62;
	v56 =	vmul.f32 v47, v47;
	v14 =	vpop (erf);
	(erf) = vpow2.f32 v63  }
0x7e: {  	[tilespmem:$0x1E8D0] =	vst v47;
	v16 =	vpop (erf);
	v61 =	vmul.f32 v53, v53;
	(erf) = vpow2.f32 v13  }
0x7f: {  	[tilespmem:$0x1DC50] =	vst v12;
	v60 =	vmul.f32 $7.135481390e-02, v56;
	v18 =	vpop (erf);
	(erf) = vpow2.f32 v15  }
0x80: {  	[tilespmem:$0x1DC60] =	vst v14;
	v20 =	vpop (erf);
	v10 =	vmul.f32 $7.135481390e-02, v61;
	(erf) = vpow2.f32 v17  }
0x81: {  	s31 =	sor.u32 $0x1450, s13;
	[tilespmem:$0x1DC70] =	vst v16;
	v21 =	vpop (erf);
	v12 =	vmul.f32 v59, v59;
	(erf) = vpow2.f32 v19  }
0x82: {  	s30 =	sor.u32 $0x1440, s13;
	[tilespmem:$0x1DCA0] =	vst v21;
	v23 =	vpop (erf);
	v17 =	vmul.f32 v9, v9;
	v21 =	vld [tilespmem:s31+$0x0];
	(erf) = vpow2.f32 v1  }
0x83: {  	[tilespmem:$0x1E8F0] =	vst v53;
	v15 =	vld [tilespmem:s30+$0x0];
	v25 =	vpop (erf);
	v1 =	vmul.f32 v38, v36;
	(erf) = vpow2.f32 v22  }
0x84: {  	[tilespmem:$0x1DC80] =	vst v18;
	v26 =	vpop (erf);
	v16 =	vmul.f32 $7.135481390e-02, v12;
	(erf) = vpow2.f32 v24  }
0x85: {  	[tilespmem:$0x1DC90] =	vst v20;
	v30 =	vpop (erf);
	v22 =	vmul.f32 $7.135481390e-02, v17;
	(erf) = vpow2.f32 v2  }
0x86: {  	s15 =	sor.u32 $0x1460, s13;
	[tilespmem:$0x1E910] =	vst v59;
	v32 =	vpop (erf);
	v1 =	vmul.f32 $1.442695020e+00, v1;
	(erf) = vpow2.f32 v27  }
0x87: {  	[tilespmem:$0x1DCB0] =	vst v23;
	v34 =	vpop (erf);
	v29 =	vmul.f32 v21, v21;
	v27 =	vld [tilespmem:s15+$0x0];
	(erf) = vpow2.f32 v31  }
0x88: {  	s16 =	sor.u32 $0x1470, s13;
	v46 =	vsub.f32 $-1.595769170e+00, v43;
	[tilespmem:$0x1DCC0] =	vst v25;
	v24 =	vmul.f32 v15, v15;
	v41 =	vpop (erf);
	(erf) = vpow2.f32 v33  }
0x89: {  	s18 =	sor.u32 $0x1810, s13;
	v52 =	vsub.f32 $-1.595769170e+00, v48;
	[tilespmem:$0x1DD00] =	vst v34;
	v45 =	vpop (erf);
	v34 =	vmul.f32 $7.135481390e-02, v29;
	v33 =	vld [tilespmem:s16+$0x0];
	(erf) = vpow2.f32 v39  }
0x8a: {  	s17 =	sor.u32 $0x1800, s13;
	[tilespmem:$0x1DD20] =	vst v45;
	v45 =	vld [tilespmem:s18+$0x0];
	(erf) = vpow2.f32 v1;
	v1 =	vmul.f32 v46, v28  }
0x8b: {  	s19 =	sor.u32 $0x1820, s13;
	[tilespmem:$0x1DCD0] =	vst v26;
	v51 =	vpop (erf);
	v39 =	vld [tilespmem:s17+$0x0];
	(erf) = vpow2.f32 v0;
	v0 =	vmul.f32 v52, v35  }
0x8c: {  	[tilespmem:$0x1DD30] =	vst v51;
	v51 =	vld [tilespmem:s19+$0x0];
	v28 =	vmul.f32 $7.135481390e-02, v24;
	v36 =	vmul.f32 v27, v27  }
0x8d: {  	[tilespmem:$0x1DCE0] =	vst v30;
	v1 =	vmul.f32 $1.442695020e+00, v1;
	v0 =	vmul.f32 $1.442695020e+00, v0  }
0x8e: {  	v50 =	vmovc v42;
	v58 =	vsub.f32 $-1.595769170e+00, v54;
	[tilespmem:$0x1DD10] =	vst v41;
	v40 =	vmul.f32 $7.135481390e-02, v36;
	v41 =	vmul.f32 v33, v33  }
0x8f: {  	s20 =	sor.u32 $0x1830, s13;
	v62 =	vmov v53;
	[tilespmem:$0x1E950] =	vst v15;
	v57 =	vpop (erf);
	v53 =	vmul.f32 v45, v45;
	(erf) = vpow2.f32 v1  }
0x90: {  	v8 =	vsub.f32 $-1.595769170e+00, v60;
	[tilespmem:$0x1DD40] =	vst v57;
	v57 =	vld [tilespmem:s20+$0x0];
	v1 =	vmul.f32 v58, v50;
	v48 =	vmul.f32 v39, v39  }
0x91: {  	v55 =	vmov v47;
	[tilespmem:$0x1DCF0] =	vst v32;
	v63 =	vpop (erf);
	v60 =	vmul.f32 v51, v51;
	(erf) = vpow2.f32 v0  }
0x92: {  	v14 =	vsub.f32 $-1.595769170e+00, v10;
	[tilespmem:$0x1E970] =	vst v21;
	v0 =	vmul.f32 v8, v55;
	v1 =	vmul.f32 $1.442695020e+00, v1  }
0x93: {  	[tilespmem:$0x1DD50] =	vst v63;
	v46 =	vmul.f32 $7.135481390e-02, v41;
	v58 =	vmul.f32 $7.135481390e-02, v53  }
0x94: {  	s21 =	sor.u32 $0x1840, s13;
	v20 =	vsub.f32 $-1.595769170e+00, v16;
	v13 =	vpop (erf);
	[tilespmem:$0x1E990] =	vst v27;
	(erf) = vpow2.f32 v1;
	v1 =	vmul.f32 v14, v62  }
0x95: {  	v26 =	vsub.f32 $-1.595769170e+00, v22;
	v63 =	vld [tilespmem:s21+$0x0];
	[tilespmem:$0x1DD60] =	vst v13;
	v19 =	vpop (erf);
	v10 =	vmul.f32 v57, v57;
	v0 =	vmul.f32 $1.442695020e+00, v0  }
0x96: {  	v11 =	vmov v59;
	[tilespmem:$0x1DD70] =	vst v19;
	v52 =	vmul.f32 $7.135481390e-02, v48;
	v1 =	vmul.f32 $1.442695020e+00, v1  }
0x97: {  	v18 =	vmov v9;
	[tilespmem:$0x1E9B0] =	vst v33;
	(erf) = vpow2.f32 v0;
	v0 =	vmul.f32 v20, v11  }
0x98: {  	v32 =	vsub.f32 $-1.595769170e+00, v28;
	v25 =	vpop (erf);
	[tilespmem:$0x1E9F0] =	vst v45;
	(erf) = vpow2.f32 v1;
	v1 =	vmul.f32 v26, v18  }
0x99: {  	[tilespmem:$0x1DD80] =	vst v25;
	v9 =	vmul.f32 $7.135481390e-02, v60;
	v0 =	vmul.f32 $1.442695020e+00, v0  }
0x9a: {  	v23 =	vmovc v15;
	v38 =	vsub.f32 $-1.595769170e+00, v34;
	[tilespmem:$0x1E9D0] =	vst v39;
	v17 =	vmul.f32 v63, v63;
	v1 =	vmul.f32 $1.442695020e+00, v1  }
0x9b: {  	s22 =	sor.u32 $0x1850, s13;
	v30 =	vmov v21;
	v31 =	vpop (erf);
	[tilespmem:$0x1EA10] =	vst v51;
	(erf) = vpow2.f32 v0;
	v0 =	vmul.f32 v32, v23  }
0x9c: {  	s23 =	sor.u32 $0x1860, s13;
	[tilespmem:$0x1DD90] =	vst v31;
	v37 =	vpop (erf);
	v44 =	vsub.f32 $-1.595769170e+00, v40;
	v14 =	vld [tilespmem:s22+$0x0];
	(erf) = vpow2.f32 v1;
	v1 =	vmul.f32 v38, v30  }
0x9d: {  	[tilespmem:$0x1EA30] =	vst v57;
	v15 =	vmul.f32 $7.135481390e-02, v10;
	v20 =	vld [tilespmem:s23+$0x0];
	v0 =	vmul.f32 $1.442695020e+00, v0  }
0x9e: {  	v35 =	vmovc v27;
	v50 =	vsub.f32 $-1.595769170e+00, v46;
	v21 =	vmul.f32 $7.135481390e-02, v17;
	v1 =	vmul.f32 $1.442695020e+00, v1  }
0x9f: {  	v42 =	vmov v33;
	[tilespmem:$0x1DDA0] =	vst v37;
	v43 =	vpop (erf);
	(erf) = vpow2.f32 v0;
	v0 =	vmul.f32 v44, v35  }
0xa0: {  	s24 =	sor.u32 $0x1870, s13;
	[tilespmem:$0x1EA50] =	vst v63;
	v49 =	vpop (erf);
	(erf) = vpow2.f32 v1;
	v1 =	vmul.f32 v50, v42  }
0xa1: {  	v47 =	vmovc v39;
	[tilespmem:$0x1DDB0] =	vst v43;
	v56 =	vsub.f32 $-1.595769170e+00, v52;
	v26 =	vld [tilespmem:s24+$0x0];
	v22 =	vmul.f32 v14, v14;
	v0 =	vmul.f32 $1.442695020e+00, v0  }
0xa2: {  	[tilespmem:$0x1DDC0] =	vst v49;
	v55 =	vpop (erf);
	v62 =	vsub.f32 $-1.595769170e+00, v58;
	v29 =	vmul.f32 v20, v20;
	v1 =	vmul.f32 $1.442695020e+00, v1  }
0xa3: {  	v54 =	vmov v45;
	[tilespmem:$0x1DDD0] =	vst v55;
	v61 =	vpop (erf);
	(erf) = vpow2.f32 v0;
	v0 =	vmul.f32 v56, v47  }
0xa4: {  	v13 =	vsub.f32 $-1.595769170e+00, v9;
	[tilespmem:$0x1DDE0] =	vst v61;
	v12 =	vpop (erf);
	(erf) = vpow2.f32 v1;
	v1 =	vmul.f32 v62, v54  }
0xa5: {  	v59 =	vmov v51;
	[tilespmem:$0x1DDF0] =	vst v12;
	v27 =	vmul.f32 $7.135481390e-02, v22;
	v0 =	vmul.f32 $1.442695020e+00, v0  }
0xa6: {  	v19 =	vsub.f32 $-1.595769170e+00, v15;
	v18 =	vpop (erf);
	[tilespmem:$0x1EA70] =	vst v14;
	v34 =	vmul.f32 v26, v26;
	v1 =	vmul.f32 $1.442695020e+00, v1  }
0xa7: {  	s25 =	sor.u32 $0x1C00, s13;
	v11 =	vmov v57;
	[tilespmem:$0x1DE00] =	vst v18;
	(erf) = vpow2.f32 v0;
	v0 =	vmul.f32 v13, v59  }
0xa8: {  	v25 =	vsub.f32 $-1.595769170e+00, v21;
	v32 =	vld [tilespmem:s25+$0x0];
	v24 =	vpop (erf);
	[tilespmem:$0x1EA90] =	vst v20;
	(erf) = vpow2.f32 v1;
	v1 =	vmul.f32 v19, v11  }
0xa9: {  	s26 =	sor.u32 $0x1C10, s13;
	[tilespmem:$0x1DE10] =	vst v24;
	v33 =	vmul.f32 $7.135481390e-02, v29;
	v0 =	vmul.f32 $1.442695020e+00, v0  }
0xaa: {  	v16 =	vmovc v63;
	v38 =	vld [tilespmem:s26+$0x0];
	v31 =	vsub.f32 $-1.595769170e+00, v27;
	v39 =	vmul.f32 $7.135481390e-02, v34;
	v1 =	vmul.f32 $1.442695020e+00, v1  }
0xab: {  	s28 =	sor.u32 $0x1C20, s13;
	v23 =	vmov v14;
	v30 =	vpop (erf);
	[tilespmem:$0x1EAB0] =	vst v26;
	(erf) = vpow2.f32 v0;
	v0 =	vmul.f32 v25, v16  }
0xac: {  	v44 =	vld [tilespmem:s28+$0x0];
	[tilespmem:$0x1DE20] =	vst v30;
	(erf) = vpow2.f32 v1;
	v1 =	vmul.f32 v31, v23  }
0xad: {  	v36 =	vpop (erf);
	v37 =	vsub.f32 $-1.595769170e+00, v33;
	[tilespmem:$0x1EAD0] =	vst v32;
	v0 =	vmul.f32 $1.442695020e+00, v0  }
0xae: {  	v28 =	vmovc v20;
	v41 =	vmul.f32 v32, v32;
	[tilespmem:$0x1DE30] =	vst v36;
	v43 =	vsub.f32 $-1.595769170e+00, v39;
	v1 =	vmul.f32 $1.442695020e+00, v1  }
0xaf: {  	v35 =	vmov v26;
	v42 =	vpop (erf);
	[tilespmem:$0x1EAF0] =	vst v38;
	(erf) = vpow2.f32 v0;
	v0 =	vmul.f32 v37, v28  }
0xb0: {  	[tilespmem:$0x1DE40] =	vst v42;
	(erf) = vpow2.f32 v1;
	v1 =	vmul.f32 v43, v35  }
0xb1: {  	s29 =	sor.u32 $0x1C30, s13;
	v48 =	vpop (erf);
	[tilespmem:$0x1EB10] =	vst v44;
	v0 =	vmul.f32 $1.442695020e+00, v0  }
0xb2: {  	v45 =	vmul.f32 $7.135481390e-02, v41;
	v50 =	vld [tilespmem:s29+$0x0];
	[tilespmem:$0x1DE50] =	vst v48;
	v54 =	vpop (erf);
	v1 =	vmul.f32 $1.442695020e+00, v1  }
0xb3: {  	v46 =	vmul.f32 v38, v38;
	[tilespmem:$0x1DE60] =	vst v54;
	(erf) = vpow2.f32 v0  }
0xb4: {  	s30 =	sor.u32 $0x1C40, s13;
	v49 =	vsub.f32 $-1.595769170e+00, v45;
	v53 =	vmul.f32 v44, v44;
	(erf) = vpow2.f32 v1  }
0xb5: {  	s31 =	sor.u32 $0x1C50, s13;
	v40 =	vmov v32;
	v51 =	vmul.f32 $7.135481390e-02, v46;
	v56 =	vld [tilespmem:s30+$0x0]  }
0xb6: {  	s15 =	sor.u32 $0x1C60, s13;
	v57 =	vmul.f32 $7.135481390e-02, v53;
	v0 =	vmul.f32 v49, v40;
	v62 =	vld [tilespmem:s31+$0x0]  }
0xb7: {  	s16 =	sor.u32 $0x1C70, s13;
	v55 =	vsub.f32 $-1.595769170e+00, v51;
	v58 =	vmul.f32 v50, v50;
	v13 =	vld [tilespmem:s15+$0x0]  }
0xb8: {  	s17 =	sor.u32 $0x2000, s13;
	v47 =	vmov v38;
	v61 =	vsub.f32 $-1.595769170e+00, v57;
	v0 =	vmul.f32 $1.442695020e+00, v0;
	v19 =	vld [tilespmem:s16+$0x0]  }
0xb9: {  	s18 =	sor.u32 $0x2010, s13;
	v52 =	vmov v44;
	v63 =	vmul.f32 $7.135481390e-02, v58;
	v1 =	vmul.f32 v55, v47;
	v25 =	vld [tilespmem:s17+$0x0]  }
0xba: {  	s19 =	sor.u32 $0x2020, s13;
	v60 =	vpop (erf);
	(erf) = vpow2.f32 v0;
	v0 =	vmul.f32 v61, v52;
	v31 =	vld [tilespmem:s18+$0x0]  }
0xbb: {  	s20 =	sor.u32 $0x2030, s13;
	v12 =	vsub.f32 $-1.595769170e+00, v63;
	v37 =	vld [tilespmem:s19+$0x0];
	v1 =	vmul.f32 $1.442695020e+00, v1  }
0xbc: {  	s21 =	sor.u32 $0x2040, s13;
	v59 =	vmov v50;
	v43 =	vld [tilespmem:s20+$0x0];
	v0 =	vmul.f32 $1.442695020e+00, v0  }
0xbd: {  	s22 =	sor.u32 $0x2050, s13;
	v49 =	vld [tilespmem:s21+$0x0];
	v11 =	vpop (erf);
	(erf) = vpow2.f32 v1;
	v1 =	vmul.f32 v12, v59  }
0xbe: {  	v55 =	vld [tilespmem:s22+$0x0];
	v17 =	vpop (erf);
	(erf) = vpow2.f32 v0;
	v10 =	vmul.f32 v56, v56  }
0xbf: {  	v15 =	vmul.f32 v62, v62;
	v1 =	vmul.f32 $1.442695020e+00, v1  }
0xc0: {  	v22 =	vmul.f32 v13, v13;
	v27 =	vmul.f32 v19, v19  }
0xc1: {  	v34 =	vmul.f32 v25, v25;
	v39 =	vmul.f32 v31, v31  }
0xc2: {  	v46 =	vmul.f32 v37, v37;
	v51 =	vmul.f32 v43, v43  }
0xc3: {  	v58 =	vmul.f32 v49, v49;
	v63 =	vmul.f32 v55, v55  }
0xc4: {  	s23 =	sor.u32 $0x2060, s13;
	v14 =	vmul.f32 $7.135481390e-02, v10;
	v20 =	vmul.f32 $7.135481390e-02, v15  }
0xc5: {  	s24 =	sor.u32 $0x2070, s13;
	v61 =	vld [tilespmem:s23+$0x0];
	v23 =	vpop (erf);
	(erf) = vpow2.f32 v1;
	v26 =	vmul.f32 $7.135481390e-02, v22  }
0xc6: {  	[tilespmem:$0x1EB30] =	vst v50;
	v12 =	vld [tilespmem:s24+$0x0];
	v32 =	vmul.f32 $7.135481390e-02, v27;
	v38 =	vmul.f32 $7.135481390e-02, v34  }
0xc7: {  	[tilespmem:$0x1EB50] =	vst v56;
	v44 =	vmul.f32 $7.135481390e-02, v39;
	v50 =	vmul.f32 $7.135481390e-02, v46;
	v18 =	vsub.f32 $-1.595769170e+00, v14  }
0xc8: {  	v9 =	vmovc v56;
	v16 =	vmovc v62;
	[tilespmem:$0x1EB70] =	vst v62;
	v56 =	vmul.f32 $7.135481390e-02, v51;
	v62 =	vmul.f32 $7.135481390e-02, v58;
	v24 =	vsub.f32 $-1.595769170e+00, v20  }
0xc9: {  	s25 =	sor.u32 $0x2400, s13;
	v21 =	vmov v13;
	[tilespmem:$0x1EB90] =	vst v13;
	v13 =	vmul.f32 $7.135481390e-02, v63;
	v0 =	vmul.f32 v18, v9  }
0xca: {  	s26 =	sor.u32 $0x2410, s13;
	v15 =	vmul.f32 v61, v61;
	v1 =	vmul.f32 v24, v16;
	v18 =	vld [tilespmem:s25+$0x0]  }
0xcb: {  	v29 =	vpop (erf);
	[tilespmem:$0x1EBB0] =	vst v19;
	v20 =	vmul.f32 v12, v12;
	v24 =	vld [tilespmem:s26+$0x0];
	v0 =	vmul.f32 $1.442695020e+00, v0  }
0xcc: {  	v28 =	vmovc v19;
	v30 =	vsub.f32 $-1.595769170e+00, v26;
	v19 =	vmul.f32 $7.135481390e-02, v15;
	v1 =	vmul.f32 $1.442695020e+00, v1  }
0xcd: {  	v33 =	vmovc v25;
	[tilespmem:$0x1EBD0] =	vst v25;
	v36 =	vsub.f32 $-1.595769170e+00, v32;
	v25 =	vmul.f32 $7.135481390e-02, v20;
	(erf) = vpow2.f32 v0  }
0xce: {  	s28 =	sor.u32 $0x2420, s13;
	v35 =	vpop (erf);
	v0 =	vmul.f32 v30, v21;
	(erf) = vpow2.f32 v1  }
0xcf: {  	s29 =	sor.u32 $0x2430, s13;
	v30 =	vld [tilespmem:s28+$0x0];
	v1 =	vmul.f32 v36, v28;
	v27 =	vmul.f32 v18, v18  }
0xd0: {  	[tilespmem:$0x1EBF0] =	vst v31;
	v32 =	vmul.f32 v24, v24;
	v36 =	vld [tilespmem:s29+$0x0];
	v0 =	vmul.f32 $1.442695020e+00, v0  }
0xd1: {  	v40 =	vmovc v31;
	v45 =	vmovc v37;
	v42 =	vsub.f32 $-1.595769170e+00, v38;
	v1 =	vmul.f32 $1.442695020e+00, v1;
	v31 =	vmul.f32 $7.135481390e-02, v27  }
0xd2: {  	[tilespmem:$0x1EC10] =	vst v37;
	v41 =	vpop (erf);
	v48 =	vsub.f32 $-1.595769170e+00, v44;
	v37 =	vmul.f32 $7.135481390e-02, v32;
	(erf) = vpow2.f32 v0  }
0xd3: {  	s30 =	sor.u32 $0x2440, s13;
	[tilespmem:$0x1DE70] =	vst v60;
	v47 =	vpop (erf);
	v0 =	vmul.f32 v42, v33;
	(erf) = vpow2.f32 v1  }
0xd4: {  	s31 =	sor.u32 $0x2450, s13;
	[tilespmem:$0x1DE80] =	vst v11;
	v42 =	vld [tilespmem:s30+$0x0];
	v1 =	vmul.f32 v48, v40;
	v39 =	vmul.f32 v30, v30  }
0xd5: {  	[tilespmem:$0x1DE90] =	vst v17;
	v54 =	vsub.f32 $-1.595769170e+00, v50;
	v48 =	vld [tilespmem:s31+$0x0];
	v0 =	vmul.f32 $1.442695020e+00, v0;
	v44 =	vmul.f32 v36, v36  }
0xd6: {  	v52 =	vmovc v43;
	[tilespmem:$0x1EC30] =	vst v43;
	v57 =	vmov v49;
	v1 =	vmul.f32 $1.442695020e+00, v1;
	v43 =	vmul.f32 $7.135481390e-02, v39  }
0xd7: {  	s21 =	sor.u32 $0x2850, s13;
	[tilespmem:$0x1EC50] =	vst v49;
	v53 =	vpop (erf);
	v60 =	vsub.f32 $-1.595769170e+00, v56;
	(erf) = vpow2.f32 v0;
	v0 =	vmul.f32 v54, v45  }
0xd8: {  	s15 =	sor.u32 $0x2460, s13;
	v59 =	vpop (erf);
	v38 =	vmov v30;
	[tilespmem:$0x1ED10] =	vst v30;
	v30 =	vld [tilespmem:s21+$0x0];
	v49 =	vmul.f32 $7.135481390e-02, v44;
	(erf) = vpow2.f32 v1  }
0xd9: {  	s16 =	sor.u32 $0x2470, s13;
	[tilespmem:$0x1DEB0] =	vst v29;
	v54 =	vld [tilespmem:s15+$0x0];
	v1 =	vmul.f32 v60, v52;
	v51 =	vmul.f32 v42, v42  }
0xda: {  	[tilespmem:$0x1EC70] =	vst v55;
	v11 =	vsub.f32 $-1.595769170e+00, v62;
	s15 =	sor.u32 $0x2830, s13;
	v60 =	vld [tilespmem:s16+$0x0];
	v0 =	vmul.f32 $1.442695020e+00, v0;
	v56 =	vmul.f32 v48, v48  }
0xdb: {  	v9 =	vmovc v55;
	v29 =	vsub.f32 $-1.595769170e+00, v25;
	v25 =	vld [tilespmem:s15+$0x0];
	v1 =	vmul.f32 $1.442695020e+00, v1;
	v55 =	vmul.f32 $7.135481390e-02, v51  }
0xdc: {  	[tilespmem:$0x1DEA0] =	vst v23;
	v17 =	vsub.f32 $-1.595769170e+00, v13;
	v10 =	vpop (erf);
	(erf) = vpow2.f32 v0;
	v0 =	vmul.f32 v11, v57  }
0xdd: {  	[tilespmem:$0x1EC90] =	vst v61;
	v14 =	vmov v61;
	v16 =	vpop (erf);
	v61 =	vmul.f32 $7.135481390e-02, v56;
	(erf) = vpow2.f32 v1  }
0xde: {  	[tilespmem:$0x1DEC0] =	vst v35;
	v23 =	vsub.f32 $-1.595769170e+00, v19;
	v22 =	vpop (erf);
	v1 =	vmul.f32 v17, v9;
	v63 =	vmul.f32 v54, v54  }
0xdf: {  	s17 =	sor.u32 $0x2800, s13;
	v28 =	vpop (erf);
	v62 =	vmov v54;
	[tilespmem:$0x1ED50] =	vst v54;
	v54 =	vmul.f32 v30, v30;
	v0 =	vmul.f32 $1.442695020e+00, v0  }
0xe0: {  	s18 =	sor.u32 $0x2810, s13;
	[tilespmem:$0x1DEE0] =	vst v47;
	v34 =	vpop (erf);
	v47 =	vsub.f32 $-1.595769170e+00, v43;
	v11 =	vld [tilespmem:s17+$0x0];
	v13 =	vmul.f32 v60, v60;
	v43 =	vmul.f32 v25, v25  }
0xe1: {  	[tilespmem:$0x1ECB0] =	vst v12;
	v21 =	vmov v12;
	v40 =	vpop (erf);
	v17 =	vld [tilespmem:s18+$0x0];
	v1 =	vmul.f32 $1.442695020e+00, v1;
	v12 =	vmul.f32 $7.135481390e-02, v63  }
0xe2: {  	[tilespmem:$0x1ECD0] =	vst v18;
	v46 =	vpop (erf);
	(erf) = vpow2.f32 v0;
	v0 =	vmul.f32 v23, v14  }
0xe3: {  	s19 =	sor.u32 $0x2820, s13;
	v26 =	vmov v18;
	[tilespmem:$0x1DF70] =	vst v46;
	v18 =	vmul.f32 $7.135481390e-02, v13;
	v46 =	vmul.f32 $7.135481390e-02, v43  }
0xe4: {  	[tilespmem:$0x1DED0] =	vst v41;
	v23 =	vld [tilespmem:s19+$0x0];
	(erf) = vpow2.f32 v1;
	v1 =	vmul.f32 v29, v21  }
0xe5: {  	[tilespmem:$0x1DEF0] =	vst v53;
	v20 =	vmul.f32 v11, v11;
	v0 =	vmul.f32 $1.442695020e+00, v0  }
0xe6: {  	[tilespmem:$0x1DF00] =	vst v59;
	v35 =	vsub.f32 $-1.595769170e+00, v31;
	v27 =	vmul.f32 v17, v17;
	v1 =	vmul.f32 $1.442695020e+00, v1  }
0xe7: {  	s25 =	sor.u32 $0x2C10, s13;
	[tilespmem:$0x1ECF0] =	vst v24;
	v33 =	vmovc v24;
	v41 =	vsub.f32 $-1.595769170e+00, v37;
	v24 =	vmul.f32 $7.135481390e-02, v20;
	(erf) = vpow2.f32 v0  }
0xe8: {  	s20 =	sor.u32 $0x2840, s13;
	[tilespmem:$0x1DF60] =	vst v40;
	v40 =	vld [tilespmem:s25+$0x0];
	v0 =	vmul.f32 v35, v26;
	(erf) = vpow2.f32 v1  }
0xe9: {  	s23 =	sor.u32 $0x2870, s13;
	[tilespmem:$0x1DF10] =	vst v10;
	v26 =	vld [tilespmem:s20+$0x0];
	v1 =	vmul.f32 v41, v33;
	v35 =	vmul.f32 v23, v23  }
0xea: {  	[tilespmem:$0x1DF20] =	vst v16;
	v31 =	vmul.f32 $7.135481390e-02, v27;
	v33 =	vld [tilespmem:s23+$0x0];
	v0 =	vmul.f32 $1.442695020e+00, v0  }
0xeb: {  	v52 =	vpop (erf);
	v53 =	vsub.f32 $-1.595769170e+00, v49;
	v1 =	vmul.f32 $1.442695020e+00, v1;
	v39 =	vmul.f32 $7.135481390e-02, v35  }
0xec: {  	s22 =	sor.u32 $0x2860, s13;
	[tilespmem:$0x1DF30] =	vst v22;
	v45 =	vmov v36;
	v58 =	vpop (erf);
	(erf) = vpow2.f32 v0;
	v0 =	vmul.f32 v47, v38  }
0xed: {  	[tilespmem:$0x1DF40] =	vst v28;
	v32 =	vld [tilespmem:s22+$0x0];
	v50 =	vmov v42;
	v9 =	vpop (erf);
	(erf) = vpow2.f32 v1;
	v1 =	vmul.f32 v53, v45  }
0xee: {  	s24 =	sor.u32 $0x2C00, s13;
	[tilespmem:$0x1ED20] =	vst v36;
	v59 =	vsub.f32 $-1.595769170e+00, v55;
	v15 =	vpop (erf);
	v49 =	vmul.f32 v26, v26;
	v0 =	vmul.f32 $1.442695020e+00, v0  }
0xef: {  	s29 =	sor.u32 $0x2C40, s13;
	v29 =	vsub.f32 $-1.595769170e+00, v24;
	v38 =	vld [tilespmem:s24+$0x0];
	v63 =	vmovc v33;
	[tilespmem:$0x1EDE0] =	vst v33;
	v24 =	vmul.f32 v33, v33;
	v33 =	vmul.f32 v40, v40  }
0xf0: {  	[tilespmem:$0x1DF80] =	vst v52;
	v57 =	vmov v48;
	s19 =	sor.u32 $0x3020, s13;
	v21 =	vpop (erf);
	v47 =	vld [tilespmem:s29+$0x0];
	v1 =	vmul.f32 $1.442695020e+00, v1;
	v52 =	vmul.f32 $7.135481390e-02, v49  }
0xf1: {  	[tilespmem:$0x1ED60] =	vst v60;
	v22 =	vsub.f32 $-1.595769170e+00, v18;
	v18 =	vld [tilespmem:s19+$0x0];
	v28 =	vpop (erf);
	(erf) = vpow2.f32 v0;
	v0 =	vmul.f32 v59, v50  }
0xf2: {  	s30 =	sor.u32 $0x2C50, s13;
	v10 =	vsub.f32 $-1.595769170e+00, v61;
	[tilespmem:$0x1DFB0] =	vst v15;
	v36 =	vpop (erf);
	v59 =	vmul.f32 v32, v32;
	v27 =	vmul.f32 $7.135481390e-02, v24  }
0xf3: {  	v16 =	vsub.f32 $-1.595769170e+00, v12;
	v15 =	vld [tilespmem:s30+$0x0];
	[tilespmem:$0x1DFE0] =	vst v36;
	v44 =	vpop (erf);
	v36 =	vmul.f32 $7.135481390e-02, v33;
	(erf) = vpow2.f32 v1  }
0xf4: {  	v51 =	vsub.f32 $-1.595769170e+00, v46;
	[tilespmem:$0x1DFD0] =	vst v28;
	v50 =	vpop (erf);
	v1 =	vmul.f32 v10, v57;
	v57 =	vmul.f32 $7.135481390e-02, v54  }
0xf5: {  	v55 =	vpop (erf);
	v28 =	vmul.f32 v38, v38;
	v46 =	vmov v47;
	[tilespmem:$0x1EE30] =	vst v47;
	v47 =	vmul.f32 v47, v47  }
0xf6: {  	v37 =	vsub.f32 $-1.595769170e+00, v31;
	v0 =	vmul.f32 $1.442695020e+00, v0;
	[tilespmem:$0x1E010] =	vst v55;
	v55 =	vmul.f32 v18, v18  }
0xf7: {  	v14 =	vmov v60;
	[tilespmem:$0x1E000] =	vst v50;
	v60 =	vpop (erf);
	v1 =	vmul.f32 $1.442695020e+00, v1;
	v31 =	vmul.f32 $7.135481390e-02, v28  }
0xf8: {  	[tilespmem:$0x1E020] =	vst v60;
	v50 =	vmul.f32 $7.135481390e-02, v47;
	v60 =	vmul.f32 v15, v15  }
0xf9: {  	(erf) = vpow2.f32 v0;
	v0 =	vmul.f32 v16, v62  }
0xfa: {  	s31 =	sor.u32 $0x2C60, s13;
	(erf) = vpow2.f32 v1;
	v1 =	vmul.f32 v22, v14  }
0xfb: {  	v7 =	vld [tilespmem:s31+$0x0];
	v62 =	vmul.f32 $7.135481390e-02, v59;
	v0 =	vmul.f32 $1.442695020e+00, v0  }
0xfc: {  	v19 =	vmov v11;
	v59 =	vmul.f32 $7.135481390e-02, v55;
	v1 =	vmul.f32 $1.442695020e+00, v1  }
0xfd: {  	[tilespmem:$0x1DF50] =	vst v34;
	(erf) = vpow2.f32 v0;
	v0 =	vmul.f32 v29, v19  }
0xfe: {  	s28 =	sor.u32 $0x2C30, s13;
	[tilespmem:$0x1ED40] =	vst v48;
	(erf) = vpow2.f32 v1;
	v1 =	vmul.f32 v37, v17  }
0xff: {  	v8 =	vld [tilespmem:s28+$0x0];
	v45 =	vsub.f32 $-1.595769170e+00, v39;
	v3 =	vmul.f32 $7.135481390e-02, v60;
	v0 =	vmul.f32 $1.442695020e+00, v0  }
0x100: {  	v34 =	vmovc v23;
	v48 =	vmovc v26;
	[tilespmem:$0x1EDB0] =	vst v26;
	v26 =	vsub.f32 $-1.595769170e+00, v62;
	v62 =	vmul.f32 v7, v7;
	v1 =	vmul.f32 $1.442695020e+00, v1  }
0x101: {  	[tilespmem:$0x1ED30] =	vst v42;
	v42 =	vmovc v25;
	v2 =	vsub.f32 $-1.595769170e+00, v50;
	(erf) = vpow2.f32 v0;
	v0 =	vmul.f32 v45, v34  }
0x102: {  	(erf) = vpow2.f32 v1;
	v1 =	vmul.f32 v51, v42  }
0x103: {  	v56 =	vsub.f32 $-1.595769170e+00, v52;
	v2 =	vmul.f32 v2, v46;
	v0 =	vmul.f32 $1.442695020e+00, v0  }
0x104: {  	s20 =	sor.u32 $0x3030, s13;
	v61 =	vsub.f32 $-1.595769170e+00, v57;
	v42 =	vmul.f32 v8, v8;
	v1 =	vmul.f32 $1.442695020e+00, v1  }
0x105: {  	s18 =	sor.u32 $0x3010, s13;
	[tilespmem:$0x1EDA0] =	vst v25;
	v53 =	vmov v30;
	v19 =	vld [tilespmem:s20+$0x0];
	(erf) = vpow2.f32 v0;
	v0 =	vmul.f32 v56, v48  }
0x106: {  	s17 =	sor.u32 $0x3000, s13;
	[tilespmem:$0x1DFA0] =	vst v9;
	v9 =	vld [tilespmem:s18+$0x0];
	v25 =	vpop (erf);
	(erf) = vpow2.f32 v1;
	v1 =	vmul.f32 v61, v53  }
0x107: {  	[tilespmem:$0x1ED80] =	vst v17;
	v29 =	vpop (erf);
	v17 =	vld [tilespmem:s17+$0x0];
	v2 =	vmul.f32 $1.442695020e+00, v2;
	v0 =	vmul.f32 $1.442695020e+00, v0  }
0x108: {  	s26 =	sor.u32 $0x2C20, s13;
	[tilespmem:$0x1DF90] =	vst v58;
	v58 =	vmov v32;
	v34 =	vpop (erf);
	v45 =	vmul.f32 $7.135481390e-02, v42;
	v1 =	vmul.f32 $1.442695020e+00, v1  }
0x109: {  	[tilespmem:$0x1EDC0] =	vst v30;
	v41 =	vld [tilespmem:s26+$0x0];
	v30 =	vsub.f32 $-1.595769170e+00, v27;
	v39 =	vpop (erf);
	(erf) = vpow2.f32 v0;
	v0 =	vmul.f32 v26, v58  }
0x10a: {  	v43 =	vpop (erf);
	v56 =	vmul.f32 v19, v19;
	(erf) = vpow2.f32 v1  }
0x10b: {  	s21 =	sor.u32 $0x3040, s13;
	[tilespmem:$0x1EDD0] =	vst v32;
	v35 =	vsub.f32 $-1.595769170e+00, v31;
	v48 =	vpop (erf);
	v1 =	vmul.f32 v30, v63;
	v0 =	vmul.f32 $1.442695020e+00, v0  }
0x10c: {  	v10 =	vld [tilespmem:s21+$0x0];
	[tilespmem:$0x1E080] =	vst v48;
	v49 =	vsub.f32 $-1.595769170e+00, v45;
	v45 =	vmul.f32 v17, v17;
	v48 =	vmul.f32 v9, v9  }
0x10d: {  	s16 =	sor.u32 $0x2C70, s13;
	[tilespmem:$0x1EE00] =	vst v40;
	v1 =	vmul.f32 $1.442695020e+00, v1;
	(erf) = vpow2.f32 v0  }
0x10e: {  	v32 =	vmovc v40;
	[tilespmem:$0x1EDF0] =	vst v38;
	v40 =	vsub.f32 $-1.595769170e+00, v36;
	v16 =	vld [tilespmem:s16+$0x0];
	v0 =	vmul.f32 v35, v38;
	v38 =	vmul.f32 v41, v41  }
0x10f: {  	[tilespmem:$0x1DFF0] =	vst v44;
	v60 =	vmul.f32 $7.135481390e-02, v56;
	(erf) = vpow2.f32 v1  }
0x110: {  	[tilespmem:$0x1EE10] =	vst v41;
	v37 =	vmov v41;
	v61 =	vpop (erf);
	v1 =	vmul.f32 v40, v32;
	v41 =	vmul.f32 $7.135481390e-02, v38  }
0x111: {  	s25 =	sor.u32 $0x3400, s13;
	[tilespmem:$0x1E090] =	vst v61;
	v61 =	vmul.f32 v10, v10;
	v0 =	vmul.f32 $1.442695020e+00, v0  }
0x112: {  	v22 =	vld [tilespmem:s25+$0x0];
	v4 =	vmul.f32 $7.135481390e-02, v45;
	v1 =	vmul.f32 $1.442695020e+00, v1;
	v44 =	vsub.f32 $-1.595769170e+00, v41  }
0x113: {  	v40 =	vmul.f32 v16, v16;
	(erf) = vpow2.f32 v0  }
0x114: {  	s22 =	sor.u32 $0x3050, s13;
	(erf) = vpow2.f32 v1;
	v0 =	vmul.f32 v44, v37  }
0x115: {  	v20 =	vld [tilespmem:s22+$0x0];
	[tilespmem:$0x1E070] =	vst v43;
	v43 =	vsub.f32 $-1.595769170e+00, v3;
	v1 =	vmul.f32 v49, v8;
	v41 =	vpop (erf);
	v44 =	vmul.f32 $7.135481390e-02, v40  }
0x116: {  	v52 =	vmul.f32 $7.135481390e-02, v48;
	v3 =	vsub.f32 $-1.595769170e+00, v60;
	v46 =	vpop (erf);
	v0 =	vmul.f32 $1.442695020e+00, v0  }
0x117: {  	[tilespmem:$0x1DFC0] =	vst v21;
	s23 =	sor.u32 $0x3060, s13;
	v60 =	vmul.f32 v22, v22;
	v1 =	vmul.f32 $1.442695020e+00, v1;
	v47 =	vsub.f32 $-1.595769170e+00, v44;
	v49 =	vpop (erf)  }
0x118: {  	v21 =	vld [tilespmem:s23+$0x0];
	v63 =	vmov v16;
	[tilespmem:$0x1E0C0] =	vst v49;
	v49 =	vmul.f32 v3, v19;
	(erf) = vpow2.f32 v0  }
0x119: {  	v51 =	vmov v15;
	v0 =	vmul.f32 $7.135481390e-02, v62;
	v50 =	vmul.f32 v47, v63  }
0x11a: {  	v53 =	vsub.f32 $-1.595769170e+00, v4;
	v63 =	vmul.f32 $7.135481390e-02, v61;
	v47 =	vmul.f32 v20, v20  }
0x11b: {  	(erf) = vpow2.f32 v1;
	v1 =	vmul.f32 v43, v51;
	v0 =	vsub.f32 $-1.595769170e+00, v0  }
0x11c: {  	[tilespmem:$0x1ED70] =	vst v11;
	s24 =	sor.u32 $0x3070, s13;
	v51 =	vpop (erf);
	(erf) = vpow2.f32 v2;
	v2 =	vmul.f32 v53, v17  }
0x11d: {  	s30 =	sor.u32 $0x3440, s13;
	v11 =	vld [tilespmem:s24+$0x0];
	[tilespmem:$0x1E0D0] =	vst v51;
	v51 =	vmul.f32 v21, v21;
	v0 =	vmul.f32 v0, v7  }
0x11e: {  	v26 =	vld [tilespmem:s30+$0x0];
	v1 =	vmul.f32 $1.442695020e+00, v1;
	v2 =	vmul.f32 $1.442695020e+00, v2  }
0x11f: {  	v57 =	vpop (erf);
	v56 =	vmul.f32 $7.135481390e-02, v51;
	v0 =	vmul.f32 $1.442695020e+00, v0  }
0x120: {  	v62 =	vpop (erf);
	(erf) = vpow2.f32 v1;
	v1 =	vmul.f32 $1.442695020e+00, v50  }
0x121: {  	v48 =	vpop (erf);
	v50 =	vmul.f32 $7.135481390e-02, v47;
	(erf) = vpow2.f32 v0;
	v0 =	vsub.f32 $-1.595769170e+00, v52  }
0x122: {  	[tilespmem:$0x1ED90] =	vst v23;
	v52 =	vpop (erf);
	(erf) = vpow2.f32 v1;
	v1 =	vsub.f32 $-1.595769170e+00, v59;
	v59 =	vmul.f32 v11, v11  }
0x123: {  	[tilespmem:$0x1E110] =	vst v52;
	v52 =	vmul.f32 v26, v26;
	v0 =	vmul.f32 v0, v9  }
0x124: {  	s26 =	sor.u32 $0x3410, s13;
	[tilespmem:$0x1E0E0] =	vst v57;
	(erf) = vpow2.f32 v2;
	v2 =	vsub.f32 $-1.595769170e+00, v63;
	v63 =	vmul.f32 $7.135481390e-02, v60  }
0x125: {  	s28 =	sor.u32 $0x3420, s13;
	v23 =	vld [tilespmem:s26+$0x0];
	[tilespmem:$0x1E0F0] =	vst v62;
	v57 =	vsub.f32 $-1.595769170e+00, v50;
	v1 =	vmul.f32 v1, v18;
	v62 =	vmul.f32 $7.135481390e-02, v59  }
0x126: {  	v24 =	vld [tilespmem:s28+$0x0];
	v0 =	vmul.f32 $1.442695020e+00, v0;
	v53 =	vmul.f32 v2, v10  }
0x127: {  	v2 =	vmul.f32 v57, v20;
	v1 =	vmul.f32 $1.442695020e+00, v1  }
0x128: {  	(erf) = vpow2.f32 v0;
	v0 =	vmul.f32 $1.442695020e+00, v49  }
0x129: {  	(erf) = vpow2.f32 v1;
	v1 =	vmul.f32 $1.442695020e+00, v53  }
0x12a: {  	v55 =	vpop (erf);
	(erf) = vpow2.f32 v0;
	v0 =	vsub.f32 $-1.595769170e+00, v56;
	v56 =	vmul.f32 v23, v23  }
0x12b: {  	v60 =	vmul.f32 v24, v24;
	v2 =	vmul.f32 $1.442695020e+00, v2  }
0x12c: {  	v61 =	vpop (erf);
	(erf) = vpow2.f32 v1;
	v1 =	vsub.f32 $-1.595769170e+00, v62;
	v59 =	vmul.f32 $7.135481390e-02, v56  }
0x12d: {  	v3 =	vsub.f32 $-1.595769170e+00, v63;
	v63 =	vmul.f32 $7.135481390e-02, v60;
	v0 =	vmul.f32 v0, v21  }
0x12e: {  	s31 =	sor.u32 $0x3450, s13;
	v57 =	vpop (erf);
	(erf) = vpow2.f32 v2;
	v1 =	vmul.f32 v1, v11;
	v2 =	vsub.f32 $-1.595769170e+00, v59  }
0x12f: {  	v12 =	vld [tilespmem:s31+$0x0];
	s16 =	sor.u32 $0x3460, s13;
	[tilespmem:$0x1E130] =	vst v61;
	v61 =	vpop (erf);
	v62 =	vmul.f32 v3, v22;
	v0 =	vmul.f32 $1.442695020e+00, v0  }
0x130: {  	v27 =	vld [tilespmem:s16+$0x0];
	[tilespmem:$0x1E150] =	vst v61;
	v1 =	vmul.f32 $1.442695020e+00, v1;
	v61 =	vmul.f32 v2, v23  }
0x131: {  	v63 =	vsub.f32 $-1.595769170e+00, v63;
	(erf) = vpow2.f32 v0;
	v0 =	vmul.f32 $1.442695020e+00, v62  }
0x132: {  	v60 =	vpop (erf);
	(erf) = vpow2.f32 v1;
	v1 =	vmul.f32 $1.442695020e+00, v61  }
0x133: {  	v62 =	vpop (erf);
	v2 =	vmul.f32 v63, v24;
	(erf) = vpow2.f32 v0  }
0x134: {  	[tilespmem:$0x1EF10] =	vst v24;
	v63 =	vmul.f32 v12, v12;
	v24 =	vpop (erf);
	(erf) = vpow2.f32 v1  }
0x135: {  	s29 =	sor.u32 $0x3430, s13;
	v1 =	vmul.f32 $7.135481390e-02, v52;
	v52 =	vmul.f32 v27, v27  }
0x136: {  	s19 =	sor.u32 $0x3810, s13;
	[tilespmem:$0x1E030] =	vst v25;
	v25 =	vld [tilespmem:s29+$0x0]  }
0x137: {  	[tilespmem:$0x1E040] =	vst v29;
	v29 =	vld [tilespmem:s19+$0x0];
	s19 =	sor.u32 $0x490, s13;
	v2 =	vmul.f32 $1.442695020e+00, v2  }
0x138: {  	[tilespmem:$0x1EE80] =	vst v9;
	v9 =	vld [tilespmem:s19+$0x0];
	s19 =	sor.u32 $0xC80, s13;
	v3 =	vmul.f32 $7.135481390e-02, v63;
	v63 =	vpop (erf)  }
0x139: {  	[tilespmem:$0x1EEE0] =	vst v11;
	v11 =	vld [tilespmem:s19+$0x0];
	s19 =	sor.u32 $0x10F0, s13;
	(erf) = vpow2.f32 v2;
	v2 =	vmul.f32 $7.135481390e-02, v52;
	v52 =	vpop (erf)  }
0x13a: {  	[tilespmem:$0x1E1A0] =	vst v52;
	v52 =	vld [tilespmem:s19+$0x0]  }
0x13b: {  	s20 =	sor.u32 $0x3820, s13  }
0x13c: {  	v30 =	vld [tilespmem:s20+$0x0];
	s20 =	sor.u32 $0x4A0, s13;
	v59 =	vmul.f32 v25, v25  }
0x13d: {  	v44 =	vld [tilespmem:s20+$0x0];
	s20 =	sor.u32 $0xC90, s13  }
0x13e: {  	[tilespmem:$0x1EEF0] =	vst v22;
	v22 =	vld [tilespmem:s20+$0x0];
	s20 =	sor.u32 $0x1480, s13;
	v0 =	vmul.f32 $7.135481390e-02, v59  }
0x13f: {  	[tilespmem:$0x1F5A0] =	vst v52;
	v52 =	vld [tilespmem:s20+$0x0]  }
0x140: {  	v0 =	vsub.f32 $-1.595769170e+00, v0  }
0x141: {  	v1 =	vsub.f32 $-1.595769170e+00, v1  }
0x142: {  	v0 =	vmul.f32 v0, v25  }
0x143: {  	s23 =	sor.u32 $0x3850, s13;
	v1 =	vmul.f32 v1, v26;
	v2 =	vsub.f32 $-1.595769170e+00, v2  }
0x144: {  	v33 =	vld [tilespmem:s23+$0x0];
	s23 =	sor.u32 $0x4D0, s13;
	v0 =	vmul.f32 $1.442695020e+00, v0;
	[tilespmem:$0x1F5C0] =	vst v52;
	v52 =	vpop (erf)  }
0x145: {  	v45 =	vld [tilespmem:s23+$0x0];
	s23 =	sor.u32 $0xCC0, s13;
	v1 =	vmul.f32 $1.442695020e+00, v1;
	[tilespmem:$0x1E1B0] =	vst v52;
	v52 =	vmul.f32 v2, v27  }
0x146: {  	[tilespmem:$0x1EF00] =	vst v23;
	v23 =	vld [tilespmem:s23+$0x0];
	s23 =	sor.u32 $0x14B0, s13;
	(erf) = vpow2.f32 v0  }
0x147: {  	(erf) = vpow2.f32 v1;
	v1 =	vmul.f32 $1.442695020e+00, v52;
	v52 =	vld [tilespmem:s23+$0x0];
	_ =	sdelay $0x1  }
0x148: {  	s25 =	sor.u32 $0x3870, s13;
	[tilespmem:$0x1EEB0] =	vst v10  }
0x149: {  	[tilespmem:$0x1E050] =	vst v34;
	v34 =	vld [tilespmem:s25+$0x0];
	s25 =	sor.u32 $0x4F0, s13  }
0x14a: {  	[tilespmem:$0x1EF50] =	vst v27;
	v10 =	vld [tilespmem:s25+$0x0];
	s25 =	sor.u32 $0xCE0, s13;
	v27 =	vpop (erf)  }
0x14b: {  	v59 =	vld [tilespmem:s25+$0x0];
	s25 =	sor.u32 $0x14D0, s13;
	[tilespmem:$0x1F620] =	vst v52;
	v52 =	vpop (erf)  }
0x14c: {  	s17 =	sor.u32 $0x3470, s13;
	[tilespmem:$0x1E1D0] =	vst v52;
	v52 =	vld [tilespmem:s25+$0x0]  }
0x14d: {  	s26 =	sor.u32 $0x3C00, s13;
	v28 =	vld [tilespmem:s17+$0x0]  }
0x14e: {  	v35 =	vld [tilespmem:s26+$0x0];
	s26 =	sor.u32 $0x880, s13  }
0x14f: {  	[tilespmem:$0x1E100] =	vst v48;
	v48 =	vld [tilespmem:s26+$0x0];
	s26 =	sor.u32 $0xCF0, s13  }
0x150: {  	v61 =	vld [tilespmem:s26+$0x0];
	s26 =	sor.u32 $0x14E0, s13  }
0x151: {  	[tilespmem:$0x1F660] =	vst v52;
	v52 =	vld [tilespmem:s26+$0x0]  }
0x152: {  	s18 =	sor.u32 $0x3800, s13  }
0x153: {  	v13 =	vld [tilespmem:s18+$0x0];
	s30 =	sor.u32 $0x3C40, s13  }
0x154: {  	v6 =	vld [tilespmem:s30+$0x0];
	s30 =	sor.u32 $0x8B0, s13;
	v3 =	vsub.f32 $-1.595769170e+00, v3  }
0x155: {  	[tilespmem:$0x1EF20] =	vst v25;
	v4 =	vmul.f32 v28, v28;
	v49 =	vld [tilespmem:s30+$0x0];
	s30 =	sor.u32 $0x10A0, s13  }
0x156: {  	v25 =	vld [tilespmem:s30+$0x0];
	s30 =	sor.u32 $0x1890, s13;
	v0 =	vmul.f32 v3, v12;
	[tilespmem:$0x1F680] =	vst v52;
	v52 =	vpop (erf)  }
0x157: {  	v3 =	vmul.f32 $7.135481390e-02, v4;
	[tilespmem:$0x1E1E0] =	vst v52;
	v52 =	vld [tilespmem:s30+$0x0]  }
0x158: {  	s31 =	sor.u32 $0x3C50, s13;
	v4 =	vmul.f32 v13, v13;
	v0 =	vmul.f32 $1.442695020e+00, v0  }
0x159: {  	[tilespmem:$0x1EE40] =	vst v15;
	v15 =	vld [tilespmem:s31+$0x0];
	s31 =	sor.u32 $0x8C0, s13  }
0x15a: {  	v50 =	vld [tilespmem:s31+$0x0];
	s31 =	sor.u32 $0x10B0, s13;
	(erf) = vpow2.f32 v0;
	v0 =	vmul.f32 $7.135481390e-02, v4  }
0x15b: {  	[tilespmem:$0x1E170] =	vst v62;
	v62 =	vld [tilespmem:s31+$0x0];
	s31 =	sor.u32 $0x18A0, s13;
	v2 =	vsub.f32 $-1.595769170e+00, v3;
	v3 =	vmul.f32 v29, v29;
	v4 =	vmul.f32 v30, v30  }
0x15c: {  	(erf) = vpow2.f32 v1;
	[tilespmem:$0x1F6E0] =	vst v52;
	v52 =	vld [tilespmem:s31+$0x0]  }
0x15d: {  	v0 =	vsub.f32 $-1.595769170e+00, v0;
	v1 =	vmul.f32 $7.135481390e-02, v3;
	v3 =	vmul.f32 $7.135481390e-02, v4  }
0x15e: {  	v2 =	vmul.f32 v2, v28  }
0x15f: {  	[tilespmem:$0x1EE50] =	vst v7;
	s17 =	sor.u32 $0x3C70, s13;
	v0 =	vmul.f32 v0, v13;
	v3 =	vsub.f32 $-1.595769170e+00, v3  }
0x160: {  	[tilespmem:$0x1EED0] =	vst v21;
	v7 =	vld [tilespmem:s17+$0x0];
	s17 =	sor.u32 $0x8E0, s13;
	v2 =	vmul.f32 $1.442695020e+00, v2;
	v1 =	vsub.f32 $-1.595769170e+00, v1  }
0x161: {  	v21 =	vld [tilespmem:s17+$0x0];
	s17 =	sor.u32 $0x10D0, s13;
	v0 =	vmul.f32 $1.442695020e+00, v0;
	[tilespmem:$0x1F700] =	vst v52;
	v52 =	vmul.f32 v3, v30  }
0x162: {  	[tilespmem:$0x1EF30] =	vst v26;
	v26 =	vld [tilespmem:s17+$0x0];
	s17 =	sor.u32 $0x18D0, s13;
	v1 =	vmul.f32 v1, v29;
	(erf) = vpow2.f32 v2  }
0x163: {  	[tilespmem:$0x1EF80] =	vst v29;
	v29 =	vpop (erf);
	(erf) = vpow2.f32 v0;
	v0 =	vmul.f32 $1.442695020e+00, v52;
	v52 =	vld [tilespmem:s17+$0x0]  }
0x164: {  	s21 =	sor.u32 $0x3830, s13  }
0x165: {  	v31 =	vld [tilespmem:s21+$0x0];
	s21 =	sor.u32 $0x4B0, s13  }
0x166: {  	[tilespmem:$0x1EE90] =	vst v18;
	v18 =	vld [tilespmem:s21+$0x0];
	s21 =	sor.u32 $0xCA0, s13  }
0x167: {  	v56 =	vld [tilespmem:s21+$0x0];
	s21 =	sor.u32 $0x1490, s13  }
0x168: {  	v5 =	vld [tilespmem:s21+$0x0];
	s19 =	sor.u32 $0x18F0, s13;
	[tilespmem:$0x1F760] =	vst v52;
	v52 =	vpop (erf)  }
0x169: {  	s29 =	sor.u32 $0x3C20, s13;
	[tilespmem:$0x1E200] =	vst v52;
	v52 =	vld [tilespmem:s19+$0x0]  }
0x16a: {  	v54 =	vld [tilespmem:s29+$0x0];
	s29 =	sor.u32 $0x8A0, s13  }
0x16b: {  	[tilespmem:$0x1EEC0] =	vst v20;
	v20 =	vld [tilespmem:s29+$0x0];
	s29 =	sor.u32 $0x1090, s13  }
0x16c: {  	[tilespmem:$0x1E160] =	vst v60;
	v60 =	vld [tilespmem:s29+$0x0];
	s29 =	sor.u32 $0x1880, s13  }
0x16d: {  	[tilespmem:$0x1F5E0] =	vst v5;
	v5 =	vld [tilespmem:s29+$0x0];
	s20 =	sor.u32 $0x1C80, s13  }
0x16e: {  	s22 =	sor.u32 $0x3840, s13;
	[tilespmem:$0x1F7A0] =	vst v52;
	v52 =	vld [tilespmem:s20+$0x0]  }
0x16f: {  	v32 =	vld [tilespmem:s22+$0x0];
	_ =	sdelay $0x1  }
0x170: {  	v4 =	vmul.f32 v31, v31  }
0x171: {  	s24 =	sor.u32 $0x3860, s13;
	[tilespmem:$0x1F6C0] =	vst v5;
	v5 =	vpop (erf)  }
0x172: {  	v14 =	vld [tilespmem:s24+$0x0];
	s23 =	sor.u32 $0x1CB0, s13;
	v2 =	vmul.f32 $7.135481390e-02, v4;
	[tilespmem:$0x1F7C0] =	vst v52;
	v52 =	vpop (erf)  }
0x173: {  	s28 =	sor.u32 $0x3C10, s13;
	v4 =	vmul.f32 v32, v32;
	[tilespmem:$0x1E220] =	vst v52;
	v52 =	vld [tilespmem:s23+$0x0]  }
0x174: {  	v42 =	vld [tilespmem:s28+$0x0];
	s28 =	sor.u32 $0x890, s13;
	v1 =	vmul.f32 $1.442695020e+00, v1;
	v2 =	vsub.f32 $-1.595769170e+00, v2  }
0x175: {  	v47 =	vld [tilespmem:s28+$0x0];
	s28 =	sor.u32 $0x1080, s13;
	v3 =	vmul.f32 $7.135481390e-02, v4;
	v4 =	vmul.f32 v33, v33  }
0x176: {  	[tilespmem:$0x1E180] =	vst v24;
	v24 =	vld [tilespmem:s28+$0x0];
	s28 =	sor.u32 $0x14F0, s13;
	(erf) = vpow2.f32 v1;
	v1 =	vmul.f32 v2, v31  }
0x177: {  	[tilespmem:$0x1EF70] =	vst v13;
	v13 =	vld [tilespmem:s28+$0x0];
	s28 =	sor.u32 $0x1CF0, s13;
	(erf) = vpow2.f32 v0  }
0x178: {  	v0 =	vmul.f32 $7.135481390e-02, v4;
	v1 =	vmul.f32 $1.442695020e+00, v1;
	[tilespmem:$0x1F820] =	vst v52;
	v52 =	vpop (erf)  }
0x179: {  	v2 =	vsub.f32 $-1.595769170e+00, v3;
	v3 =	vmul.f32 v14, v14;
	v4 =	vmul.f32 v34, v34;
	[tilespmem:$0x1E230] =	vst v52;
	v52 =	vld [tilespmem:s28+$0x0]  }
0x17a: {  	[tilespmem:$0x1EE20] =	vst v8;
	v0 =	vsub.f32 $-1.595769170e+00, v0;
	(erf) = vpow2.f32 v1  }
0x17b: {  	[tilespmem:$0x1EF40] =	vst v12;
	v1 =	vmul.f32 $7.135481390e-02, v3;
	v3 =	vmul.f32 $7.135481390e-02, v4  }
0x17c: {  	v36 =	vld [tilespmem:s13+$0x80];
	[tilespmem:$0x1EFC0] =	vst v33;
	v2 =	vmul.f32 v2, v32;
	v0 =	vmul.f32 v0, v33  }
0x17d: {  	[tilespmem:$0x1E210] =	vst v5;
	v3 =	vsub.f32 $-1.595769170e+00, v3  }
0x17e: {  	v2 =	vmul.f32 $1.442695020e+00, v2;
	v0 =	vmul.f32 $1.442695020e+00, v0;
	v1 =	vsub.f32 $-1.595769170e+00, v1;
	[tilespmem:$0x1F8A0] =	vst v52;
	v52 =	vpop (erf)  }
0x17f: {  	s24 =	sor.u32 $0x4E0, s13;
	v5 =	vmov v14;
	v4 =	vmul.f32 v35, v35;
	[tilespmem:$0x1E240] =	vst v52;
	v52 =	vmul.f32 v3, v34  }
0x180: {  	[tilespmem:$0x1E0B0] =	vst v46;
	v46 =	vld [tilespmem:s24+$0x0];
	s31 =	sor.u32 $0x20A0, s13;
	v1 =	vmul.f32 v1, v5;
	(erf) = vpow2.f32 v2  }
0x181: {  	[tilespmem:$0x1F0C0] =	vst v36;
	s24 =	sor.u32 $0xCD0, s13;
	(erf) = vpow2.f32 v0;
	v0 =	vmul.f32 $1.442695020e+00, v52;
	v52 =	vld [tilespmem:s31+$0x0]  }
0x182: {  	[tilespmem:$0x1E140] =	vst v57;
	v57 =	vld [tilespmem:s24+$0x0];
	s24 =	sor.u32 $0x14C0, s13;
	v2 =	vmul.f32 $7.135481390e-02, v4;
	v4 =	vmul.f32 v42, v42  }
0x183: {  	s16 =	sor.u32 $0x3C30, s13;
	[tilespmem:$0x1EF60] =	vst v28;
	v28 =	vld [tilespmem:s24+$0x0];
	s24 =	sor.u32 $0x1CC0, s13  }
0x184: {  	v58 =	vld [tilespmem:s16+$0x0];
	v1 =	vmul.f32 $1.442695020e+00, v1;
	v2 =	vsub.f32 $-1.595769170e+00, v2;
	v3 =	vmul.f32 $7.135481390e-02, v4  }
0x185: {  	[tilespmem:$0x1EE60] =	vst v16;
	s19 =	sor.u32 $0x20D0, s13;
	v33 =	vld [tilespmem:s24+$0x0]  }
0x186: {  	[tilespmem:$0x1F900] =	vst v52;
	v52 =	vpop (erf);
	(erf) = vpow2.f32 v1;
	v1 =	vmul.f32 v2, v35;
	v2 =	vsub.f32 $-1.595769170e+00, v3;
	v3 =	vld [tilespmem:s19+$0x0]  }
0x187: {  	[tilespmem:$0x1EFA0] =	vst v31  }
0x188: {  	[tilespmem:$0x1EFD0] =	vst v14  }
0x189: {  	[tilespmem:$0x1E060] =	vst v39  }
0x18a: {  	s25 =	sor.u32 $0x1CD0, s13;
	[tilespmem:$0x1F840] =	vst v33;
	v5 =	vmov v42  }
0x18b: {  	v33 =	vld [tilespmem:s25+$0x0];
	v1 =	vmul.f32 $1.442695020e+00, v1;
	[tilespmem:$0x1F960] =	vst v3;
	v3 =	vmul.f32 v58, v58  }
0x18c: {  	v39 =	vld [tilespmem:s13+$0xC0];
	s16 =	sor.u32 $0x3C60, s13;
	[tilespmem:$0x1E250] =	vst v52;
	v52 =	vpop (erf);
	(erf) = vpow2.f32 v0;
	v2 =	vmul.f32 v2, v5  }
0x18d: {  	[tilespmem:$0x1F010] =	vst v54;
	v16 =	vld [tilespmem:s16+$0x0];
	v5 =	vpop (erf);
	(erf) = vpow2.f32 v1;
	v1 =	vmul.f32 $7.135481390e-02, v3  }
0x18e: {  	[tilespmem:$0x1EEA0] =	vst v19;
	s22 =	sor.u32 $0x4C0, s13;
	v38 =	vld [tilespmem:s13+$0xA0]  }
0x18f: {  	[tilespmem:$0x1EE70] =	vst v17;
	v19 =	vld [tilespmem:s22+$0x0];
	s26 =	sor.u32 $0x1CE0, s13;
	v1 =	vsub.f32 $-1.595769170e+00, v1  }
0x190: {  	[tilespmem:$0x1F860] =	vst v33;
	v33 =	vld [tilespmem:s26+$0x0];
	s26 =	sor.u32 $0x24C0, s13  }
0x191: {  	[tilespmem:$0x1F020] =	vst v58;
	s22 =	sor.u32 $0xCB0, s13;
	v1 =	vmul.f32 v1, v58;
	v58 =	vld [tilespmem:s26+$0x0]  }
0x192: {  	[tilespmem:$0x1E120] =	vst v55;
	v55 =	vld [tilespmem:s22+$0x0];
	s21 =	sor.u32 $0x1C90, s13;
	v4 =	vmul.f32 v54, v54  }
0x193: {  	[tilespmem:$0x1EFE0] =	vst v34;
	v14 =	vld [tilespmem:s21+$0x0];
	s20 =	sor.u32 $0x20E0, s13  }
0x194: {  	[tilespmem:$0x1EFB0] =	vst v32;
	s29 =	sor.u32 $0x2080, s13;
	v0 =	vmul.f32 $7.135481390e-02, v4;
	v4 =	vld [tilespmem:s20+$0x0]  }
0x195: {  	s21 =	sor.u32 $0x20F0, s13;
	v34 =	vld [tilespmem:s29+$0x0];
	[tilespmem:$0x1E270] =	vst v5;
	v5 =	vpop (erf)  }
0x196: {  	s29 =	sor.u32 $0x24E0, s13;
	v3 =	vld [tilespmem:s21+$0x0];
	[tilespmem:$0x1FA40] =	vst v58;
	v58 =	vpop (erf)  }
0x197: {  	s22 =	sor.u32 $0x14A0, s13;
	[tilespmem:$0x1E290] =	vst v58;
	v58 =	vld [tilespmem:s29+$0x0]  }
0x198: {  	[tilespmem:$0x1E1C0] =	vst v27;
	v27 =	vld [tilespmem:s22+$0x0];
	s22 =	sor.u32 $0x1CA0, s13  }
0x199: {  	s30 =	sor.u32 $0x2090, s13;
	v32 =	vld [tilespmem:s22+$0x0];
	[tilespmem:$0x1F980] =	vst v4;
	v4 =	vmul.f32 v6, v6  }
0x19a: {  	[tilespmem:$0x1F000] =	vst v42;
	s22 =	sor.u32 $0x2480, s13;
	v42 =	vld [tilespmem:s30+$0x0]  }
0x19b: {  	s30 =	sor.u32 $0x24F0, s13;
	[tilespmem:$0x1F9A0] =	vst v3;
	v3 =	vmul.f32 $7.135481390e-02, v4;
	v4 =	vld [tilespmem:s22+$0x0]  }
0x19c: {  	[tilespmem:$0x1FA80] =	vst v58;
	v58 =	vld [tilespmem:s30+$0x0]  }
0x19d: {  	[tilespmem:$0x1F060] =	vst v15;
	v8 =	vld [tilespmem:s13+$0xB0]  }
0x19e: {  	s18 =	sor.u32 $0x480, s13;
	[tilespmem:$0x1F140] =	vst v39;
	v37 =	vld [tilespmem:s13+$0x90]  }
0x19f: {  	[tilespmem:$0x1EF90] =	vst v30;
	v43 =	vld [tilespmem:s18+$0x0];
	s18 =	sor.u32 $0x8F0, s13;
	v0 =	vsub.f32 $-1.595769170e+00, v0  }
0x1a0: {  	v51 =	vld [tilespmem:s18+$0x0];
	s31 =	sor.u32 $0x2880, s13;
	v2 =	vmul.f32 $1.442695020e+00, v2;
	[tilespmem:$0x1F9C0] =	vst v4;
	v4 =	vmul.f32 v15, v15  }
0x1a1: {  	s25 =	sor.u32 $0x24B0, s13;
	v0 =	vmul.f32 v0, v54;
	[tilespmem:$0x1FAA0] =	vst v58;
	v58 =	vld [tilespmem:s31+$0x0]  }
0x1a2: {  	s16 =	sor.u32 $0x8D0, s13;
	[tilespmem:$0x1F040] =	vst v6;
	(erf) = vpow2.f32 v2;
	v2 =	vmul.f32 $7.135481390e-02, v4;
	v4 =	vld [tilespmem:s25+$0x0]  }
0x1a3: {  	[tilespmem:$0x1EFF0] =	vst v35;
	v53 =	vld [tilespmem:s16+$0x0];
	s16 =	sor.u32 $0x10C0, s13  }
0x1a4: {  	[tilespmem:$0x1E190] =	vst v63;
	v63 =	vld [tilespmem:s16+$0x0];
	s17 =	sor.u32 $0x20B0, s13;
	v0 =	vmul.f32 $1.442695020e+00, v0  }
0x1a5: {  	[tilespmem:$0x1F080] =	vst v16;
	v35 =	vld [tilespmem:s17+$0x0];
	s17 =	sor.u32 $0x28A0, s13;
	v3 =	vsub.f32 $-1.595769170e+00, v3  }
0x1a6: {  	s28 =	sor.u32 $0x24D0, s13;
	(erf) = vpow2.f32 v0;
	[tilespmem:$0x1FAC0] =	vst v58;
	v58 =	vld [tilespmem:s17+$0x0]  }
0x1a7: {  	s18 =	sor.u32 $0x10E0, s13;
	v0 =	vsub.f32 $-1.595769170e+00, v2;
	v2 =	vmul.f32 v3, v6;
	v6 =	vld [tilespmem:s28+$0x0];
	[tilespmem:$0x1FA20] =	vst v4;
	v4 =	vmul.f32 v16, v16  }
0x1a8: {  	s16 =	sor.u32 $0x18C0, s13;
	v12 =	vld [tilespmem:s18+$0x0];
	[tilespmem:$0x1E1F0] =	vst v29;
	v1 =	vmul.f32 $1.442695020e+00, v1  }
0x1a9: {  	v29 =	vld [tilespmem:s16+$0x0];
	s16 =	sor.u32 $0x2890, s13;
	[tilespmem:$0x1E280] =	vst v5;
	v0 =	vmul.f32 v0, v15;
	v15 =	vpop (erf);
	v3 =	vmul.f32 $7.135481390e-02, v4  }
0x1aa: {  	s24 =	sor.u32 $0x24A0, s13;
	s20 =	sor.u32 $0x28D0, s13;
	[tilespmem:$0x1E2A0] =	vst v15;
	v15 =	vld [tilespmem:s16+$0x0]  }
0x1ab: {  	v2 =	vmul.f32 $1.442695020e+00, v2;
	(erf) = vpow2.f32 v1;
	v1 =	vsub.f32 $-1.595769170e+00, v3;
	[tilespmem:$0x1FB00] =	vst v58;
	v58 =	vld [tilespmem:s20+$0x0]  }
0x1ac: {  	s19 =	sor.u32 $0x28C0, s13;
	v5 =	vld [tilespmem:s24+$0x0];
	v0 =	vmul.f32 $1.442695020e+00, v0;
	[tilespmem:$0x1FA60] =	vst v6;
	v6 =	vpop (erf);
	v4 =	vmul.f32 v7, v7  }
0x1ad: {  	s18 =	sor.u32 $0x18E0, s13;
	[tilespmem:$0x1E2B0] =	vst v6;
	v6 =	vmul.f32 v36, v36;
	v1 =	vmul.f32 v1, v16;
	v16 =	vld [tilespmem:s19+$0x0]  }
0x1ae: {  	v31 =	vld [tilespmem:s18+$0x0];
	s18 =	sor.u32 $0x20C0, s13;
	[tilespmem:$0x1E260] =	vst v52;
	(erf) = vpow2.f32 v2;
	v2 =	vmul.f32 $7.135481390e-02, v4  }
0x1af: {  	s23 =	sor.u32 $0x2490, s13;
	v52 =	vld [tilespmem:s18+$0x0];
	[tilespmem:$0x1FAE0] =	vst v15;
	v15 =	vpop (erf);
	(erf) = vpow2.f32 v0;
	v0 =	vmul.f32 $7.135481390e-02, v6  }
0x1b0: {  	s18 =	sor.u32 $0x28B0, s13;
	v54 =	vld [tilespmem:s23+$0x0];
	v1 =	vmul.f32 $1.442695020e+00, v1;
	[tilespmem:$0x1FB60] =	vst v58;
	v58 =	vsub.f32 $-1.595769170e+00, v2  }
0x1b1: {  	s23 =	sor.u32 $0x2C80, s13;
	[tilespmem:$0x1FA00] =	vst v5;
	v5 =	vld [tilespmem:s18+$0x0];
	v0 =	vsub.f32 $-1.595769170e+00, v0  }
0x1b2: {  	s24 =	sor.u32 $0x2C90, s13;
	[tilespmem:$0x1FB40] =	vst v16;
	v16 =	vpop (erf);
	(erf) = vpow2.f32 v1;
	v1 =	vmul.f32 v58, v7;
	v58 =	vld [tilespmem:s23+$0x0]  }
0x1b3: {  	[tilespmem:$0x1E0A0] =	vst v41;
	v0 =	vmul.f32 v0, v36;
	v36 =	vld [tilespmem:s24+$0x0]  }
0x1b4: {  	[tilespmem:$0x1F100] =	vst v38  }
0x1b5: {  	[tilespmem:$0x1F120] =	vst v8;
	v17 =	vld [tilespmem:s13+$0xD0]  }
0x1b6: {  	s21 =	sor.u32 $0x28E0, s13;
	[tilespmem:$0x1FB20] =	vst v5;
	v6 =	vmul.f32 v37, v37  }
0x1b7: {  	s26 =	sor.u32 $0x2CB0, s13;
	v5 =	vld [tilespmem:s21+$0x0];
	[tilespmem:$0x1FBC0] =	vst v58;
	v58 =	vmul.f32 v8, v8  }
0x1b8: {  	s25 =	sor.u32 $0x2CA0, s13;
	[tilespmem:$0x1FBE0] =	vst v36;
	v36 =	vld [tilespmem:s26+$0x0];
	v2 =	vmul.f32 $7.135481390e-02, v6  }
0x1b9: {  	[tilespmem:$0x1F0E0] =	vst v37;
	v3 =	vmul.f32 v38, v38;
	v4 =	vmul.f32 $7.135481390e-02, v58;
	v58 =	vld [tilespmem:s25+$0x0]  }
0x1ba: {  	[tilespmem:$0x1F160] =	vst v17;
	v2 =	vsub.f32 $-1.595769170e+00, v2  }
0x1bb: {  	[tilespmem:$0x1F0A0] =	vst v7;
	s22 =	sor.u32 $0x28F0, s13;
	v3 =	vmul.f32 $7.135481390e-02, v3  }
0x1bc: {  	[tilespmem:$0x1FB80] =	vst v5;
	s28 =	sor.u32 $0x2CC0, s13;
	v6 =	vld [tilespmem:s22+$0x0];
	v1 =	vmul.f32 $1.442695020e+00, v1;
	v2 =	vmul.f32 v2, v37;
	v37 =	vsub.f32 $-1.595769170e+00, v4  }
0x1bd: {  	s31 =	sor.u32 $0x2CF0, s13;
	[tilespmem:$0x1FC20] =	vst v36;
	v7 =	vld [tilespmem:s28+$0x0]  }
0x1be: {  	s29 =	sor.u32 $0x2CD0, s13;
	[tilespmem:$0x1FC00] =	vst v58;
	v58 =	vpop (erf);
	(erf) = vpow2.f32 v1;
	v1 =	vsub.f32 $-1.595769170e+00, v3;
	v3 =	vmul.f32 v37, v8;
	v37 =	vld [tilespmem:s31+$0x0]  }
0x1bf: {  	s30 =	sor.u32 $0x2CE0, s13;
	[tilespmem:$0x1E2C0] =	vst v58;
	v36 =	vpop (erf);
	v58 =	vld [tilespmem:s29+$0x0]  }
0x1c0: {  	[tilespmem:$0x1E2D0] =	vst v36;
	v36 =	vld [tilespmem:s30+$0x0]  }
0x1c1: {  	v40 =	vld [tilespmem:s13+$0xE0];
	[tilespmem:$0x1FBA0] =	vst v6  }
0x1c2: {  	v41 =	vld [tilespmem:s13+$0xF0];
	[tilespmem:$0x1FC40] =	vst v7  }
0x1c3: {  	v0 =	vmul.f32 $1.442695020e+00, v0;
	[tilespmem:$0x1FCA0] =	vst v37  }
0x1c4: {  	[tilespmem:$0x1FC60] =	vst v58  }
0x1c5: {  	s15 =	sor.u32 $0x18B0, s13;
	v5 =	vmul.f32 v39, v39;
	(erf) = vpow2.f32 v0;
	[tilespmem:$0x1FC80] =	vst v36  }
0x1c6: {  	v30 =	vld [tilespmem:s15+$0x0];
	s16 =	sor.u32 $0x3080, s13;
	v1 =	vmul.f32 v1, v38;
	v38 =	vmul.f32 v17, v17;
	v58 =	vpop (erf);
	[tilespmem:$0x1F180] =	vst v40  }
0x1c7: {  	s21 =	sor.u32 $0x30D0, s13;
	s17 =	sor.u32 $0x3090, s13;
	v0 =	vmul.f32 $7.135481390e-02, v5;
	[tilespmem:$0x1F1A0] =	vst v41;
	v7 =	vld [tilespmem:s16+$0x0]  }
0x1c8: {  	s19 =	sor.u32 $0x30B0, s13;
	s20 =	sor.u32 $0x30C0, s13;
	v8 =	vmul.f32 $7.135481390e-02, v38;
	[tilespmem:$0x1F1C0] =	vst v43;
	v38 =	vld [tilespmem:s17+$0x0]  }
0x1c9: {  	v2 =	vmul.f32 $1.442695020e+00, v2;
	v0 =	vsub.f32 $-1.595769170e+00, v0;
	[tilespmem:$0x1F1E0] =	vst v9;
	v36 =	vld [tilespmem:s19+$0x0]  }
0x1ca: {  	v6 =	vmul.f32 v41, v41;
	v1 =	vmul.f32 $1.442695020e+00, v1;
	v8 =	vsub.f32 $-1.595769170e+00, v8;
	[tilespmem:$0x1E2E0] =	vst v58;
	v58 =	vpop (erf);
	v37 =	vld [tilespmem:s20+$0x0]  }
0x1cb: {  	s23 =	sor.u32 $0x30F0, s13;
	v0 =	vmul.f32 v0, v39;
	(erf) = vpow2.f32 v2;
	[tilespmem:$0x1E2F0] =	vst v58;
	v58 =	vld [tilespmem:s21+$0x0]  }
0x1cc: {  	(erf) = vpow2.f32 v1;
	v1 =	vmul.f32 v8, v17;
	v8 =	vld [tilespmem:s23+$0x0];
	[tilespmem:$0x1FCC0] =	vst v7  }
0x1cd: {  	s18 =	sor.u32 $0x30A0, s13;
	v3 =	vmul.f32 $1.442695020e+00, v3;
	[tilespmem:$0x1FCE0] =	vst v38  }
0x1ce: {  	v0 =	vmul.f32 $1.442695020e+00, v0;
	v2 =	vmul.f32 $7.135481390e-02, v6;
	[tilespmem:$0x1FD20] =	vst v36  }
0x1cf: {  	s24 =	sor.u32 $0x3480, s13;
	v39 =	vpop (erf);
	(erf) = vpow2.f32 v3;
	v7 =	vld [tilespmem:s18+$0x0];
	[tilespmem:$0x1FD40] =	vst v37;
	v37 =	vmul.f32 v43, v43  }
0x1d0: {  	s28 =	sor.u32 $0x34B0, s13;
	v17 =	vpop (erf);
	v2 =	vsub.f32 $-1.595769170e+00, v2;
	(erf) = vpow2.f32 v0;
	v38 =	vmul.f32 v40, v40;
	v36 =	vld [tilespmem:s24+$0x0];
	[tilespmem:$0x1FD60] =	vst v58  }
0x1d1: {  	s30 =	sor.u32 $0x34D0, s13;
	v1 =	vmul.f32 $1.442695020e+00, v1;
	[tilespmem:$0x1FDA0] =	vst v8;
	v58 =	vpop (erf);
	v8 =	vmul.f32 $7.135481390e-02, v37;
	v37 =	vld [tilespmem:s28+$0x0]  }
0x1d2: {  	v0 =	vmul.f32 $7.135481390e-02, v38;
	v38 =	vmul.f32 v9, v9;
	[tilespmem:$0x1E300] =	vst v58;
	v58 =	vld [tilespmem:s30+$0x0]  }
0x1d3: {  	s26 =	sor.u32 $0x34A0, s13;
	s22 =	sor.u32 $0x30E0, s13;
	[tilespmem:$0x1F220] =	vst v18;
	v2 =	vmul.f32 v2, v41;
	v41 =	vmul.f32 v18, v18  }
0x1d4: {  	v0 =	vsub.f32 $-1.595769170e+00, v0;
	v3 =	vmul.f32 $7.135481390e-02, v38;
	v38 =	vmul.f32 v44, v44;
	[tilespmem:$0x1FD00] =	vst v7;
	v7 =	vld [tilespmem:s22+$0x0]  }
0x1d5: {  	s29 =	sor.u32 $0x34C0, s13;
	(erf) = vpow2.f32 v1;
	v1 =	vsub.f32 $-1.595769170e+00, v8;
	[tilespmem:$0x1FDC0] =	vst v36;
	v36 =	vld [tilespmem:s26+$0x0]  }
0x1d6: {  	s25 =	sor.u32 $0x3490, s13;
	s16 =	sor.u32 $0x3890, s13;
	v0 =	vmul.f32 v0, v40;
	v40 =	vld [tilespmem:s29+$0x0];
	v4 =	vmul.f32 $7.135481390e-02, v38;
	[tilespmem:$0x1FE20] =	vst v37  }
0x1d7: {  	v5 =	vmul.f32 $7.135481390e-02, v41;
	v8 =	vld [tilespmem:s16+$0x0];
	v3 =	vsub.f32 $-1.595769170e+00, v3;
	v1 =	vmul.f32 v1, v43;
	[tilespmem:$0x1FE60] =	vst v58;
	v37 =	vpop (erf)  }
0x1d8: {  	s31 =	sor.u32 $0x34E0, s13;
	v2 =	vmul.f32 $1.442695020e+00, v2;
	v0 =	vmul.f32 $1.442695020e+00, v0;
	[tilespmem:$0x1E310] =	vst v37;
	v38 =	vsub.f32 $-1.595769170e+00, v4;
	v41 =	vpop (erf)  }
0x1d9: {  	v43 =	vsub.f32 $-1.595769170e+00, v5;
	v3 =	vmul.f32 v3, v9;
	v1 =	vmul.f32 $1.442695020e+00, v1;
	v58 =	vpop (erf);
	[tilespmem:$0x1FD80] =	vst v7;
	v7 =	vld [tilespmem:s25+$0x0]  }
0x1da: {  	s17 =	sor.u32 $0x34F0, s13;
	[tilespmem:$0x1FE00] =	vst v36;
	v36 =	vld [tilespmem:s31+$0x0];
	(erf) = vpow2.f32 v0;
	v0 =	vmul.f32 v38, v44;
	v9 =	vpop (erf)  }
0x1db: {  	v3 =	vmul.f32 $1.442695020e+00, v3;
	[tilespmem:$0x1FE40] =	vst v40;
	v40 =	vld [tilespmem:s17+$0x0];
	(erf) = vpow2.f32 v2;
	v37 =	vpop (erf)  }
0x1dc: {  	[tilespmem:$0x1FEE0] =	vst v8;
	v2 =	vmul.f32 v43, v18;
	(erf) = vpow2.f32 v1;
	v38 =	vpop (erf)  }
0x1dd: {  	[tilespmem:$0x1E340] =	vst v9;
	v0 =	vmul.f32 $1.442695020e+00, v0;
	(erf) = vpow2.f32 v3;
	v43 =	vpop (erf)  }
0x1de: {  	v6 =	vmul.f32 v19, v19;
	s17 =	sor.u32 $0x38A0, s13;
	v4 =	vpop (erf);
	[tilespmem:$0x1FDE0] =	vst v7  }
0x1df: {  	(erf) = vpow2.f32 v0;
	[tilespmem:$0x1FE80] =	vst v36;
	v36 =	vld [tilespmem:s17+$0x0];
	v7 =	vpop (erf)  }
0x1e0: {  	s22 =	sor.u32 $0x38F0, s13;
	v0 =	vmul.f32 $7.135481390e-02, v6;
	[tilespmem:$0x1FEA0] =	vst v40;
	v40 =	vmul.f32 $1.442695020e+00, v2;
	v9 =	vpop (erf)  }
0x1e1: {  	v8 =	vld [tilespmem:s22+$0x0];
	[tilespmem:$0x1E350] =	vst v37;
	v18 =	vpop (erf)  }
0x1e2: {  	[tilespmem:$0x1E360] =	vst v38;
	v0 =	vsub.f32 $-1.595769170e+00, v0;
	(erf) = vpow2.f32 v40;
	v37 =	vpop (erf)  }
0x1e3: {  	[tilespmem:$0x1E390] =	vst v7;
	v40 =	vmul.f32 v46, v46;
	v38 =	vpop (erf)  }
0x1e4: {  	v0 =	vmul.f32 v0, v19;
	[tilespmem:$0x1FF00] =	vst v36;
	v36 =	vmul.f32 v45, v45;
	v6 =	vpop (erf)  }
0x1e5: {  	[tilespmem:$0x1E3A0] =	vst v9;
	v9 =	vmul.f32 v10, v10;
	v2 =	vmul.f32 $7.135481390e-02, v40;
	v7 =	vpop (erf)  }
0x1e6: {  	[tilespmem:$0x1FF70] =	vst v8;
	v0 =	vmul.f32 $1.442695020e+00, v0;
	v1 =	vmul.f32 $7.135481390e-02, v36;
	v8 =	vpop (erf)  }
0x1e7: {  	v2 =	vsub.f32 $-1.595769170e+00, v2;
	[tilespmem:$0x1F070] =	vst v8;
	v8 =	vmul.f32 $7.135481390e-02, v9;
	v9 =	vmul.f32 v48, v48  }
0x1e8: {  	(erf) = vpow2.f32 v0;
	v1 =	vsub.f32 $-1.595769170e+00, v1  }
0x1e9: {  	[tilespmem:$0x1F280] =	vst v46;
	v2 =	vmul.f32 v2, v46;
	v46 =	vmul.f32 $7.135481390e-02, v9;
	v0 =	vsub.f32 $-1.595769170e+00, v8  }
0x1ea: {  	[tilespmem:$0x1E3D0] =	vst v38;
	v38 =	vpop (erf);
	v9 =	vmul.f32 v20, v20;
	v1 =	vmul.f32 v1, v45  }
0x1eb: {  	[tilespmem:$0x1F260] =	vst v45;
	v2 =	vmul.f32 $1.442695020e+00, v2;
	v45 =	vpop (erf);
	v0 =	vmul.f32 v0, v10  }
0x1ec: {  	[tilespmem:$0x1F0B0] =	vst v45;
	v1 =	vmul.f32 $1.442695020e+00, v1;
	v45 =	vmul.f32 v47, v47  }
0x1ed: {  	[tilespmem:$0x1F2A0] =	vst v10;
	v10 =	vmul.f32 $7.135481390e-02, v9;
	v0 =	vmul.f32 $1.442695020e+00, v0  }
0x1ee: {  	(erf) = vpow2.f32 v1;
	v8 =	vmul.f32 $7.135481390e-02, v45;
	v1 =	vsub.f32 $-1.595769170e+00, v46  }
0x1ef: {  	v45 =	vmul.f32 v49, v49;
	(erf) = vpow2.f32 v2  }
0x1f0: {  	[tilespmem:$0x1F2C0] =	vst v48;
	v2 =	vsub.f32 $-1.595769170e+00, v10;
	v10 =	vmul.f32 v53, v53;
	v1 =	vmul.f32 v1, v48  }
0x1f1: {  	[tilespmem:$0x1F300] =	vst v20;
	v3 =	vsub.f32 $-1.595769170e+00, v8;
	(erf) = vpow2.f32 v0;
	v48 =	vmul.f32 v50, v50  }
0x1f2: {  	[tilespmem:$0x1F050] =	vst v7;
	v7 =	vmul.f32 v2, v20;
	v20 =	vmul.f32 v21, v21  }
0x1f3: {  	[tilespmem:$0x1F2E0] =	vst v47;
	v46 =	vmul.f32 v3, v47;
	v47 =	vmul.f32 $7.135481390e-02, v45  }
0x1f4: {  	v1 =	vmul.f32 $1.442695020e+00, v1;
	v8 =	vmul.f32 $7.135481390e-02, v48  }
0x1f5: {  	v45 =	vmul.f32 $7.135481390e-02, v10;
	v0 =	vmul.f32 $1.442695020e+00, v46  }
0x1f6: {  	(erf) = vpow2.f32 v1;
	v9 =	vsub.f32 $-1.595769170e+00, v47;
	v1 =	vmul.f32 $1.442695020e+00, v7  }
0x1f7: {  	v46 =	vmul.f32 $7.135481390e-02, v20;
	v47 =	vmul.f32 v51, v51  }
0x1f8: {  	(erf) = vpow2.f32 v0;
	v2 =	vmul.f32 v9, v49  }
0x1f9: {  	[tilespmem:$0x1F320] =	vst v49;
	v0 =	vsub.f32 $-1.595769170e+00, v8;
	v48 =	vmul.f32 $7.135481390e-02, v47;
	v49 =	vmul.f32 v11, v11  }
0x1fa: {  	v3 =	vsub.f32 $-1.595769170e+00, v46;
	v8 =	vmul.f32 v22, v22;
	(erf) = vpow2.f32 v1  }
0x1fb: {  	v1 =	vsub.f32 $-1.595769170e+00, v45;
	v45 =	vmul.f32 v55, v55;
	v2 =	vmul.f32 $1.442695020e+00, v2  }
0x1fc: {  	[tilespmem:$0x1F340] =	vst v50;
	v0 =	vmul.f32 v0, v50;
	v50 =	vmul.f32 v3, v21  }
0x1fd: {  	[tilespmem:$0x1F380] =	vst v21;
	v10 =	vmul.f32 $7.135481390e-02, v8;
	v21 =	vmul.f32 v56, v56  }
0x1fe: {  	[tilespmem:$0x1F360] =	vst v53;
	v1 =	vmul.f32 v1, v53;
	v53 =	vmul.f32 $7.135481390e-02, v49  }
0x1ff: {  	v47 =	vmul.f32 $7.135481390e-02, v45;
	v45 =	vmul.f32 v24, v24  }
0x200: {  	(erf) = vpow2.f32 v2;
	v0 =	vmul.f32 $1.442695020e+00, v0  }
0x201: {  	v2 =	vsub.f32 $-1.595769170e+00, v48;
	v46 =	vmul.f32 $7.135481390e-02, v21;
	v48 =	vmul.f32 v23, v23;
	v49 =	vpop (erf)  }
0x202: {  	v1 =	vmul.f32 $1.442695020e+00, v1;
	[tilespmem:$0x1F0D0] =	vst v49;
	v49 =	vmul.f32 v60, v60  }
0x203: {  	(erf) = vpow2.f32 v0;
	v0 =	vmul.f32 $1.442695020e+00, v50  }
0x204: {  	v20 =	vsub.f32 $-1.595769170e+00, v53;
	v9 =	vmul.f32 v2, v51;
	v50 =	vmul.f32 $7.135481390e-02, v48  }
0x205: {  	[tilespmem:$0x1F3A0] =	vst v51;
	v3 =	vsub.f32 $-1.595769170e+00, v47;
	v51 =	vmul.f32 v57, v57;
	v48 =	vmul.f32 $7.135481390e-02, v45  }
0x206: {  	v45 =	vmul.f32 v12, v12;
	(erf) = vpow2.f32 v1  }
0x207: {  	[tilespmem:$0x1F420] =	vst v55;
	v2 =	vmul.f32 v20, v11;
	v55 =	vmul.f32 v3, v55  }
0x208: {  	v53 =	vpop (erf);
	(erf) = vpow2.f32 v0;
	v1 =	vmul.f32 $1.442695020e+00, v9;
	v0 =	vsub.f32 $-1.595769170e+00, v10  }
0x209: {  	[tilespmem:$0x1F0F0] =	vst v53;
	v9 =	vmul.f32 v59, v59;
	v53 =	vmul.f32 v25, v25  }
0x20a: {  	v3 =	vsub.f32 $-1.595769170e+00, v48;
	v48 =	vld [tilespmem:$0x1F5A0];
	v2 =	vmul.f32 $1.442695020e+00, v2;
	v0 =	vmul.f32 v0, v22  }
0x20b: {  	(erf) = vpow2.f32 v1;
	v1 =	vsub.f32 $-1.595769170e+00, v46;
	v21 =	vmul.f32 $7.135481390e-02, v9  }
0x20c: {  	(erf) = vpow2.f32 v2;
	v2 =	vsub.f32 $-1.595769170e+00, v50;
	v0 =	vmul.f32 $1.442695020e+00, v0  }
0x20d: {  	[tilespmem:$0x1F400] =	vst v56;
	v1 =	vmul.f32 v1, v56;
	v56 =	vmul.f32 $7.135481390e-02, v51  }
0x20e: {  	[tilespmem:$0x1F3C0] =	vst v11;
	v51 =	vmul.f32 $7.135481390e-02, v49;
	v11 =	vmul.f32 v2, v23  }
0x20f: {  	[tilespmem:$0x1F440] =	vst v23;
	v23 =	vmul.f32 v61, v61;
	v49 =	vmul.f32 v48, v48  }
0x210: {  	(erf) = vpow2.f32 v0;
	v1 =	vmul.f32 $1.442695020e+00, v1  }
0x211: {  	[tilespmem:$0x1F3E0] =	vst v22;
	v0 =	vmul.f32 $1.442695020e+00, v55;
	v22 =	vsub.f32 $-1.595769170e+00, v56;
	v56 =	vmul.f32 v3, v24  }
0x212: {  	v10 =	vpop (erf);
	v47 =	vmul.f32 $7.135481390e-02, v23;
	(erf) = vpow2.f32 v1  }
0x213: {  	v1 =	vmul.f32 $1.442695020e+00, v11;
	v2 =	vmul.f32 v22, v57  }
0x214: {  	[tilespmem:$0x1F460] =	vst v57;
	v57 =	vmul.f32 $7.135481390e-02, v53;
	v22 =	vmul.f32 v26, v26  }
0x215: {  	[tilespmem:$0x1F480] =	vst v59;
	v20 =	vpop (erf);
	v53 =	vmul.f32 $7.135481390e-02, v49;
	(erf) = vpow2.f32 v0  }
0x216: {  	[tilespmem:$0x1F4A0] =	vst v61;
	v46 =	vpop (erf);
	v0 =	vsub.f32 $-1.595769170e+00, v21;
	v21 =	vmul.f32 v63, v63;
	(erf) = vpow2.f32 v1  }
0x217: {  	v2 =	vmul.f32 $1.442695020e+00, v2;
	v1 =	vsub.f32 $-1.595769170e+00, v47;
	v47 =	vmul.f32 $7.135481390e-02, v45  }
0x218: {  	[tilespmem:$0x1F4C0] =	vst v24;
	v50 =	vpop (erf);
	v45 =	vmul.f32 v28, v28;
	v0 =	vmul.f32 v0, v59  }
0x219: {  	[tilespmem:$0x1F130] =	vst v20;
	v55 =	vpop (erf);
	v59 =	vmul.f32 v62, v62;
	v24 =	vmul.f32 $7.135481390e-02, v21  }
0x21a: {  	[tilespmem:$0x1F190] =	vst v55;
	v55 =	vld [tilespmem:$0x1F5C0];
	(erf) = vpow2.f32 v2;
	v1 =	vmul.f32 v1, v61;
	v2 =	vsub.f32 $-1.595769170e+00, v51  }
0x21b: {  	v20 =	vsub.f32 $-1.595769170e+00, v57;
	v0 =	vmul.f32 $1.442695020e+00, v0;
	v11 =	vmul.f32 $7.135481390e-02, v59  }
0x21c: {  	[tilespmem:$0x1F500] =	vst v25;
	v1 =	vmul.f32 $1.442695020e+00, v1;
	v9 =	vmul.f32 v2, v60  }
0x21d: {  	[tilespmem:$0x1F110] =	vst v10;
	v49 =	vld [tilespmem:$0x1F660];
	v61 =	vpop (erf);
	v2 =	vmul.f32 v20, v25;
	v25 =	vmul.f32 $7.135481390e-02, v22  }
0x21e: {  	[tilespmem:$0x1F150] =	vst v46;
	v10 =	vpop (erf);
	(erf) = vpow2.f32 v0;
	v0 =	vmul.f32 $1.442695020e+00, v56  }
0x21f: {  	[tilespmem:$0x1F170] =	vst v50;
	v23 =	vpop (erf);
	v56 =	vmul.f32 v55, v55;
	(erf) = vpow2.f32 v1  }
0x220: {  	[tilespmem:$0x1F1B0] =	vst v61;
	v46 =	vpop (erf);
	v1 =	vmul.f32 $1.442695020e+00, v9;
	v2 =	vmul.f32 $1.442695020e+00, v2  }
0x221: {  	[tilespmem:$0x1F1F0] =	vst v23;
	v23 =	vld [tilespmem:$0x1F620];
	v3 =	vsub.f32 $-1.595769170e+00, v25;
	v50 =	vpop (erf);
	v9 =	vmul.f32 v31, v31;
	(erf) = vpow2.f32 v0  }
0x222: {  	v0 =	vsub.f32 $-1.595769170e+00, v11;
	[tilespmem:$0x1F230] =	vst v50;
	v61 =	vmul.f32 $7.135481390e-02, v56;
	v50 =	vmul.f32 v49, v49  }
0x223: {  	(erf) = vpow2.f32 v1;
	v1 =	vsub.f32 $-1.595769170e+00, v24;
	v51 =	vmul.f32 v3, v26  }
0x224: {  	v0 =	vmul.f32 v0, v62;
	(erf) = vpow2.f32 v2;
	v2 =	vsub.f32 $-1.595769170e+00, v47  }
0x225: {  	[tilespmem:$0x1F520] =	vst v62;
	v62 =	vsub.f32 $-1.595769170e+00, v53;
	v56 =	vmul.f32 $7.135481390e-02, v50;
	v1 =	vmul.f32 v1, v63  }
0x226: {  	v24 =	vmul.f32 v23, v23;
	v0 =	vmul.f32 $1.442695020e+00, v0  }
0x227: {  	[tilespmem:$0x1F540] =	vst v63;
	v59 =	vmul.f32 v2, v12;
	v2 =	vmul.f32 v62, v48  }
0x228: {  	[tilespmem:$0x1F580] =	vst v12;
	v63 =	vld [tilespmem:$0x1F5E0];
	v12 =	vmul.f32 v27, v27;
	v48 =	vmul.f32 $7.135481390e-02, v45  }
0x229: {  	[tilespmem:$0x1F560] =	vst v26;
	v1 =	vmul.f32 $1.442695020e+00, v1;
	v26 =	vmul.f32 $7.135481390e-02, v24  }
0x22a: {  	v57 =	vpop (erf);
	v45 =	vld [tilespmem:$0x1F700];
	(erf) = vpow2.f32 v0;
	v0 =	vmul.f32 $1.442695020e+00, v51  }
0x22b: {  	[tilespmem:$0x1F4E0] =	vst v60;
	v60 =	vpop (erf);
	v22 =	vmul.f32 $7.135481390e-02, v12;
	v2 =	vmul.f32 $1.442695020e+00, v2  }
0x22c: {  	v20 =	vpop (erf);
	(erf) = vpow2.f32 v1;
	v1 =	vmul.f32 $1.442695020e+00, v59  }
0x22d: {  	[tilespmem:$0x1E3B0] =	vst v18;
	v25 =	vpop (erf);
	v24 =	vld [tilespmem:$0x1F6E0];
	(erf) = vpow2.f32 v0;
	v11 =	vmul.f32 v63, v63  }
0x22e: {  	[tilespmem:$0x1F210] =	vst v46;
	v46 =	vpop (erf);
	v0 =	vsub.f32 $-1.595769170e+00, v61;
	v61 =	vmul.f32 v13, v13;
	(erf) = vpow2.f32 v1  }
0x22f: {  	[tilespmem:$0x1F2D0] =	vst v46;
	v59 =	vld [tilespmem:$0x1F680];
	v3 =	vsub.f32 $-1.595769170e+00, v22;
	v46 =	vmul.f32 v45, v45;
	v21 =	vmul.f32 $7.135481390e-02, v11  }
0x230: {  	[tilespmem:$0x1F290] =	vst v20;
	v20 =	vld [tilespmem:$0x1F6C0];
	v0 =	vmul.f32 v0, v55;
	(erf) = vpow2.f32 v2  }
0x231: {  	s25 =	sor.u32 $0x3CA0, s13;
	[tilespmem:$0x1F250] =	vst v57;
	v51 =	vpop (erf);
	v47 =	vmul.f32 v3, v27;
	v12 =	vmul.f32 $7.135481390e-02, v61  }
0x232: {  	v18 =	vld [tilespmem:s25+$0x0];
	[tilespmem:$0x1F2B0] =	vst v25;
	v2 =	vsub.f32 $-1.595769170e+00, v26;
	v55 =	vpop (erf);
	v25 =	vmul.f32 v24, v24;
	v50 =	vmul.f32 $7.135481390e-02, v46  }
0x233: {  	v57 =	vsub.f32 $-1.595769170e+00, v48;
	[tilespmem:$0x1F310] =	vst v55;
	v55 =	vmul.f32 v29, v29;
	v0 =	vmul.f32 $1.442695020e+00, v0  }
0x234: {  	[tilespmem:$0x1F270] =	vst v60;
	v53 =	vmul.f32 v2, v23;
	v60 =	vmul.f32 v59, v59  }
0x235: {  	v1 =	vsub.f32 $-1.595769170e+00, v21;
	v2 =	vmul.f32 v57, v28;
	v21 =	vmul.f32 v20, v20  }
0x236: {  	[tilespmem:$0x1F640] =	vst v28;
	v3 =	vsub.f32 $-1.595769170e+00, v12;
	v28 =	vmul.f32 $7.135481390e-02, v25;
	v12 =	vmul.f32 $7.135481390e-02, v9  }
0x237: {  	v9 =	vmul.f32 v18, v18;
	v1 =	vmul.f32 v1, v63  }
0x238: {  	(erf) = vpow2.f32 v0;
	v0 =	vmul.f32 $1.442695020e+00, v47  }
0x239: {  	v63 =	vmul.f32 $7.135481390e-02, v60;
	v2 =	vmul.f32 $1.442695020e+00, v2;
	v60 =	vld [tilespmem:$0x1F760]  }
0x23a: {  	[tilespmem:$0x1F600] =	vst v27;
	v23 =	vmul.f32 $7.135481390e-02, v21;
	v1 =	vmul.f32 $1.442695020e+00, v1  }
0x23b: {  	[tilespmem:$0x1F2F0] =	vst v51;
	v27 =	vmul.f32 v3, v13;
	v51 =	vsub.f32 $-1.595769170e+00, v28;
	v28 =	vmul.f32 v14, v14  }
0x23c: {  	(erf) = vpow2.f32 v1;
	v1 =	vmul.f32 $1.442695020e+00, v53  }
0x23d: {  	v53 =	vmul.f32 v30, v30;
	(erf) = vpow2.f32 v0;
	v0 =	vsub.f32 $-1.595769170e+00, v56  }
0x23e: {  	[tilespmem:$0x1F6A0] =	vst v13;
	v62 =	vpop (erf);
	v13 =	vld [tilespmem:$0x1F7A0];
	v61 =	vmul.f32 v60, v60;
	(erf) = vpow2.f32 v1  }
0x23f: {  	v22 =	vpop (erf);
	v1 =	vsub.f32 $-1.595769170e+00, v63;
	v57 =	vmul.f32 $7.135481390e-02, v53;
	v0 =	vmul.f32 v0, v49  }
0x240: {  	v26 =	vpop (erf);
	(erf) = vpow2.f32 v2;
	v2 =	vsub.f32 $-1.595769170e+00, v23;
	v63 =	vmul.f32 $7.135481390e-02, v61  }
0x241: {  	[tilespmem:$0x1F370] =	vst v26;
	v26 =	vld [tilespmem:$0x1F7C0];
	v1 =	vmul.f32 v1, v59;
	v59 =	vmul.f32 $7.135481390e-02, v55  }
0x242: {  	v0 =	vmul.f32 $1.442695020e+00, v0;
	v48 =	vmul.f32 v2, v20  }
0x243: {  	v2 =	vmul.f32 v51, v24;
	v20 =	vmul.f32 v13, v13  }
0x244: {  	v55 =	vld [tilespmem:$0x1F840];
	v1 =	vmul.f32 $1.442695020e+00, v1;
	(erf) = vpow2.f32 v0  }
0x245: {  	v0 =	vmul.f32 $1.442695020e+00, v27;
	v2 =	vmul.f32 $1.442695020e+00, v2  }
0x246: {  	v47 =	vpop (erf);
	v3 =	vsub.f32 $-1.595769170e+00, v59;
	v24 =	vmul.f32 $7.135481390e-02, v20;
	v27 =	vmul.f32 v26, v26  }
0x247: {  	v49 =	vpop (erf);
	(erf) = vpow2.f32 v1;
	v1 =	vmul.f32 $1.442695020e+00, v48  }
0x248: {  	v56 =	vpop (erf);
	v11 =	vmul.f32 v3, v29;
	(erf) = vpow2.f32 v0;
	v0 =	vsub.f32 $-1.595769170e+00, v50  }
0x249: {  	[tilespmem:$0x1F3D0] =	vst v56;
	v56 =	vmul.f32 v55, v55;
	(erf) = vpow2.f32 v1  }
0x24a: {  	[tilespmem:$0x1F330] =	vst v62;
	v62 =	vpop (erf);
	v48 =	vld [tilespmem:$0x1F820];
	v1 =	vsub.f32 $-1.595769170e+00, v57;
	v0 =	vmul.f32 v0, v45;
	(erf) = vpow2.f32 v2  }
0x24b: {  	[tilespmem:$0x1F720] =	vst v30;
	v2 =	vsub.f32 $-1.595769170e+00, v63;
	v45 =	vmul.f32 v32, v32;
	v61 =	vmul.f32 $7.135481390e-02, v56  }
0x24c: {  	[tilespmem:$0x1F780] =	vst v31;
	v25 =	vsub.f32 $-1.595769170e+00, v12;
	v1 =	vmul.f32 v1, v30;
	v30 =	vmul.f32 $7.135481390e-02, v27  }
0x24d: {  	[tilespmem:$0x1F350] =	vst v22;
	v0 =	vmul.f32 $1.442695020e+00, v0;
	v22 =	vmul.f32 v2, v60  }
0x24e: {  	[tilespmem:$0x1F390] =	vst v47;
	v2 =	vmul.f32 v25, v31;
	v31 =	vmul.f32 $7.135481390e-02, v28  }
0x24f: {  	[tilespmem:$0x1F3B0] =	vst v49;
	v63 =	vld [tilespmem:$0x1F860];
	v47 =	vmul.f32 $7.135481390e-02, v45;
	v49 =	vmul.f32 v48, v48  }
0x250: {  	[tilespmem:$0x1F1D0] =	vst v10;
	v10 =	vpop (erf);
	v1 =	vmul.f32 $1.442695020e+00, v1;
	(erf) = vpow2.f32 v0  }
0x251: {  	v0 =	vmul.f32 $1.442695020e+00, v11;
	v2 =	vmul.f32 $1.442695020e+00, v2  }
0x252: {  	v21 =	vpop (erf);
	v53 =	vmul.f32 $7.135481390e-02, v49;
	v49 =	vmul.f32 v35, v35  }
0x253: {  	v23 =	vpop (erf);
	v3 =	vsub.f32 $-1.595769170e+00, v31;
	(erf) = vpow2.f32 v1;
	v1 =	vmul.f32 $1.442695020e+00, v22  }
0x254: {  	[tilespmem:$0x1F740] =	vst v29;
	v29 =	vpop (erf);
	v12 =	vmul.f32 v63, v63;
	(erf) = vpow2.f32 v0;
	v0 =	vsub.f32 $-1.595769170e+00, v24  }
0x255: {  	[tilespmem:$0x1F3F0] =	vst v62;
	v46 =	vpop (erf);
	v51 =	vmul.f32 v3, v14;
	v62 =	vsub.f32 $-1.595769170e+00, v53;
	v53 =	vmul.f32 $7.135481390e-02, v49  }
0x256: {  	v50 =	vpop (erf);
	(erf) = vpow2.f32 v1;
	v20 =	vmul.f32 $7.135481390e-02, v12  }
0x257: {  	v57 =	vpop (erf);
	v22 =	vld [tilespmem:$0x1F8A0];
	v1 =	vsub.f32 $-1.595769170e+00, v30;
	v30 =	vmul.f32 v42, v42;
	v0 =	vmul.f32 v0, v13  }
0x258: {  	v60 =	vpop (erf);
	(erf) = vpow2.f32 v2;
	v13 =	vmul.f32 v33, v33  }
0x259: {  	[tilespmem:$0x1F7E0] =	vst v14;
	v14 =	vpop (erf);
	v2 =	vsub.f32 $-1.595769170e+00, v47;
	v1 =	vmul.f32 v1, v26;
	v26 =	vmul.f32 v34, v34  }
0x25a: {  	v24 =	vpop (erf);
	v45 =	vmul.f32 $7.135481390e-02, v30;
	v0 =	vmul.f32 $1.442695020e+00, v0  }
0x25b: {  	[tilespmem:$0x1F430] =	vst v21;
	v12 =	vld [tilespmem:$0x1F980];
	v27 =	vpop (erf);
	v59 =	vmul.f32 v2, v32;
	v2 =	vmul.f32 v62, v48  }
0x25c: {  	[tilespmem:$0x1F450] =	vst v23;
	v31 =	vpop (erf);
	v21 =	vmul.f32 $7.135481390e-02, v13;
	v23 =	vmul.f32 v22, v22  }
0x25d: {  	v47 =	vld [tilespmem:$0x1F900];
	[tilespmem:$0x1F570] =	vst v31;
	v31 =	vmul.f32 v54, v54;
	v1 =	vmul.f32 $1.442695020e+00, v1  }
0x25e: {  	[tilespmem:$0x1F470] =	vst v29;
	v29 =	vmul.f32 $7.135481390e-02, v26;
	(erf) = vpow2.f32 v0  }
0x25f: {  	v0 =	vmul.f32 $1.442695020e+00, v51;
	v2 =	vmul.f32 $1.442695020e+00, v2  }
0x260: {  	v25 =	vmul.f32 $7.135481390e-02, v23;
	v13 =	vmul.f32 v12, v12  }
0x261: {  	[tilespmem:$0x1F530] =	vst v24;
	v24 =	vld [tilespmem:$0x1F9A0];
	v3 =	vsub.f32 $-1.595769170e+00, v21;
	(erf) = vpow2.f32 v1;
	v1 =	vmul.f32 $1.442695020e+00, v59  }
0x262: {  	v26 =	vld [tilespmem:$0x1F9C0];
	v48 =	vmul.f32 v47, v47;
	(erf) = vpow2.f32 v0  }
0x263: {  	[tilespmem:$0x1F880] =	vst v33;
	v0 =	vsub.f32 $-1.595769170e+00, v61;
	v28 =	vmul.f32 v3, v33;
	v33 =	vpop (erf);
	(erf) = vpow2.f32 v1  }
0x264: {  	v3 =	vsub.f32 $-1.595769170e+00, v53;
	[tilespmem:$0x1F590] =	vst v33;
	v51 =	vmul.f32 $7.135481390e-02, v48;
	v33 =	vmul.f32 $7.135481390e-02, v31  }
0x265: {  	[tilespmem:$0x1F490] =	vst v46;
	v46 =	vsub.f32 $-1.595769170e+00, v29;
	v59 =	vld [tilespmem:$0x1F960];
	v0 =	vmul.f32 v0, v55;
	(erf) = vpow2.f32 v2  }
0x266: {  	v1 =	vsub.f32 $-1.595769170e+00, v20;
	v55 =	vmul.f32 v52, v52;
	v62 =	vmul.f32 v3, v35  }
0x267: {  	[tilespmem:$0x1F550] =	vst v27;
	v2 =	vsub.f32 $-1.595769170e+00, v25;
	v25 =	vmul.f32 v24, v24;
	v27 =	vmul.f32 v26, v26  }
0x268: {  	[tilespmem:$0x1F800] =	vst v32;
	v1 =	vmul.f32 v1, v63;
	v0 =	vmul.f32 $1.442695020e+00, v0  }
0x269: {  	[tilespmem:$0x1F4D0] =	vst v57;
	v32 =	vmul.f32 v2, v22;
	v2 =	vmul.f32 v46, v34  }
0x26a: {  	[tilespmem:$0x1F4F0] =	vst v60;
	v57 =	vmul.f32 $7.135481390e-02, v55;
	v60 =	vmul.f32 v59, v59  }
0x26b: {  	[tilespmem:$0x1F4B0] =	vst v50;
	v50 =	vpop (erf);
	v31 =	vld [tilespmem:$0x1FAE0];
	v22 =	vmul.f32 $7.135481390e-02, v13;
	v29 =	vmul.f32 $7.135481390e-02, v25  }
0x26c: {  	[tilespmem:$0x1F8C0] =	vst v34;
	v56 =	vpop (erf);
	v30 =	vmul.f32 $7.135481390e-02, v27;
	v34 =	vld [tilespmem:$0x1FA00];
	v1 =	vmul.f32 $1.442695020e+00, v1  }
0x26d: {  	[tilespmem:$0x1F5D0] =	vst v56;
	v56 =	vld [tilespmem:$0x1FA60];
	(erf) = vpow2.f32 v0;
	v0 =	vmul.f32 $1.442695020e+00, v28  }
0x26e: {  	v61 =	vpop (erf);
	v2 =	vmul.f32 $1.442695020e+00, v2;
	v63 =	vmul.f32 $7.135481390e-02, v60;
	v3 =	vsub.f32 $-1.595769170e+00, v30  }
0x26f: {  	[tilespmem:$0x1F510] =	vst v14;
	v14 =	vpop (erf);
	(erf) = vpow2.f32 v1;
	v1 =	vmul.f32 $1.442695020e+00, v32  }
0x270: {  	v21 =	vpop (erf);
	(erf) = vpow2.f32 v0;
	v0 =	vsub.f32 $-1.595769170e+00, v45;
	v45 =	vmul.f32 v3, v26  }
0x271: {  	[tilespmem:$0x1F920] =	vst v35;
	v28 =	vpop (erf);
	(erf) = vpow2.f32 v1;
	v35 =	vmul.f32 v34, v34  }
0x272: {  	v1 =	vsub.f32 $-1.595769170e+00, v51;
	v32 =	vpop (erf);
	v0 =	vmul.f32 v0, v42;
	(erf) = vpow2.f32 v2  }
0x273: {  	v2 =	vsub.f32 $-1.595769170e+00, v57;
	[tilespmem:$0x1F670] =	vst v32;
	v57 =	vmul.f32 v56, v56;
	v32 =	vmul.f32 v31, v31  }
0x274: {  	[tilespmem:$0x1F8E0] =	vst v42;
	v23 =	vsub.f32 $-1.595769170e+00, v63;
	v1 =	vmul.f32 v1, v47;
	v46 =	vmul.f32 $7.135481390e-02, v35  }
0x275: {  	[tilespmem:$0x1F610] =	vst v14;
	v14 =	vld [tilespmem:$0x1FAA0];
	v0 =	vmul.f32 $1.442695020e+00, v0;
	v20 =	vmul.f32 v2, v52  }
0x276: {  	[tilespmem:$0x1F5F0] =	vst v61;
	v42 =	vpop (erf);
	v47 =	vld [tilespmem:$0x1FA20];
	v2 =	vmul.f32 v23, v59;
	v61 =	vmul.f32 $7.135481390e-02, v57  }
0x277: {  	[tilespmem:$0x1F690] =	vst v42;
	v42 =	vmul.f32 $7.135481390e-02, v32;
	v1 =	vmul.f32 $1.442695020e+00, v1  }
0x278: {  	(erf) = vpow2.f32 v0;
	v0 =	vmul.f32 $1.442695020e+00, v62  }
0x279: {  	v2 =	vmul.f32 $1.442695020e+00, v2;
	(erf) = vpow2.f32 v1  }
0x27a: {  	v62 =	vld [tilespmem:$0x1FA80];
	v3 =	vsub.f32 $-1.595769170e+00, v61;
	v1 =	vmul.f32 $1.442695020e+00, v20;
	v20 =	vmul.f32 v14, v14  }
0x27b: {  	(erf) = vpow2.f32 v0;
	v0 =	vsub.f32 $-1.595769170e+00, v22;
	v48 =	vmul.f32 v47, v47  }
0x27c: {  	v22 =	vmul.f32 v3, v56;
	(erf) = vpow2.f32 v1  }
0x27d: {  	v1 =	vsub.f32 $-1.595769170e+00, v29;
	v23 =	vmul.f32 $7.135481390e-02, v20;
	v0 =	vmul.f32 v0, v12  }
0x27e: {  	[tilespmem:$0x1F940] =	vst v52;
	(erf) = vpow2.f32 v2;
	v2 =	vsub.f32 $-1.595769170e+00, v33;
	v52 =	vmul.f32 $7.135481390e-02, v48  }
0x27f: {  	v53 =	vsub.f32 $-1.595769170e+00, v46;
	v33 =	vld [tilespmem:$0x1FB00];
	v1 =	vmul.f32 v1, v24;
	v63 =	vmul.f32 v62, v62  }
0x280: {  	[tilespmem:$0x1F5B0] =	vst v50;
	v24 =	vld [tilespmem:$0x1FAC0];
	v0 =	vmul.f32 $1.442695020e+00, v0;
	v50 =	vmul.f32 v2, v54  }
0x281: {  	[tilespmem:$0x1F9E0] =	vst v54;
	v54 =	vld [tilespmem:$0x1FA40];
	v2 =	vmul.f32 v53, v34;
	v1 =	vmul.f32 $1.442695020e+00, v1  }
0x282: {  	v13 =	vmul.f32 $7.135481390e-02, v63;
	(erf) = vpow2.f32 v0  }
0x283: {  	v0 =	vmul.f32 $1.442695020e+00, v45;
	v2 =	vmul.f32 $1.442695020e+00, v2  }
0x284: {  	v49 =	vpop (erf);
	v46 =	vld [tilespmem:$0x1FB20];
	(erf) = vpow2.f32 v1;
	v1 =	vmul.f32 $1.442695020e+00, v50  }
0x285: {  	v51 =	vpop (erf);
	v63 =	vld [tilespmem:$0x1FB80];
	v34 =	vmul.f32 v33, v33;
	(erf) = vpow2.f32 v0  }
0x286: {  	v0 =	vsub.f32 $-1.595769170e+00, v52;
	v25 =	vmul.f32 v24, v24;
	v55 =	vmul.f32 v54, v54  }
0x287: {  	v59 =	vpop (erf);
	(erf) = vpow2.f32 v1;
	v45 =	vmul.f32 $7.135481390e-02, v34  }
0x288: {  	v12 =	vpop (erf);
	v50 =	vld [tilespmem:$0x1FB40];
	v0 =	vmul.f32 v0, v47;
	(erf) = vpow2.f32 v2  }
0x289: {  	[tilespmem:$0x1F630] =	vst v21;
	v32 =	vld [tilespmem:$0x1FC00];
	v2 =	vsub.f32 $-1.595769170e+00, v13;
	v29 =	vmul.f32 $7.135481390e-02, v25;
	v47 =	vmul.f32 v46, v46  }
0x28a: {  	[tilespmem:$0x1F710] =	vst v12;
	v30 =	vsub.f32 $-1.595769170e+00, v23;
	v12 =	vmul.f32 v63, v63;
	v60 =	vmul.f32 $7.135481390e-02, v55  }
0x28b: {  	[tilespmem:$0x1F6B0] =	vst v49;
	v0 =	vmul.f32 $1.442695020e+00, v0;
	v27 =	vmul.f32 v2, v62  }
0x28c: {  	[tilespmem:$0x1F6D0] =	vst v51;
	v21 =	vpop (erf);
	v13 =	vld [tilespmem:$0x1FBA0];
	v3 =	vsub.f32 $-1.595769170e+00, v45;
	v2 =	vmul.f32 v30, v14;
	v49 =	vmul.f32 $7.135481390e-02, v47  }
0x28d: {  	[tilespmem:$0x1F730] =	vst v21;
	v55 =	vld [tilespmem:$0x1FB60];
	v51 =	vmul.f32 v50, v50;
	v21 =	vmul.f32 $7.135481390e-02, v12  }
0x28e: {  	v1 =	vsub.f32 $-1.595769170e+00, v60;
	v53 =	vmul.f32 v3, v33;
	v33 =	vmul.f32 v32, v32  }
0x28f: {  	v47 =	vld [tilespmem:$0x1FC20];
	(erf) = vpow2.f32 v0;
	v0 =	vmul.f32 $1.442695020e+00, v22  }
0x290: {  	v26 =	vpop (erf);
	v2 =	vmul.f32 $1.442695020e+00, v2;
	v1 =	vmul.f32 v1, v54  }
0x291: {  	[tilespmem:$0x1F650] =	vst v28;
	v28 =	vpop (erf);
	v54 =	vmul.f32 $7.135481390e-02, v51;
	v14 =	vmul.f32 v13, v13  }
0x292: {  	v35 =	vpop (erf);
	v45 =	vmul.f32 $7.135481390e-02, v33;
	v56 =	vmul.f32 v55, v55  }
0x293: {  	v48 =	vpop (erf);
	v12 =	vld [tilespmem:$0x1FCA0];
	v1 =	vmul.f32 $1.442695020e+00, v1;
	v22 =	vmul.f32 $7.135481390e-02, v14  }
0x294: {  	v23 =	vld [tilespmem:$0x1FBC0];
	[tilespmem:$0x1F7B0] =	vst v48;
	v48 =	vmul.f32 v47, v47;
	v61 =	vmul.f32 $7.135481390e-02, v56  }
0x295: {  	v52 =	vpop (erf);
	(erf) = vpow2.f32 v1;
	v1 =	vmul.f32 $1.442695020e+00, v27;
	v3 =	vsub.f32 $-1.595769170e+00, v22  }
0x296: {  	[tilespmem:$0x1F7D0] =	vst v52;
	v52 =	vmul.f32 $7.135481390e-02, v48;
	(erf) = vpow2.f32 v0;
	v0 =	vsub.f32 $-1.595769170e+00, v29  }
0x297: {  	(erf) = vpow2.f32 v1;
	v30 =	vmul.f32 v3, v13  }
0x298: {  	v27 =	vld [tilespmem:$0x1FBE0];
	v1 =	vsub.f32 $-1.595769170e+00, v42;
	v13 =	vmul.f32 v12, v12;
	v0 =	vmul.f32 v0, v24  }
0x299: {  	(erf) = vpow2.f32 v2;
	v2 =	vsub.f32 $-1.595769170e+00, v49;
	v24 =	vmul.f32 v23, v23  }
0x29a: {  	v62 =	vsub.f32 $-1.595769170e+00, v54;
	v1 =	vmul.f32 v1, v31;
	v22 =	vmul.f32 $7.135481390e-02, v13  }
0x29b: {  	[tilespmem:$0x1F6F0] =	vst v59;
	v49 =	vld [tilespmem:$0x1FC40];
	v0 =	vmul.f32 $1.442695020e+00, v0;
	v59 =	vmul.f32 v2, v46  }
0x29c: {  	[tilespmem:$0x1F750] =	vst v26;
	v2 =	vmul.f32 v62, v50;
	v26 =	vmul.f32 $7.135481390e-02, v24  }
0x29d: {  	[tilespmem:$0x1F770] =	vst v28;
	v28 =	vmul.f32 v27, v27;
	v1 =	vmul.f32 $1.442695020e+00, v1  }
0x29e: {  	v24 =	vld [tilespmem:$0x1FCC0];
	(erf) = vpow2.f32 v0;
	v0 =	vmul.f32 $1.442695020e+00, v53  }
0x29f: {  	v57 =	vpop (erf);
	v54 =	vld [tilespmem:$0x1FC60];
	v2 =	vmul.f32 $1.442695020e+00, v2;
	(erf) = vpow2.f32 v1  }
0x2a0: {  	v60 =	vpop (erf);
	v1 =	vmul.f32 $1.442695020e+00, v59;
	v50 =	vmul.f32 v49, v49  }
0x2a1: {  	v20 =	vpop (erf);
	v31 =	vmul.f32 $7.135481390e-02, v28;
	(erf) = vpow2.f32 v0;
	v0 =	vsub.f32 $-1.595769170e+00, v61  }
0x2a2: {  	v25 =	vpop (erf);
	(erf) = vpow2.f32 v1;
	v53 =	vmul.f32 $7.135481390e-02, v50  }
0x2a3: {  	[tilespmem:$0x1F850] =	vst v25;
	v59 =	vld [tilespmem:$0x1FC80];
	v1 =	vsub.f32 $-1.595769170e+00, v21;
	v25 =	vmul.f32 v24, v24;
	v0 =	vmul.f32 v0, v55  }
0x2a4: {  	v48 =	vld [tilespmem:$0x1FD40];
	v29 =	vpop (erf);
	(erf) = vpow2.f32 v2;
	v2 =	vsub.f32 $-1.595769170e+00, v26;
	v55 =	vmul.f32 v54, v54  }
0x2a5: {  	[tilespmem:$0x1F870] =	vst v29;
	v46 =	vsub.f32 $-1.595769170e+00, v31;
	v1 =	vmul.f32 v1, v63;
	v29 =	vmul.f32 $7.135481390e-02, v25  }
0x2a6: {  	[tilespmem:$0x1F790] =	vst v35;
	v0 =	vmul.f32 $1.442695020e+00, v0;
	v35 =	vmul.f32 v2, v23  }
0x2a7: {  	[tilespmem:$0x1F7F0] =	vst v57;
	v3 =	vsub.f32 $-1.595769170e+00, v53;
	v2 =	vmul.f32 v46, v27;
	v57 =	vmul.f32 $7.135481390e-02, v55  }
0x2a8: {  	[tilespmem:$0x1F810] =	vst v60;
	v26 =	vld [tilespmem:$0x1FCE0];
	v60 =	vmul.f32 v59, v59;
	v1 =	vmul.f32 $1.442695020e+00, v1  }
0x2a9: {  	v62 =	vmul.f32 v3, v49;
	v49 =	vmul.f32 v48, v48  }
0x2aa: {  	v55 =	vld [tilespmem:$0x1FD60];
	(erf) = vpow2.f32 v0;
	v0 =	vmul.f32 $1.442695020e+00, v30  }
0x2ab: {  	v34 =	vpop (erf);
	v2 =	vmul.f32 $1.442695020e+00, v2;
	v63 =	vmul.f32 $7.135481390e-02, v60  }
0x2ac: {  	v42 =	vpop (erf);
	v31 =	vld [tilespmem:$0x1FD00];
	(erf) = vpow2.f32 v1;
	v1 =	vmul.f32 $1.442695020e+00, v35  }
0x2ad: {  	v51 =	vpop (erf);
	v27 =	vmul.f32 v26, v26;
	(erf) = vpow2.f32 v0  }
0x2ae: {  	v56 =	vpop (erf);
	v53 =	vmul.f32 $7.135481390e-02, v49;
	v0 =	vsub.f32 $-1.595769170e+00, v45;
	(erf) = vpow2.f32 v1  }
0x2af: {  	[tilespmem:$0x1F8F0] =	vst v56;
	v35 =	vld [tilespmem:$0x1FD20];
	v1 =	vsub.f32 $-1.595769170e+00, v52;
	v30 =	vmul.f32 $7.135481390e-02, v27;
	v56 =	vmul.f32 v55, v55  }
0x2b0: {  	v23 =	vsub.f32 $-1.595769170e+00, v63;
	v0 =	vmul.f32 v0, v32;
	(erf) = vpow2.f32 v2  }
0x2b1: {  	[tilespmem:$0x1F830] =	vst v20;
	v61 =	vpop (erf);
	v63 =	vld [tilespmem:$0x1FDA0];
	v2 =	vsub.f32 $-1.595769170e+00, v57;
	v32 =	vmul.f32 v31, v31;
	v1 =	vmul.f32 v1, v47  }
0x2b2: {  	[tilespmem:$0x1F910] =	vst v61;
	v61 =	vmul.f32 $7.135481390e-02, v56;
	v0 =	vmul.f32 $1.442695020e+00, v0  }
0x2b3: {  	[tilespmem:$0x1F890] =	vst v34;
	v3 =	vsub.f32 $-1.595769170e+00, v30;
	v20 =	vmul.f32 v2, v54;
	v2 =	vmul.f32 v23, v59  }
0x2b4: {  	[tilespmem:$0x1F8B0] =	vst v42;
	v14 =	vpop (erf);
	v57 =	vld [tilespmem:$0x1FD80];
	v34 =	vmul.f32 $7.135481390e-02, v32;
	v42 =	vmul.f32 v35, v35  }
0x2b5: {  	s15 =	sor.u32 $0x3880, s13;
	[tilespmem:$0x1F930] =	vst v14;
	v14 =	vld [tilespmem:$0x1FDC0];
	v1 =	vmul.f32 $1.442695020e+00, v1;
	v46 =	vmul.f32 v3, v26  }
0x2b6: {  	v5 =	vld [tilespmem:s15+$0x0];
	v21 =	vpop (erf);
	v11 =	vmul.f32 v63, v63;
	(erf) = vpow2.f32 v0  }
0x2b7: {  	v28 =	vpop (erf);
	v0 =	vmul.f32 $1.442695020e+00, v62;
	v2 =	vmul.f32 $1.442695020e+00, v2  }
0x2b8: {  	v33 =	vpop (erf);
	v47 =	vmul.f32 $7.135481390e-02, v42;
	(erf) = vpow2.f32 v1  }
0x2b9: {  	[tilespmem:$0x1F990] =	vst v33;
	v33 =	vld [tilespmem:$0x1FE20];
	v1 =	vmul.f32 $1.442695020e+00, v20;
	v59 =	vmul.f32 v57, v57  }
0x2ba: {  	v13 =	vmul.f32 $7.135481390e-02, v11;
	v20 =	vmul.f32 v14, v14  }
0x2bb: {  	v11 =	vmul.f32 v5, v5;
	(erf) = vpow2.f32 v0;
	v0 =	vsub.f32 $-1.595769170e+00, v22  }
0x2bc: {  	v54 =	vsub.f32 $-1.595769170e+00, v47;
	(erf) = vpow2.f32 v1;
	v62 =	vmul.f32 $7.135481390e-02, v59  }
0x2bd: {  	v1 =	vsub.f32 $-1.595769170e+00, v29;
	v23 =	vmul.f32 $7.135481390e-02, v20;
	v0 =	vmul.f32 v0, v12  }
0x2be: {  	v45 =	vpop (erf);
	(erf) = vpow2.f32 v2;
	v2 =	vsub.f32 $-1.595769170e+00, v34;
	v34 =	vmul.f32 v33, v33  }
0x2bf: {  	[tilespmem:$0x1F8D0] =	vst v51;
	v50 =	vpop (erf);
	v20 =	vld [tilespmem:$0x1FEE0];
	v1 =	vmul.f32 v1, v24;
	v0 =	vmul.f32 $1.442695020e+00, v0  }
0x2c0: {  	[tilespmem:$0x1F9D0] =	vst v50;
	v50 =	vld [tilespmem:$0x1FE60];
	v52 =	vpop (erf);
	v3 =	vsub.f32 $-1.595769170e+00, v62;
	v51 =	vmul.f32 v2, v31;
	v2 =	vmul.f32 v54, v35  }
0x2c1: {  	[tilespmem:$0x1F9B0] =	vst v45;
	v60 =	vpop (erf);
	v24 =	vld [tilespmem:$0x1FDE0];
	v45 =	vmul.f32 $7.135481390e-02, v34;
	v1 =	vmul.f32 $1.442695020e+00, v1  }
0x2c2: {  	[tilespmem:$0x1F200] =	vst v44;
	s18 =	sor.u32 $0x38B0, s13;
	v12 =	vpop (erf);
	v22 =	vmul.f32 v3, v57;
	(erf) = vpow2.f32 v0  }
0x2c3: {  	v44 =	vld [tilespmem:s18+$0x0];
	[tilespmem:$0x1F950] =	vst v21;
	v21 =	vpop (erf);
	v0 =	vmul.f32 $1.442695020e+00, v46;
	v2 =	vmul.f32 $1.442695020e+00, v2  }
0x2c4: {  	[tilespmem:$0x1FA50] =	vst v21;
	v31 =	vld [tilespmem:$0x1FE00];
	v21 =	vmul.f32 v20, v20;
	(erf) = vpow2.f32 v1  }
0x2c5: {  	s19 =	sor.u32 $0x38C0, s13;
	v3 =	vsub.f32 $-1.595769170e+00, v45;
	v1 =	vmul.f32 $1.442695020e+00, v51;
	v51 =	vmul.f32 v50, v50  }
0x2c6: {  	[tilespmem:$0x1E320] =	vst v41;
	v41 =	vld [tilespmem:s19+$0x0];
	v30 =	vsub.f32 $-1.595769170e+00, v23;
	(erf) = vpow2.f32 v0;
	v25 =	vmul.f32 v24, v24  }
0x2c7: {  	s20 =	sor.u32 $0x38D0, s13;
	v46 =	vld [tilespmem:$0x1FE40];
	v0 =	vsub.f32 $-1.595769170e+00, v53;
	v53 =	vmul.f32 v3, v33;
	v23 =	vmul.f32 $7.135481390e-02, v21  }
0x2c8: {  	[tilespmem:$0x1E330] =	vst v58;
	v58 =	vld [tilespmem:s20+$0x0];
	v33 =	vmul.f32 v44, v44;
	(erf) = vpow2.f32 v1  }
0x2c9: {  	[tilespmem:$0x1F240] =	vst v19;
	v1 =	vsub.f32 $-1.595769170e+00, v61;
	v32 =	vmul.f32 v31, v31;
	v54 =	vmul.f32 $7.135481390e-02, v51  }
0x2ca: {  	[tilespmem:$0x1FEC0] =	vst v5;
	v0 =	vmul.f32 v0, v48;
	(erf) = vpow2.f32 v2  }
0x2cb: {  	[tilespmem:$0x1FF40] =	vst v41;
	v2 =	vsub.f32 $-1.595769170e+00, v13;
	v29 =	vmul.f32 $7.135481390e-02, v25;
	v1 =	vmul.f32 v1, v55  }
0x2cc: {  	[tilespmem:$0x1E370] =	vst v43;
	v42 =	vmul.f32 $7.135481390e-02, v32;
	v47 =	vmul.f32 v46, v46  }
0x2cd: {  	[tilespmem:$0x1FF50] =	vst v58;
	v55 =	vld [tilespmem:$0x1FE80];
	v0 =	vmul.f32 $1.442695020e+00, v0;
	v27 =	vmul.f32 v2, v63  }
0x2ce: {  	[tilespmem:$0x1E380] =	vst v4;
	v2 =	vmul.f32 v30, v14;
	v63 =	vld [tilespmem:$0x1FEA0];
	v1 =	vmul.f32 $1.442695020e+00, v1  }
0x2cf: {  	[tilespmem:$0x1FF20] =	vst v44;
	v49 =	vmul.f32 $7.135481390e-02, v47;
	(erf) = vpow2.f32 v0  }
0x2d0: {  	[tilespmem:$0x1E3C0] =	vst v37;
	v0 =	vmul.f32 $1.442695020e+00, v22;
	v2 =	vmul.f32 $1.442695020e+00, v2  }
0x2d1: {  	[tilespmem:$0x1F030] =	vst v6;
	v26 =	vpop (erf);
	(erf) = vpow2.f32 v1;
	v1 =	vmul.f32 $1.442695020e+00, v27  }
0x2d2: {  	[tilespmem:$0x1F970] =	vst v28;
	v28 =	vpop (erf);
	(erf) = vpow2.f32 v0;
	v0 =	vsub.f32 $-1.595769170e+00, v29;
	v56 =	vmul.f32 v55, v55  }
0x2d3: {  	[tilespmem:$0x1F410] =	vst v10;
	v35 =	vpop (erf);
	(erf) = vpow2.f32 v1;
	v1 =	vsub.f32 $-1.595769170e+00, v42;
	v10 =	vmul.f32 v63, v63  }
0x2d4: {  	[tilespmem:$0x1F090] =	vst v38;
	v48 =	vpop (erf);
	v0 =	vmul.f32 v0, v24;
	(erf) = vpow2.f32 v2  }
0x2d5: {  	[tilespmem:$0x1F9F0] =	vst v52;
	v2 =	vsub.f32 $-1.595769170e+00, v49;
	v61 =	vmul.f32 $7.135481390e-02, v56;
	v1 =	vmul.f32 v1, v31  }
0x2d6: {  	s28 =	sor.u32 $0x3CC0, s13;
	[tilespmem:$0x1FA10] =	vst v60;
	v13 =	vmul.f32 $7.135481390e-02, v10;
	v0 =	vmul.f32 $1.442695020e+00, v0  }
0x2d7: {  	v36 =	vld [tilespmem:s28+$0x0];
	[tilespmem:$0x1FA30] =	vst v12;
	v59 =	vmul.f32 v2, v46;
	v1 =	vmul.f32 $1.442695020e+00, v1  }
0x2d8: {  	[tilespmem:$0x1FA70] =	vst v26;
	v52 =	vpop (erf);
	(erf) = vpow2.f32 v0;
	v0 =	vmul.f32 $1.442695020e+00, v53  }
0x2d9: {  	[tilespmem:$0x1FA90] =	vst v28;
	v62 =	vsub.f32 $-1.595769170e+00, v54;
	v57 =	vpop (erf);
	(erf) = vpow2.f32 v1;
	v1 =	vmul.f32 $1.442695020e+00, v59  }
0x2da: {  	[tilespmem:$0x1FAB0] =	vst v35;
	v14 =	vmul.f32 $7.135481390e-02, v11;
	v60 =	vpop (erf);
	(erf) = vpow2.f32 v0;
	v0 =	vsub.f32 $-1.595769170e+00, v61  }
0x2db: {  	[tilespmem:$0x1FAD0] =	vst v48;
	v12 =	vpop (erf);
	v2 =	vmul.f32 v62, v50;
	(erf) = vpow2.f32 v1;
	v1 =	vsub.f32 $-1.595769170e+00, v13  }
0x2dc: {  	[tilespmem:$0x1FAF0] =	vst v52;
	v3 =	vsub.f32 $-1.595769170e+00, v14;
	v14 =	vmul.f32 v36, v36;
	v24 =	vld [tilespmem:$0x1FF00];
	v0 =	vmul.f32 v0, v55  }
0x2dd: {  	s23 =	sor.u32 $0x3C80, s13;
	[tilespmem:$0x1FB10] =	vst v57;
	v2 =	vmul.f32 $1.442695020e+00, v2;
	v1 =	vmul.f32 v1, v63  }
0x2de: {  	s24 =	sor.u32 $0x3C90, s13;
	v43 =	vld [tilespmem:s23+$0x0];
	v27 =	vsub.f32 $-1.595769170e+00, v23;
	[tilespmem:$0x1FB30] =	vst v60;
	v28 =	vmul.f32 v3, v5;
	v0 =	vmul.f32 $1.442695020e+00, v0  }
0x2df: {  	s21 =	sor.u32 $0x38E0, s13;
	v41 =	vld [tilespmem:s24+$0x0];
	[tilespmem:$0x1FB50] =	vst v12;
	v22 =	vpop (erf);
	(erf) = vpow2.f32 v2;
	v1 =	vmul.f32 $1.442695020e+00, v1  }
0x2e0: {  	s26 =	sor.u32 $0x3CB0, s13;
	v58 =	vld [tilespmem:s21+$0x0];
	[tilespmem:$0x1FB70] =	vst v22;
	v26 =	vpop (erf);
	(erf) = vpow2.f32 v0;
	v0 =	vmul.f32 v27, v20  }
0x2e1: {  	s30 =	sor.u32 $0x3CE0, s13;
	v37 =	vld [tilespmem:s26+$0x0];
	[tilespmem:$0x1FB90] =	vst v26;
	v30 =	vpop (erf);
	v25 =	vmul.f32 v24, v24;
	v2 =	vmul.f32 $1.442695020e+00, v28  }
0x2e2: {  	s29 =	sor.u32 $0x3CD0, s13;
	v19 =	vld [tilespmem:s30+$0x0];
	[tilespmem:$0x1FBB0] =	vst v30;
	v32 =	vpop (erf);
	(erf) = vpow2.f32 v1;
	v0 =	vmul.f32 $1.442695020e+00, v0  }
0x2e3: {  	s31 =	sor.u32 $0x3CF0, s13;
	v40 =	vld [tilespmem:s29+$0x0];
	[tilespmem:$0x1FBD0] =	vst v32;
	v34 =	vpop (erf);
	v29 =	vmul.f32 $7.135481390e-02, v25;
	(erf) = vpow2.f32 v2  }
0x2e4: {  	v38 =	vld [tilespmem:s31+$0x0];
	v60 =	vmul.f32 v41, v41;
	[tilespmem:$0x1FBF0] =	vst v34;
	(erf) = vpow2.f32 v0  }
0x2e5: {  	v12 =	vmul.f32 $7.135481390e-02, v9;
	v22 =	vmul.f32 $7.135481390e-02, v14;
	v31 =	vsub.f32 $-1.595769170e+00, v29;
	v35 =	vld [tilespmem:$0x1FF40]  }
0x2e6: {  	v10 =	vmul.f32 v37, v37;
	v50 =	vmul.f32 v58, v58  }
0x2e7: {  	v62 =	vmul.f32 $7.135481390e-02, v60;
	v1 =	vmul.f32 v31, v24;
	v45 =	vld [tilespmem:$0x1FF50]  }
0x2e8: {  	v3 =	vmul.f32 $7.135481390e-02, v50;
	v53 =	vmul.f32 v43, v43;
	v51 =	vld [tilespmem:$0x1FF70]  }
0x2e9: {  	v2 =	vmul.f32 $7.135481390e-02, v33;
	v1 =	vmul.f32 $1.442695020e+00, v1  }
0x2ea: {  	v57 =	vmul.f32 $7.135481390e-02, v53;
	v42 =	vmul.f32 v35, v35  }
0x2eb: {  	v13 =	vmul.f32 $7.135481390e-02, v10;
	v48 =	vsub.f32 $-1.595769170e+00, v2;
	v47 =	vpop (erf);
	(erf) = vpow2.f32 v1  }
0x2ec: {  	v46 =	vmul.f32 v45, v45;
	v0 =	vmul.f32 $7.135481390e-02, v42  }
0x2ed: {  	v1 =	vmul.f32 v48, v44;
	v52 =	vmul.f32 v51, v51  }
0x2ee: {  	v25 =	vmul.f32 v38, v38;
	v49 =	vmul.f32 $7.135481390e-02, v46;
	v0 =	vsub.f32 $-1.595769170e+00, v0  }
0x2ef: {  	v55 =	vsub.f32 $-1.595769170e+00, v3;
	v1 =	vmul.f32 $1.442695020e+00, v1;
	v4 =	vmul.f32 $7.135481390e-02, v52  }
0x2f0: {  	v20 =	vmul.f32 v40, v40;
	v2 =	vsub.f32 $-1.595769170e+00, v49;
	v0 =	vmul.f32 v0, v35  }
0x2f1: {  	v24 =	vmul.f32 v19, v19;
	v54 =	vpop (erf);
	(erf) = vpow2.f32 v1;
	v59 =	vsub.f32 $-1.595769170e+00, v4  }
0x2f2: {  	v2 =	vmul.f32 v2, v45;
	v0 =	vmul.f32 $1.442695020e+00, v0  }
0x2f3: {  	v1 =	vmul.f32 v55, v58;
	v3 =	vmul.f32 v59, v51  }
0x2f4: {  	v56 =	vpop (erf);
	v2 =	vmul.f32 $1.442695020e+00, v2;
	(erf) = vpow2.f32 v0;
	v0 =	vsub.f32 $-1.595769170e+00, v57  }
0x2f5: {  	v8 =	vsub.f32 $-1.595769170e+00, v62;
	v1 =	vmul.f32 $1.442695020e+00, v1;
	v3 =	vmul.f32 $1.442695020e+00, v3  }
0x2f6: {  	v61 =	vpop (erf);
	(erf) = vpow2.f32 v2;
	v0 =	vmul.f32 v0, v43  }
0x2f7: {  	v63 =	vpop (erf);
	(erf) = vpow2.f32 v1;
	v1 =	vmul.f32 v8, v41  }
0x2f8: {  	v23 =	vmul.f32 $7.135481390e-02, v20;
	v0 =	vmul.f32 $1.442695020e+00, v0  }
0x2f9: {  	v7 =	vpop (erf);
	(erf) = vpow2.f32 v3;
	v1 =	vmul.f32 $1.442695020e+00, v1  }
0x2fa: {  	v11 =	vpop (erf);
	v2 =	vsub.f32 $-1.595769170e+00, v13;
	(erf) = vpow2.f32 v0;
	v0 =	vsub.f32 $-1.595769170e+00, v12  }
0x2fb: {  	v21 =	vpop (erf);
	v4 =	vmul.f32 $7.135481390e-02, v24;
	(erf) = vpow2.f32 v1;
	v1 =	vsub.f32 $-1.595769170e+00, v22  }
0x2fc: {  	v2 =	vmul.f32 v2, v37;
	v0 =	vmul.f32 v0, v18  }
0x2fd: {  	v5 =	vmul.f32 $7.135481390e-02, v25;
	v3 =	vsub.f32 $-1.595769170e+00, v23;
	v1 =	vmul.f32 v1, v36  }
0x2fe: {  	v26 =	vpop (erf);
	v27 =	vsub.f32 $-1.595769170e+00, v4;
	v2 =	vmul.f32 $1.442695020e+00, v2;
	v0 =	vmul.f32 $1.442695020e+00, v0  }
0x2ff: {  	v29 =	vsub.f32 $-1.595769170e+00, v5;
	v28 =	vpop (erf);
	v3 =	vmul.f32 v3, v40;
	v1 =	vmul.f32 $1.442695020e+00, v1  }
0x300: {  	[tilespmem:$0x1FFC0] =	vst v36;
	v30 =	vpop (erf);
	v36 =	vld [tilespmem:$0x1DBB0];
	(erf) = vpow2.f32 v0;
	v0 =	vmul.f32 v27, v19  }
0x301: {  	[tilespmem:$0x1FFF0] =	vst v38;
	v31 =	vpop (erf);
	(erf) = vpow2.f32 v2;
	v2 =	vmul.f32 v29, v38;
	v38 =	vld [tilespmem:$0x1DBC0]  }
0x302: {  	[tilespmem:$0x1FF90] =	vst v41;
	v32 =	vpop (erf);
	v41 =	vld [tilespmem:$0x1DBD0];
	v3 =	vmul.f32 $1.442695020e+00, v3  }
0x303: {  	[tilespmem:$0x1FF80] =	vst v43;
	v33 =	vpop (erf);
	v43 =	vld [tilespmem:$0x1DBE0];
	(erf) = vpow2.f32 v1;
	v0 =	vmul.f32 $1.442695020e+00, v0  }
0x304: {  	[tilespmem:$0x1FFB0] =	vst v37;
	v45 =	vld [tilespmem:$0x1DBF0];
	v35 =	vpop (erf);
	(erf) = vpow2.f32 v3;
	v34 =	vmul.f32 $1.442695020e+00, v2  }
0x305: {  	[tilespmem:$0x1FC10] =	vst v47;
	v47 =	vld [tilespmem:$0x1DC00];
	v37 =	vpop (erf);
	(erf) = vpow2.f32 v0;
	v0 =	vadd.f32 $1.000000000e+00, v36  }
0x306: {  	[tilespmem:$0x1FFD0] =	vst v40;
	v49 =	vld [tilespmem:$0x1DC10];
	v40 =	vpop (erf);
	(erf) = vpow2.f32 v34;
	v1 =	vadd.f32 $1.000000000e+00, v38  }
0x307: {  	v51 =	vld [tilespmem:$0x1DC20];
	v42 =	vpop (erf);
	(erf) = vrcp.f32 v0;
	v0 =	vadd.f32 $1.000000000e+00, v41  }
0x308: {  	v53 =	vld [tilespmem:$0x1DC30];
	v44 =	vpop (erf);
	(erf) = vrcp.f32 v1;
	v1 =	vadd.f32 $1.000000000e+00, v43  }
0x309: {  	v55 =	vld [tilespmem:$0x1DC40];
	v46 =	vpop (erf);
	(erf) = vrcp.f32 v0;
	v0 =	vadd.f32 $1.000000000e+00, v45  }
0x30a: {  	v57 =	vld [tilespmem:$0x1DC50];
	v48 =	vpop (erf);
	(erf) = vrcp.f32 v1;
	v1 =	vadd.f32 $1.000000000e+00, v47  }
0x30b: {  	[tilespmem:$0x1FF60] =	vst v58;
	v59 =	vld [tilespmem:$0x1DC60];
	v50 =	vpop (erf);
	(erf) = vrcp.f32 v0;
	v0 =	vadd.f32 $1.000000000e+00, v49  }
0x30c: {  	[tilespmem:$0x1FFA0] =	vst v18;
	v60 =	vld [tilespmem:$0x1DC70];
	v52 =	vpop (erf);
	(erf) = vrcp.f32 v1;
	v1 =	vadd.f32 $1.000000000e+00, v51  }
0x30d: {  	v62 =	vld [tilespmem:$0x1DC80];
	[tilespmem:$0x1FC30] =	vst v54;
	v54 =	vpop (erf);
	(erf) = vrcp.f32 v0;
	v0 =	vadd.f32 $1.000000000e+00, v53  }
0x30e: {  	v6 =	vld [tilespmem:$0x1DC90];
	[tilespmem:$0x1FC50] =	vst v56;
	v56 =	vpop (erf);
	(erf) = vrcp.f32 v1;
	v1 =	vadd.f32 $1.000000000e+00, v55  }
0x30f: {  	[tilespmem:$0x1FFE0] =	vst v19;
	v8 =	vld [tilespmem:$0x1DCA0];
	v58 =	vpop (erf);
	(erf) = vrcp.f32 v0;
	v0 =	vadd.f32 $1.000000000e+00, v57  }
0x310: {  	v10 =	vld [tilespmem:$0x1DCB0];
	[tilespmem:$0x1FC70] =	vst v61;
	v2 =	vpop (erf);
	(erf) = vrcp.f32 v1;
	v1 =	vadd.f32 $1.000000000e+00, v59  }
0x311: {  	[tilespmem:$0x1FC90] =	vst v63;
	v12 =	vld [tilespmem:$0x1DCC0];
	(erf) = vrcp.f32 v0;
	v0 =	vadd.f32 $1.000000000e+00, v60;
	v61 =	vpop (erf)  }
0x312: {  	v14 =	vld [tilespmem:$0x1DCD0];
	[tilespmem:$0x1FCB0] =	vst v7;
	(erf) = vrcp.f32 v1;
	v1 =	vadd.f32 $1.000000000e+00, v62;
	v63 =	vpop (erf)  }
0x313: {  	[tilespmem:$0x1FCD0] =	vst v11;
	v19 =	vld [tilespmem:$0x1DCE0];
	(erf) = vrcp.f32 v0;
	v0 =	vadd.f32 $1.000000000e+00, v6;
	v7 =	vpop (erf)  }
0x314: {  	[tilespmem:$0x1FCF0] =	vst v21;
	v21 =	vld [tilespmem:$0x1DCF0];
	(erf) = vrcp.f32 v1;
	v1 =	vadd.f32 $1.000000000e+00, v8;
	v9 =	vpop (erf)  }
0x315: {  	[tilespmem:$0x1FD10] =	vst v26;
	v23 =	vld [tilespmem:$0x1DD00];
	(erf) = vrcp.f32 v0;
	v0 =	vadd.f32 $1.000000000e+00, v10;
	v11 =	vpop (erf)  }
0x316: {  	v25 =	vld [tilespmem:$0x1DD10];
	[tilespmem:$0x1FD30] =	vst v28;
	(erf) = vrcp.f32 v1;
	v1 =	vadd.f32 $1.000000000e+00, v12;
	v13 =	vpop (erf)  }
0x317: {  	[tilespmem:$0x1FD50] =	vst v30;
	v27 =	vld [tilespmem:$0x1DD20];
	(erf) = vrcp.f32 v0;
	v0 =	vadd.f32 $1.000000000e+00, v14;
	v18 =	vpop (erf)  }
0x318: {  	[tilespmem:$0x1FD70] =	vst v31;
	v29 =	vld [tilespmem:$0x1DD30];
	(erf) = vrcp.f32 v1;
	v1 =	vadd.f32 $1.000000000e+00, v19;
	v20 =	vpop (erf)  }
0x319: {  	v31 =	vld [tilespmem:$0x1DD40];
	[tilespmem:$0x1FD90] =	vst v32;
	(erf) = vrcp.f32 v0;
	v0 =	vadd.f32 $1.000000000e+00, v21;
	v22 =	vpop (erf)  }
0x31a: {  	[tilespmem:$0x1FDB0] =	vst v33;
	v33 =	vld [tilespmem:$0x1DD50];
	(erf) = vrcp.f32 v1;
	v1 =	vadd.f32 $1.000000000e+00, v23;
	v24 =	vpop (erf)  }
0x31b: {  	[tilespmem:$0x1FDD0] =	vst v35;
	v35 =	vld [tilespmem:$0x1DD60];
	(erf) = vrcp.f32 v0;
	v0 =	vadd.f32 $1.000000000e+00, v25;
	v26 =	vpop (erf)  }
0x31c: {  	[tilespmem:$0x1FDF0] =	vst v37;
	v37 =	vld [tilespmem:$0x1DD70];
	(erf) = vrcp.f32 v1;
	v1 =	vadd.f32 $1.000000000e+00, v27;
	v28 =	vpop (erf)  }
0x31d: {  	[tilespmem:$0x1FE10] =	vst v40;
	v40 =	vld [tilespmem:$0x1DD80];
	(erf) = vrcp.f32 v0;
	v0 =	vadd.f32 $1.000000000e+00, v29;
	v30 =	vpop (erf)  }
0x31e: {  	[tilespmem:$0x1FE30] =	vst v42;
	v42 =	vld [tilespmem:$0x1DD90];
	(erf) = vrcp.f32 v1;
	v1 =	vadd.f32 $1.000000000e+00, v31;
	v32 =	vpop (erf)  }
0x31f: {  	[tilespmem:$0x1FE50] =	vst v44;
	v44 =	vld [tilespmem:$0x1DDA0];
	(erf) = vrcp.f32 v0;
	v0 =	vadd.f32 $1.000000000e+00, v33;
	v34 =	vpop (erf)  }
0x320: {  	[tilespmem:$0x1FE70] =	vst v46;
	v46 =	vld [tilespmem:$0x1DDB0];
	(erf) = vrcp.f32 v1;
	v1 =	vadd.f32 $1.000000000e+00, v35;
	v36 =	vpop (erf)  }
0x321: {  	[tilespmem:$0x1FE90] =	vst v48;
	v48 =	vld [tilespmem:$0x1DDC0];
	(erf) = vrcp.f32 v0;
	v0 =	vadd.f32 $1.000000000e+00, v37;
	v38 =	vpop (erf)  }
0x322: {  	[tilespmem:$0x1FEB0] =	vst v50;
	v50 =	vld [tilespmem:$0x1DDD0];
	(erf) = vrcp.f32 v1;
	v1 =	vadd.f32 $1.000000000e+00, v40;
	v41 =	vpop (erf)  }
0x323: {  	[tilespmem:$0x1FED0] =	vst v52;
	v52 =	vld [tilespmem:$0x1DDE0];
	(erf) = vrcp.f32 v0;
	v0 =	vadd.f32 $1.000000000e+00, v42;
	v43 =	vpop (erf)  }
0x324: {  	[tilespmem:$0x1FEF0] =	vst v54;
	v54 =	vld [tilespmem:$0x1DDF0];
	(erf) = vrcp.f32 v1;
	v1 =	vadd.f32 $1.000000000e+00, v44;
	v45 =	vpop (erf)  }
0x325: {  	[tilespmem:$0x1FF10] =	vst v56;
	v56 =	vld [tilespmem:$0x1DE00];
	(erf) = vrcp.f32 v0;
	v0 =	vadd.f32 $1.000000000e+00, v46;
	v47 =	vpop (erf)  }
0x326: {  	[tilespmem:$0x1FF30] =	vst v58;
	v58 =	vld [tilespmem:$0x1DE10];
	(erf) = vrcp.f32 v1;
	v1 =	vadd.f32 $1.000000000e+00, v48;
	v49 =	vpop (erf)  }
0x327: {  	v60 =	vld [tilespmem:$0x1DE20];
	(erf) = vrcp.f32 v0;
	v0 =	vadd.f32 $1.000000000e+00, v50;
	v51 =	vpop (erf)  }
0x328: {  	v62 =	vld [tilespmem:$0x1DE30];
	(erf) = vrcp.f32 v1;
	v1 =	vadd.f32 $1.000000000e+00, v52;
	v53 =	vpop (erf)  }
0x329: {  	[tilespmem:$0x1E400] =	vst v61;
	v6 =	vld [tilespmem:$0x1DE40];
	(erf) = vrcp.f32 v0;
	v0 =	vadd.f32 $1.000000000e+00, v54;
	v55 =	vpop (erf)  }
0x32a: {  	[tilespmem:$0x1E420] =	vst v63;
	v8 =	vld [tilespmem:$0x1DE50];
	(erf) = vrcp.f32 v1;
	v1 =	vadd.f32 $1.000000000e+00, v56;
	v57 =	vpop (erf)  }
0x32b: {  	[tilespmem:$0x1E440] =	vst v7;
	v10 =	vld [tilespmem:$0x1DE60];
	(erf) = vrcp.f32 v0;
	v0 =	vadd.f32 $1.000000000e+00, v58;
	v59 =	vpop (erf)  }
0x32c: {  	[tilespmem:$0x1E460] =	vst v9;
	v12 =	vld [tilespmem:$0x1DE70];
	(erf) = vrcp.f32 v1;
	v1 =	vadd.f32 $1.000000000e+00, v60;
	v61 =	vpop (erf)  }
0x32d: {  	[tilespmem:$0x1E480] =	vst v11;
	v14 =	vld [tilespmem:$0x1DE80];
	(erf) = vrcp.f32 v0;
	v0 =	vadd.f32 $1.000000000e+00, v62;
	v63 =	vpop (erf)  }
0x32e: {  	[tilespmem:$0x1E4A0] =	vst v13;
	v19 =	vld [tilespmem:$0x1DE90];
	(erf) = vrcp.f32 v1;
	v1 =	vadd.f32 $1.000000000e+00, v6;
	v7 =	vpop (erf)  }
0x32f: {  	[tilespmem:$0x1E4C0] =	vst v18;
	v21 =	vld [tilespmem:$0x1DEA0];
	(erf) = vrcp.f32 v0;
	v0 =	vadd.f32 $1.000000000e+00, v8;
	v9 =	vpop (erf)  }
0x330: {  	[tilespmem:$0x1E4E0] =	vst v20;
	v23 =	vld [tilespmem:$0x1DEB0];
	(erf) = vrcp.f32 v1;
	v1 =	vadd.f32 $1.000000000e+00, v10;
	v11 =	vpop (erf)  }
0x331: {  	[tilespmem:$0x1E500] =	vst v22;
	v25 =	vld [tilespmem:$0x1DEC0];
	(erf) = vrcp.f32 v0;
	v0 =	vadd.f32 $1.000000000e+00, v12;
	v13 =	vpop (erf)  }
0x332: {  	[tilespmem:$0x1E520] =	vst v24;
	v27 =	vld [tilespmem:$0x1DED0];
	(erf) = vrcp.f32 v1;
	v1 =	vadd.f32 $1.000000000e+00, v14;
	v18 =	vpop (erf)  }
0x333: {  	[tilespmem:$0x1E540] =	vst v26;
	v29 =	vld [tilespmem:$0x1DEE0];
	(erf) = vrcp.f32 v0;
	v0 =	vadd.f32 $1.000000000e+00, v19;
	v20 =	vpop (erf)  }
0x334: {  	[tilespmem:$0x1E560] =	vst v28;
	v31 =	vld [tilespmem:$0x1DEF0];
	(erf) = vrcp.f32 v1;
	v1 =	vadd.f32 $1.000000000e+00, v21;
	v22 =	vpop (erf)  }
0x335: {  	[tilespmem:$0x1E580] =	vst v30;
	v33 =	vld [tilespmem:$0x1DF00];
	(erf) = vrcp.f32 v0;
	v0 =	vadd.f32 $1.000000000e+00, v23;
	v24 =	vpop (erf)  }
0x336: {  	[tilespmem:$0x1E5A0] =	vst v32;
	v35 =	vld [tilespmem:$0x1DF10];
	(erf) = vrcp.f32 v1;
	v1 =	vadd.f32 $1.000000000e+00, v25;
	v26 =	vpop (erf)  }
0x337: {  	[tilespmem:$0x1E5C0] =	vst v34;
	v37 =	vld [tilespmem:$0x1DF20];
	(erf) = vrcp.f32 v0;
	v0 =	vadd.f32 $1.000000000e+00, v27;
	v28 =	vpop (erf)  }
0x338: {  	[tilespmem:$0x1E5E0] =	vst v36;
	v40 =	vld [tilespmem:$0x1DF30];
	(erf) = vrcp.f32 v1;
	v1 =	vadd.f32 $1.000000000e+00, v29;
	v30 =	vpop (erf)  }
0x339: {  	[tilespmem:$0x1E600] =	vst v38;
	v42 =	vld [tilespmem:$0x1DF40];
	(erf) = vrcp.f32 v0;
	v0 =	vadd.f32 $1.000000000e+00, v31;
	v32 =	vpop (erf)  }
0x33a: {  	[tilespmem:$0x1E620] =	vst v41;
	v44 =	vld [tilespmem:$0x1DF50];
	(erf) = vrcp.f32 v1;
	v1 =	vadd.f32 $1.000000000e+00, v33;
	v34 =	vpop (erf)  }
0x33b: {  	[tilespmem:$0x1E640] =	vst v43;
	v46 =	vld [tilespmem:$0x1DF60];
	(erf) = vrcp.f32 v0;
	v0 =	vadd.f32 $1.000000000e+00, v35;
	v36 =	vpop (erf)  }
0x33c: {  	[tilespmem:$0x1E660] =	vst v45;
	v48 =	vld [tilespmem:$0x1DF70];
	(erf) = vrcp.f32 v1;
	v1 =	vadd.f32 $1.000000000e+00, v37;
	v38 =	vpop (erf)  }
0x33d: {  	[tilespmem:$0x1E680] =	vst v47;
	v50 =	vld [tilespmem:$0x1DF80];
	(erf) = vrcp.f32 v0;
	v0 =	vadd.f32 $1.000000000e+00, v40;
	v41 =	vpop (erf)  }
0x33e: {  	[tilespmem:$0x1E6A0] =	vst v49;
	v52 =	vld [tilespmem:$0x1DF90];
	(erf) = vrcp.f32 v1;
	v1 =	vadd.f32 $1.000000000e+00, v42;
	v43 =	vpop (erf)  }
0x33f: {  	[tilespmem:$0x1E6C0] =	vst v51;
	v54 =	vld [tilespmem:$0x1DFA0];
	(erf) = vrcp.f32 v0;
	v0 =	vadd.f32 $1.000000000e+00, v44;
	v45 =	vpop (erf)  }
0x340: {  	[tilespmem:$0x1E6E0] =	vst v53;
	v56 =	vld [tilespmem:$0x1DFB0];
	(erf) = vrcp.f32 v1;
	v1 =	vadd.f32 $1.000000000e+00, v46;
	v47 =	vpop (erf)  }
0x341: {  	[tilespmem:$0x1E700] =	vst v55;
	v58 =	vld [tilespmem:$0x1DFC0];
	(erf) = vrcp.f32 v0;
	v0 =	vadd.f32 $1.000000000e+00, v48;
	v49 =	vpop (erf)  }
0x342: {  	[tilespmem:$0x1E720] =	vst v57;
	v60 =	vld [tilespmem:$0x1DFD0];
	(erf) = vrcp.f32 v1;
	v1 =	vadd.f32 $1.000000000e+00, v50;
	v51 =	vpop (erf)  }
0x343: {  	[tilespmem:$0x1E740] =	vst v59;
	v62 =	vld [tilespmem:$0x1DFE0];
	(erf) = vrcp.f32 v0;
	v0 =	vadd.f32 $1.000000000e+00, v52;
	v53 =	vpop (erf)  }
0x344: {  	[tilespmem:$0x1E760] =	vst v61;
	v6 =	vld [tilespmem:$0x1DFF0];
	(erf) = vrcp.f32 v1;
	v1 =	vadd.f32 $1.000000000e+00, v54;
	v55 =	vpop (erf)  }
0x345: {  	[tilespmem:$0x1E780] =	vst v63;
	v8 =	vld [tilespmem:$0x1E000];
	(erf) = vrcp.f32 v0;
	v0 =	vadd.f32 $1.000000000e+00, v56;
	v57 =	vpop (erf)  }
0x346: {  	[tilespmem:$0x1E7A0] =	vst v7;
	v10 =	vld [tilespmem:$0x1E010];
	(erf) = vrcp.f32 v1;
	v1 =	vadd.f32 $1.000000000e+00, v58;
	v59 =	vpop (erf)  }
0x347: {  	[tilespmem:$0x1E7C0] =	vst v9;
	v12 =	vld [tilespmem:$0x1E020];
	(erf) = vrcp.f32 v0;
	v0 =	vadd.f32 $1.000000000e+00, v60;
	v61 =	vpop (erf)  }
0x348: {  	[tilespmem:$0x1E7E0] =	vst v11;
	v14 =	vld [tilespmem:$0x1E030];
	(erf) = vrcp.f32 v1;
	v1 =	vadd.f32 $1.000000000e+00, v62;
	v63 =	vpop (erf)  }
0x349: {  	[tilespmem:$0x1E800] =	vst v13;
	v19 =	vld [tilespmem:$0x1E040];
	(erf) = vrcp.f32 v0;
	v0 =	vadd.f32 $1.000000000e+00, v6;
	v7 =	vpop (erf)  }
0x34a: {  	[tilespmem:$0x1E820] =	vst v18;
	v21 =	vld [tilespmem:$0x1E050];
	(erf) = vrcp.f32 v1;
	v1 =	vadd.f32 $1.000000000e+00, v8;
	v9 =	vpop (erf)  }
0x34b: {  	[tilespmem:$0x1E840] =	vst v20;
	v23 =	vld [tilespmem:$0x1E060];
	(erf) = vrcp.f32 v0;
	v0 =	vadd.f32 $1.000000000e+00, v10;
	v11 =	vpop (erf)  }
0x34c: {  	[tilespmem:$0x1E860] =	vst v22;
	v25 =	vld [tilespmem:$0x1E070];
	(erf) = vrcp.f32 v1;
	v1 =	vadd.f32 $1.000000000e+00, v12;
	v13 =	vpop (erf)  }
0x34d: {  	[tilespmem:$0x1E880] =	vst v24;
	v27 =	vld [tilespmem:$0x1E080];
	(erf) = vrcp.f32 v0;
	v0 =	vadd.f32 $1.000000000e+00, v14;
	v18 =	vpop (erf)  }
0x34e: {  	[tilespmem:$0x1E8A0] =	vst v26;
	v29 =	vld [tilespmem:$0x1E090];
	(erf) = vrcp.f32 v1;
	v1 =	vadd.f32 $1.000000000e+00, v19;
	v20 =	vpop (erf)  }
0x34f: {  	[tilespmem:$0x1E8C0] =	vst v28;
	v31 =	vld [tilespmem:$0x1E0A0];
	(erf) = vrcp.f32 v0;
	v0 =	vadd.f32 $1.000000000e+00, v21;
	v22 =	vpop (erf)  }
0x350: {  	[tilespmem:$0x1E8E0] =	vst v30;
	v33 =	vld [tilespmem:$0x1E0B0];
	(erf) = vrcp.f32 v1;
	v1 =	vadd.f32 $1.000000000e+00, v23;
	v24 =	vpop (erf)  }
0x351: {  	[tilespmem:$0x1E900] =	vst v32;
	v35 =	vld [tilespmem:$0x1E0C0];
	(erf) = vrcp.f32 v0;
	v0 =	vadd.f32 $1.000000000e+00, v25;
	v26 =	vpop (erf)  }
0x352: {  	[tilespmem:$0x1E920] =	vst v34;
	v37 =	vld [tilespmem:$0x1E0D0];
	(erf) = vrcp.f32 v1;
	v1 =	vadd.f32 $1.000000000e+00, v27;
	v28 =	vpop (erf)  }
0x353: {  	[tilespmem:$0x1E940] =	vst v36;
	v40 =	vld [tilespmem:$0x1E0E0];
	(erf) = vrcp.f32 v0;
	v0 =	vadd.f32 $1.000000000e+00, v29;
	v30 =	vpop (erf)  }
0x354: {  	[tilespmem:$0x1E960] =	vst v38;
	v42 =	vld [tilespmem:$0x1E0F0];
	(erf) = vrcp.f32 v1;
	v1 =	vadd.f32 $1.000000000e+00, v31;
	v32 =	vpop (erf)  }
0x355: {  	[tilespmem:$0x1E980] =	vst v41;
	v44 =	vld [tilespmem:$0x1E100];
	(erf) = vrcp.f32 v0;
	v0 =	vadd.f32 $1.000000000e+00, v33;
	v34 =	vpop (erf)  }
0x356: {  	[tilespmem:$0x1E9C0] =	vst v45;
	v45 =	vld [tilespmem:$0x1E110];
	(erf) = vrcp.f32 v1;
	v1 =	vadd.f32 $1.000000000e+00, v35;
	v36 =	vpop (erf)  }
0x357: {  	[tilespmem:$0x1E9A0] =	vst v43;
	v46 =	vld [tilespmem:$0x1E120];
	(erf) = vrcp.f32 v0;
	v0 =	vadd.f32 $1.000000000e+00, v37;
	v38 =	vpop (erf)  }
0x358: {  	[tilespmem:$0x1E9E0] =	vst v47;
	v47 =	vld [tilespmem:$0x1E130];
	(erf) = vrcp.f32 v1;
	v1 =	vadd.f32 $1.000000000e+00, v40;
	v41 =	vpop (erf)  }
0x359: {  	v48 =	vld [tilespmem:$0x1E140];
	[tilespmem:$0x1EA00] =	vst v49;
	(erf) = vrcp.f32 v0;
	v0 =	vadd.f32 $1.000000000e+00, v42;
	v43 =	vpop (erf)  }
0x35a: {  	v49 =	vld [tilespmem:$0x1E150];
	[tilespmem:$0x1EA20] =	vst v51;
	(erf) = vrcp.f32 v1;
	v1 =	vadd.f32 $1.000000000e+00, v44;
	v62 =	vpop (erf)  }
0x35b: {  	v50 =	vld [tilespmem:$0x1E160];
	[tilespmem:$0x1EAC0] =	vst v61;
	(erf) = vrcp.f32 v0;
	v0 =	vadd.f32 $1.000000000e+00, v45;
	v61 =	vpop (erf)  }
0x35c: {  	v51 =	vld [tilespmem:$0x1E170];
	[tilespmem:$0x1EA40] =	vst v53;
	(erf) = vrcp.f32 v1;
	v1 =	vadd.f32 $1.000000000e+00, v46;
	v60 =	vpop (erf)  }
0x35d: {  	v52 =	vld [tilespmem:$0x1E180];
	[tilespmem:$0x1EAA0] =	vst v59;
	(erf) = vrcp.f32 v0;
	v0 =	vadd.f32 $1.000000000e+00, v47;
	v59 =	vpop (erf)  }
0x35e: {  	v53 =	vld [tilespmem:$0x1E190];
	[tilespmem:$0x1EA80] =	vst v57;
	(erf) = vrcp.f32 v1;
	v1 =	vadd.f32 $1.000000000e+00, v48;
	v58 =	vpop (erf)  }
0x35f: {  	[tilespmem:$0x1EAE0] =	vst v63;
	v63 =	vld [tilespmem:$0x1E1A0];
	(erf) = vrcp.f32 v0;
	v0 =	vadd.f32 $1.000000000e+00, v49;
	v57 =	vpop (erf)  }
0x360: {  	v4 =	vld [tilespmem:$0x1E1B0];
	(erf) = vrcp.f32 v1;
	v1 =	vadd.f32 $1.000000000e+00, v50;
	v56 =	vpop (erf)  }
0x361: {  	v5 =	vld [tilespmem:$0x1E1C0];
	[tilespmem:$0x1EA60] =	vst v55;
	(erf) = vrcp.f32 v0;
	v0 =	vadd.f32 $1.000000000e+00, v51;
	v55 =	vpop (erf)  }
0x362: {  	v6 =	vld [tilespmem:$0x1E1D0];
	(erf) = vrcp.f32 v1;
	v1 =	vadd.f32 $1.000000000e+00, v52;
	v54 =	vpop (erf)  }
0x363: {  	[tilespmem:$0x1EB00] =	vst v7;
	v7 =	vld [tilespmem:$0x1E1E0];
	(erf) = vrcp.f32 v0;
	v0 =	vadd.f32 $1.000000000e+00, v53;
	v53 =	vpop (erf)  }
0x364: {  	v8 =	vld [tilespmem:$0x1E1F0];
	(erf) = vrcp.f32 v1;
	v1 =	vadd.f32 $1.000000000e+00, v63;
	v52 =	vpop (erf)  }
0x365: {  	[tilespmem:$0x1EB20] =	vst v9;
	v9 =	vld [tilespmem:$0x1E200];
	(erf) = vrcp.f32 v0;
	v0 =	vadd.f32 $1.000000000e+00, v4;
	v51 =	vpop (erf)  }
0x366: {  	v10 =	vld [tilespmem:$0x1E210];
	(erf) = vrcp.f32 v1;
	v1 =	vadd.f32 $1.000000000e+00, v5;
	v50 =	vpop (erf)  }
0x367: {  	[tilespmem:$0x1EB40] =	vst v11;
	v11 =	vld [tilespmem:$0x1E220];
	(erf) = vrcp.f32 v0;
	v0 =	vadd.f32 $1.000000000e+00, v6;
	v49 =	vpop (erf)  }
0x368: {  	v12 =	vld [tilespmem:$0x1E230];
	(erf) = vrcp.f32 v1;
	v1 =	vadd.f32 $1.000000000e+00, v7;
	v48 =	vpop (erf)  }
0x369: {  	[tilespmem:$0x1EB60] =	vst v13;
	v13 =	vld [tilespmem:$0x1E240];
	(erf) = vrcp.f32 v0;
	v0 =	vadd.f32 $1.000000000e+00, v8;
	v47 =	vpop (erf)  }
0x36a: {  	v14 =	vld [tilespmem:$0x1E250];
	(erf) = vrcp.f32 v1;
	v1 =	vadd.f32 $1.000000000e+00, v9;
	v46 =	vpop (erf)  }
0x36b: {  	[tilespmem:$0x1EB80] =	vst v18;
	v18 =	vld [tilespmem:$0x1E260];
	(erf) = vrcp.f32 v0;
	v0 =	vadd.f32 $1.000000000e+00, v10;
	v45 =	vpop (erf)  }
0x36c: {  	v19 =	vld [tilespmem:$0x1E270];
	[tilespmem:$0x1EBA0] =	vst v20;
	(erf) = vrcp.f32 v1;
	v1 =	vadd.f32 $1.000000000e+00, v11;
	v44 =	vpop (erf)  }
0x36d: {  	v20 =	vld [tilespmem:$0x1E280];
	[tilespmem:$0x1ED00] =	vst v43;
	(erf) = vrcp.f32 v0;
	v0 =	vadd.f32 $1.000000000e+00, v12;
	v43 =	vpop (erf)  }
0x36e: {  	v21 =	vld [tilespmem:$0x1E290];
	[tilespmem:$0x1EBC0] =	vst v22;
	(erf) = vrcp.f32 v1;
	v1 =	vadd.f32 $1.000000000e+00, v13;
	v42 =	vpop (erf)  }
0x36f: {  	v22 =	vld [tilespmem:$0x1E2A0];
	[tilespmem:$0x1ECE0] =	vst v41;
	(erf) = vrcp.f32 v0;
	v0 =	vadd.f32 $1.000000000e+00, v14;
	v41 =	vpop (erf)  }
0x370: {  	v23 =	vld [tilespmem:$0x1E2B0];
	(erf) = vrcp.f32 v1;
	v1 =	vadd.f32 $1.000000000e+00, v18;
	v40 =	vpop (erf)  }
0x371: {  	[tilespmem:$0x1ECC0] =	vst v38;
	(erf) = vrcp.f32 v0;
	v0 =	vadd.f32 $1.000000000e+00, v19;
	v38 =	vpop (erf)  }
0x372: {  	[tilespmem:$0x1EC00] =	vst v26;
	(erf) = vrcp.f32 v1;
	v1 =	vadd.f32 $1.000000000e+00, v20;
	v37 =	vpop (erf)  }
0x373: {  	v26 =	vld [tilespmem:$0x1E2C0];
	[tilespmem:$0x1ECA0] =	vst v36;
	(erf) = vrcp.f32 v0;
	v0 =	vadd.f32 $1.000000000e+00, v21;
	v36 =	vpop (erf)  }
0x374: {  	v27 =	vld [tilespmem:$0x1E2D0];
	[tilespmem:$0x1EC80] =	vst v34;
	(erf) = vrcp.f32 v1;
	v1 =	vadd.f32 $1.000000000e+00, v22;
	v34 =	vpop (erf)  }
0x375: {  	v29 =	vld [tilespmem:$0x1E2E0];
	[tilespmem:$0x1EC60] =	vst v32;
	(erf) = vrcp.f32 v0;
	v0 =	vadd.f32 $1.000000000e+00, v23;
	v32 =	vpop (erf)  }
0x376: {  	[tilespmem:$0x1EBE0] =	vst v24;
	v24 =	vadd.f32 $1.000000000e+00, v15;
	v33 =	vld [tilespmem:$0x1E2F0];
	(erf) = vrcp.f32 v1;
	v31 =	vpop (erf)  }
0x377: {  	v25 =	vadd.f32 $1.000000000e+00, v16;
	[tilespmem:$0x1EC40] =	vst v30;
	(erf) = vrcp.f32 v0;
	v30 =	vpop (erf)  }
0x378: {  	[tilespmem:$0x1EC20] =	vst v28;
	v1 =	vadd.f32 $1.000000000e+00, v26;
	(erf) = vrcp.f32 v24;
	v28 =	vpop (erf)  }
0x379: {  	v0 =	vadd.f32 $1.000000000e+00, v27;
	(erf) = vrcp.f32 v25;
	v27 =	vpop (erf)  }
0x37a: {  	(erf) = vrcp.f32 v1;
	v1 =	vadd.f32 $1.000000000e+00, v29;
	v26 =	vpop (erf)  }
0x37b: {  	(erf) = vrcp.f32 v0;
	v0 =	vadd.f32 $1.000000000e+00, v33;
	v24 =	vpop (erf)  }
0x37c: {  	v35 =	vadd.f32 $1.000000000e+00, v39;
	(erf) = vrcp.f32 v1;
	v23 =	vpop (erf)  }
0x37d: {  	v39 =	vadd.f32 $1.000000000e+00, v17;
	(erf) = vrcp.f32 v0;
	v22 =	vpop (erf)  }
0x37e: {  	(erf) = vrcp.f32 v35;
	v20 =	vpop (erf)  }
0x37f: {  	v63 =	vld [tilespmem:$0x1E300];
	(erf) = vrcp.f32 v39  }
0x380: {  	v0 =	vld [tilespmem:$0x1E310]  }
0x381: {  	v4 =	vld [tilespmem:$0x1E320]  }
0x382: {  	v5 =	vld [tilespmem:$0x1E330]  }
0x383: {  	v6 =	vld [tilespmem:$0x1E340]  }
0x384: {  	v1 =	vadd.f32 $1.000000000e+00, v63;
	v7 =	vld [tilespmem:$0x1E350]  }
0x385: {  	v19 =	vpop (erf);
	v8 =	vld [tilespmem:$0x1E360];
	v0 =	vadd.f32 $1.000000000e+00, v0  }
0x386: {  	(erf) = vrcp.f32 v1;
	v9 =	vld [tilespmem:$0x1E370];
	v18 =	vpop (erf);
	v1 =	vadd.f32 $1.000000000e+00, v4  }
0x387: {  	v10 =	vld [tilespmem:$0x1E380];
	v16 =	vpop (erf);
	(erf) = vrcp.f32 v0;
	v0 =	vadd.f32 $1.000000000e+00, v5  }
0x388: {  	v15 =	vpop (erf);
	(erf) = vrcp.f32 v1;
	v1 =	vadd.f32 $1.000000000e+00, v6  }
0x389: {  	v13 =	vld [tilespmem:$0x1E390];
	v14 =	vpop (erf);
	(erf) = vrcp.f32 v0;
	v0 =	vadd.f32 $1.000000000e+00, v7  }
0x38a: {  	v17 =	vld [tilespmem:$0x1E3A0];
	v12 =	vpop (erf);
	(erf) = vrcp.f32 v1;
	v1 =	vadd.f32 $1.000000000e+00, v8  }
0x38b: {  	v21 =	vld [tilespmem:$0x1E3B0];
	v11 =	vpop (erf);
	(erf) = vrcp.f32 v0  }
0x38c: {  	v39 =	vld [tilespmem:$0x1E3E0];
	v0 =	vadd.f32 $1.000000000e+00, v9;
	(erf) = vrcp.f32 v1;
	v1 =	vadd.f32 $1.000000000e+00, v10;
	v10 =	vpop (erf)  }
0x38d: {  	v29 =	vld [tilespmem:$0x1E3C0];
	v9 =	vpop (erf)  }
0x38e: {  	v35 =	vld [tilespmem:$0x1E3D0];
	(erf) = vrcp.f32 v0;
	v0 =	vadd.f32 $1.000000000e+00, v13;
	v7 =	vpop (erf)  }
0x38f: {  	(erf) = vrcp.f32 v1;
	v1 =	vadd.f32 $1.000000000e+00, v17;
	v6 =	vpop (erf)  }
0x390: {  	v63 =	vld [tilespmem:$0x1E400];
	(erf) = vrcp.f32 v0;
	v4 =	vpop (erf)  }
0x391: {  	v25 =	vadd.f32 $1.000000000e+00, v21;
	(erf) = vrcp.f32 v1;
	v1 =	vmul.f32 v2, v39;
	v2 =	vld [tilespmem:$0x1E3F0];
	v3 =	vpop (erf)  }
0x392: {  	v33 =	vadd.f32 $1.000000000e+00, v29;
	v5 =	vpop (erf)  }
0x393: {  	v0 =	vadd.f32 $1.000000000e+00, v35;
	(erf) = vrcp.f32 v25;
	v8 =	vpop (erf)  }
0x394: {  	(erf) = vrcp.f32 v33;
	v13 =	vpop (erf)  }
0x395: {  	v17 =	vpop (erf);
	(erf) = vrcp.f32 v0;
	v0 =	vld [tilespmem:$0x1E410]  }
0x396: {  	v2 =	vmul.f32 v63, v2;
	v63 =	vld [tilespmem:$0x1E420];
	_ =	sdelay $0x3  }
0x397: {  	[tilespmem:s13+$0x4000] =	vst v1;
	v1 =	vld [tilespmem:$0x1E430]  }
0x398: {  	v0 =	vmul.f32 v63, v0;
	v63 =	vld [tilespmem:$0x1E440];
	_ =	sdelay $0x3  }
0x399: {  	[tilespmem:s13+$0x4010] =	vst v2;
	v2 =	vld [tilespmem:$0x1E450]  }
0x39a: {  	v1 =	vmul.f32 v63, v1;
	v63 =	vld [tilespmem:$0x1E460];
	_ =	sdelay $0x3  }
0x39b: {  	[tilespmem:s13+$0x4020] =	vst v0;
	v0 =	vld [tilespmem:$0x1E470]  }
0x39c: {  	v2 =	vmul.f32 v63, v2;
	v63 =	vld [tilespmem:$0x1E480];
	_ =	sdelay $0x3  }
0x39d: {  	[tilespmem:s13+$0x4030] =	vst v1;
	v1 =	vld [tilespmem:$0x1E490]  }
0x39e: {  	v0 =	vmul.f32 v63, v0;
	v63 =	vld [tilespmem:$0x1E4A0];
	_ =	sdelay $0x3  }
0x39f: {  	[tilespmem:s13+$0x4040] =	vst v2;
	v2 =	vld [tilespmem:$0x1E4B0]  }
0x3a0: {  	v1 =	vmul.f32 v63, v1;
	v63 =	vld [tilespmem:$0x1E4C0];
	_ =	sdelay $0x3  }
0x3a1: {  	[tilespmem:s13+$0x4050] =	vst v0;
	v0 =	vld [tilespmem:$0x1E4D0]  }
0x3a2: {  	v2 =	vmul.f32 v63, v2;
	v63 =	vld [tilespmem:$0x1E4E0];
	_ =	sdelay $0x3  }
0x3a3: {  	[tilespmem:s13+$0x4060] =	vst v1;
	v1 =	vld [tilespmem:$0x1E4F0]  }
0x3a4: {  	v0 =	vmul.f32 v63, v0;
	v63 =	vld [tilespmem:$0x1E500];
	_ =	sdelay $0x3  }
0x3a5: {  	[tilespmem:s13+$0x4070] =	vst v2;
	v2 =	vld [tilespmem:$0x1E510]  }
0x3a6: {  	v1 =	vmul.f32 v63, v1;
	v63 =	vld [tilespmem:$0x1E520];
	_ =	sdelay $0x3  }
0x3a7: {  	[tilespmem:s13+$0x4400] =	vst v0;
	v0 =	vld [tilespmem:$0x1E530]  }
0x3a8: {  	v2 =	vmul.f32 v63, v2;
	v63 =	vld [tilespmem:$0x1E540];
	_ =	sdelay $0x3  }
0x3a9: {  	[tilespmem:s13+$0x4410] =	vst v1;
	v1 =	vld [tilespmem:$0x1E550]  }
0x3aa: {  	v0 =	vmul.f32 v63, v0;
	v63 =	vld [tilespmem:$0x1E560];
	_ =	sdelay $0x3  }
0x3ab: {  	[tilespmem:s13+$0x4420] =	vst v2;
	v2 =	vld [tilespmem:$0x1E570]  }
0x3ac: {  	v1 =	vmul.f32 v63, v1;
	v63 =	vld [tilespmem:$0x1E580];
	_ =	sdelay $0x3  }
0x3ad: {  	[tilespmem:s13+$0x4430] =	vst v0;
	v0 =	vld [tilespmem:$0x1E590]  }
0x3ae: {  	v2 =	vmul.f32 v63, v2;
	v63 =	vld [tilespmem:$0x1E5A0];
	_ =	sdelay $0x3  }
0x3af: {  	[tilespmem:s13+$0x4440] =	vst v1;
	v1 =	vld [tilespmem:$0x1E5B0]  }
0x3b0: {  	v0 =	vmul.f32 v63, v0;
	v63 =	vld [tilespmem:$0x1E5C0];
	_ =	sdelay $0x3  }
0x3b1: {  	[tilespmem:s13+$0x4450] =	vst v2;
	v2 =	vld [tilespmem:$0x1E5D0]  }
0x3b2: {  	v1 =	vmul.f32 v63, v1;
	v63 =	vld [tilespmem:$0x1E5E0];
	_ =	sdelay $0x3  }
0x3b3: {  	[tilespmem:s13+$0x4460] =	vst v0;
	v0 =	vld [tilespmem:$0x1E5F0]  }
0x3b4: {  	v2 =	vmul.f32 v63, v2;
	v63 =	vld [tilespmem:$0x1E600];
	_ =	sdelay $0x3  }
0x3b5: {  	[tilespmem:s13+$0x4470] =	vst v1;
	v1 =	vld [tilespmem:$0x1E610]  }
0x3b6: {  	v0 =	vmul.f32 v63, v0;
	v63 =	vld [tilespmem:$0x1E620];
	_ =	sdelay $0x3  }
0x3b7: {  	[tilespmem:s13+$0x4800] =	vst v2;
	v2 =	vld [tilespmem:$0x1E630]  }
0x3b8: {  	v1 =	vmul.f32 v63, v1;
	v63 =	vld [tilespmem:$0x1E640];
	_ =	sdelay $0x3  }
0x3b9: {  	[tilespmem:s13+$0x4810] =	vst v0;
	v0 =	vld [tilespmem:$0x1E650]  }
0x3ba: {  	v2 =	vmul.f32 v63, v2;
	v63 =	vld [tilespmem:$0x1E660];
	_ =	sdelay $0x3  }
0x3bb: {  	[tilespmem:s13+$0x4820] =	vst v1;
	v1 =	vld [tilespmem:$0x1E670]  }
0x3bc: {  	v0 =	vmul.f32 v63, v0;
	v63 =	vld [tilespmem:$0x1E680];
	_ =	sdelay $0x3  }
0x3bd: {  	[tilespmem:s13+$0x4830] =	vst v2;
	v2 =	vld [tilespmem:$0x1E690]  }
0x3be: {  	v1 =	vmul.f32 v63, v1;
	v63 =	vld [tilespmem:$0x1E6A0];
	_ =	sdelay $0x3  }
0x3bf: {  	[tilespmem:s13+$0x4840] =	vst v0;
	v0 =	vld [tilespmem:$0x1E6B0]  }
0x3c0: {  	v2 =	vmul.f32 v63, v2;
	v63 =	vld [tilespmem:$0x1E6C0];
	_ =	sdelay $0x3  }
0x3c1: {  	[tilespmem:s13+$0x4850] =	vst v1;
	v1 =	vld [tilespmem:$0x1E6D0]  }
0x3c2: {  	v0 =	vmul.f32 v63, v0;
	v63 =	vld [tilespmem:$0x1E6E0];
	_ =	sdelay $0x3  }
0x3c3: {  	[tilespmem:s13+$0x4860] =	vst v2;
	v2 =	vld [tilespmem:$0x1E6F0]  }
0x3c4: {  	v1 =	vmul.f32 v63, v1;
	v63 =	vld [tilespmem:$0x1E700];
	_ =	sdelay $0x3  }
0x3c5: {  	[tilespmem:s13+$0x4870] =	vst v0;
	v0 =	vld [tilespmem:$0x1E710]  }
0x3c6: {  	v2 =	vmul.f32 v63, v2;
	v63 =	vld [tilespmem:$0x1E720];
	_ =	sdelay $0x3  }
0x3c7: {  	[tilespmem:s13+$0x4C00] =	vst v1;
	v1 =	vld [tilespmem:$0x1E730]  }
0x3c8: {  	v0 =	vmul.f32 v63, v0;
	v63 =	vld [tilespmem:$0x1E740];
	_ =	sdelay $0x3  }
0x3c9: {  	[tilespmem:s13+$0x4C10] =	vst v2;
	v2 =	vld [tilespmem:$0x1E750]  }
0x3ca: {  	v1 =	vmul.f32 v63, v1;
	v63 =	vld [tilespmem:$0x1E760];
	_ =	sdelay $0x3  }
0x3cb: {  	[tilespmem:s13+$0x4C20] =	vst v0;
	v0 =	vld [tilespmem:$0x1E770]  }
0x3cc: {  	v2 =	vmul.f32 v63, v2;
	v63 =	vld [tilespmem:$0x1E780];
	_ =	sdelay $0x3  }
0x3cd: {  	[tilespmem:s13+$0x4C30] =	vst v1;
	v1 =	vld [tilespmem:$0x1E790]  }
0x3ce: {  	v0 =	vmul.f32 v63, v0;
	v63 =	vld [tilespmem:$0x1E7A0];
	_ =	sdelay $0x3  }
0x3cf: {  	[tilespmem:s13+$0x4C40] =	vst v2;
	v2 =	vld [tilespmem:$0x1E7B0]  }
0x3d0: {  	v1 =	vmul.f32 v63, v1;
	v63 =	vld [tilespmem:$0x1E7C0];
	_ =	sdelay $0x3  }
0x3d1: {  	[tilespmem:s13+$0x4C50] =	vst v0;
	v0 =	vld [tilespmem:$0x1E7D0]  }
0x3d2: {  	v2 =	vmul.f32 v63, v2;
	v63 =	vld [tilespmem:$0x1E7E0];
	_ =	sdelay $0x3  }
0x3d3: {  	[tilespmem:s13+$0x4C60] =	vst v1;
	v1 =	vld [tilespmem:$0x1E7F0]  }
0x3d4: {  	v0 =	vmul.f32 v63, v0;
	v63 =	vld [tilespmem:$0x1E800];
	_ =	sdelay $0x3  }
0x3d5: {  	[tilespmem:s13+$0x4C70] =	vst v2;
	v2 =	vld [tilespmem:$0x1E810]  }
0x3d6: {  	v1 =	vmul.f32 v63, v1;
	v63 =	vld [tilespmem:$0x1E820];
	_ =	sdelay $0x3  }
0x3d7: {  	[tilespmem:s13+$0x5000] =	vst v0;
	v0 =	vld [tilespmem:$0x1E830]  }
0x3d8: {  	v2 =	vmul.f32 v63, v2;
	v63 =	vld [tilespmem:$0x1E840];
	_ =	sdelay $0x3  }
0x3d9: {  	[tilespmem:s13+$0x5010] =	vst v1;
	v1 =	vld [tilespmem:$0x1E850]  }
0x3da: {  	v0 =	vmul.f32 v63, v0;
	v63 =	vld [tilespmem:$0x1E860];
	_ =	sdelay $0x3  }
0x3db: {  	[tilespmem:s13+$0x5020] =	vst v2;
	v2 =	vld [tilespmem:$0x1E870]  }
0x3dc: {  	v1 =	vmul.f32 v63, v1;
	v63 =	vld [tilespmem:$0x1E880];
	_ =	sdelay $0x3  }
0x3dd: {  	[tilespmem:s13+$0x5030] =	vst v0;
	v0 =	vld [tilespmem:$0x1E890]  }
0x3de: {  	v2 =	vmul.f32 v63, v2;
	v63 =	vld [tilespmem:$0x1E8A0];
	_ =	sdelay $0x3  }
0x3df: {  	[tilespmem:s13+$0x5040] =	vst v1;
	v1 =	vld [tilespmem:$0x1E8B0]  }
0x3e0: {  	v0 =	vmul.f32 v63, v0;
	v63 =	vld [tilespmem:$0x1E8C0];
	_ =	sdelay $0x3  }
0x3e1: {  	[tilespmem:s13+$0x5050] =	vst v2;
	v2 =	vld [tilespmem:$0x1E8D0]  }
0x3e2: {  	v1 =	vmul.f32 v63, v1;
	v63 =	vld [tilespmem:$0x1E8E0];
	_ =	sdelay $0x3  }
0x3e3: {  	[tilespmem:s13+$0x5060] =	vst v0;
	v0 =	vld [tilespmem:$0x1E8F0]  }
0x3e4: {  	v2 =	vmul.f32 v63, v2;
	v63 =	vld [tilespmem:$0x1E900];
	_ =	sdelay $0x3  }
0x3e5: {  	[tilespmem:s13+$0x5070] =	vst v1;
	v1 =	vld [tilespmem:$0x1E910]  }
0x3e6: {  	v0 =	vmul.f32 v63, v0;
	v63 =	vld [tilespmem:$0x1E920];
	_ =	sdelay $0x3  }
0x3e7: {  	[tilespmem:s13+$0x5400] =	vst v2;
	v2 =	vld [tilespmem:$0x1E930]  }
0x3e8: {  	v1 =	vmul.f32 v63, v1;
	v63 =	vld [tilespmem:$0x1E940];
	_ =	sdelay $0x3  }
0x3e9: {  	[tilespmem:s13+$0x5410] =	vst v0;
	v0 =	vld [tilespmem:$0x1E950]  }
0x3ea: {  	v2 =	vmul.f32 v63, v2;
	v63 =	vld [tilespmem:$0x1E960];
	_ =	sdelay $0x3  }
0x3eb: {  	[tilespmem:s13+$0x5420] =	vst v1;
	v1 =	vld [tilespmem:$0x1E970]  }
0x3ec: {  	v0 =	vmul.f32 v63, v0;
	v63 =	vld [tilespmem:$0x1E980];
	_ =	sdelay $0x3  }
0x3ed: {  	[tilespmem:s13+$0x5430] =	vst v2;
	v2 =	vld [tilespmem:$0x1E990]  }
0x3ee: {  	v1 =	vmul.f32 v63, v1;
	v63 =	vld [tilespmem:$0x1E9A0];
	_ =	sdelay $0x3  }
0x3ef: {  	[tilespmem:s13+$0x5440] =	vst v0;
	v0 =	vld [tilespmem:$0x1E9B0]  }
0x3f0: {  	v2 =	vmul.f32 v63, v2;
	v63 =	vld [tilespmem:$0x1E9C0];
	_ =	sdelay $0x3  }
0x3f1: {  	[tilespmem:s13+$0x5450] =	vst v1;
	v1 =	vld [tilespmem:$0x1E9D0]  }
0x3f2: {  	v0 =	vmul.f32 v63, v0;
	v63 =	vld [tilespmem:$0x1E9E0];
	_ =	sdelay $0x3  }
0x3f3: {  	[tilespmem:s13+$0x5460] =	vst v2;
	v2 =	vld [tilespmem:$0x1E9F0]  }
0x3f4: {  	v1 =	vmul.f32 v63, v1;
	v63 =	vld [tilespmem:$0x1EA00];
	_ =	sdelay $0x3  }
0x3f5: {  	[tilespmem:s13+$0x5470] =	vst v0;
	v0 =	vld [tilespmem:$0x1EA10]  }
0x3f6: {  	v2 =	vmul.f32 v63, v2;
	v63 =	vld [tilespmem:$0x1EA20];
	_ =	sdelay $0x3  }
0x3f7: {  	[tilespmem:s13+$0x5800] =	vst v1;
	v1 =	vld [tilespmem:$0x1EA30]  }
0x3f8: {  	v0 =	vmul.f32 v63, v0;
	v63 =	vld [tilespmem:$0x1EA40];
	_ =	sdelay $0x3  }
0x3f9: {  	[tilespmem:s13+$0x5810] =	vst v2;
	v2 =	vld [tilespmem:$0x1EA50]  }
0x3fa: {  	v1 =	vmul.f32 v63, v1;
	v63 =	vld [tilespmem:$0x1EA60];
	_ =	sdelay $0x3  }
0x3fb: {  	[tilespmem:s13+$0x5820] =	vst v0;
	v0 =	vld [tilespmem:$0x1EA70]  }
0x3fc: {  	v2 =	vmul.f32 v63, v2;
	v63 =	vld [tilespmem:$0x1EA80];
	_ =	sdelay $0x3  }
0x3fd: {  	[tilespmem:s13+$0x5830] =	vst v1;
	v1 =	vld [tilespmem:$0x1EA90]  }
0x3fe: {  	v0 =	vmul.f32 v63, v0;
	v63 =	vld [tilespmem:$0x1EAA0];
	_ =	sdelay $0x3  }
0x3ff: {  	[tilespmem:s13+$0x5840] =	vst v2;
	v2 =	vld [tilespmem:$0x1EAB0]  }
0x400: {  	v1 =	vmul.f32 v63, v1;
	v63 =	vld [tilespmem:$0x1EAC0];
	_ =	sdelay $0x3  }
0x401: {  	[tilespmem:s13+$0x5850] =	vst v0;
	v0 =	vld [tilespmem:$0x1EAD0]  }
0x402: {  	v2 =	vmul.f32 v63, v2;
	v63 =	vld [tilespmem:$0x1EAE0];
	_ =	sdelay $0x3  }
0x403: {  	[tilespmem:s13+$0x5860] =	vst v1;
	v1 =	vld [tilespmem:$0x1EAF0]  }
0x404: {  	v0 =	vmul.f32 v63, v0;
	v63 =	vld [tilespmem:$0x1EB00];
	_ =	sdelay $0x3  }
0x405: {  	[tilespmem:s13+$0x5870] =	vst v2;
	v2 =	vld [tilespmem:$0x1EB10]  }
0x406: {  	v1 =	vmul.f32 v63, v1;
	v63 =	vld [tilespmem:$0x1EB20];
	_ =	sdelay $0x3  }
0x407: {  	[tilespmem:s13+$0x5C00] =	vst v0;
	v0 =	vld [tilespmem:$0x1EB30]  }
0x408: {  	v2 =	vmul.f32 v63, v2;
	v63 =	vld [tilespmem:$0x1EB40];
	_ =	sdelay $0x3  }
0x409: {  	[tilespmem:s13+$0x5C10] =	vst v1;
	v1 =	vld [tilespmem:$0x1EB50]  }
0x40a: {  	v0 =	vmul.f32 v63, v0;
	v63 =	vld [tilespmem:$0x1EB60];
	_ =	sdelay $0x3  }
0x40b: {  	[tilespmem:s13+$0x5C20] =	vst v2;
	v2 =	vld [tilespmem:$0x1EB70]  }
0x40c: {  	v1 =	vmul.f32 v63, v1;
	v63 =	vld [tilespmem:$0x1EB80];
	_ =	sdelay $0x3  }
0x40d: {  	[tilespmem:s13+$0x5C30] =	vst v0;
	v0 =	vld [tilespmem:$0x1EB90]  }
0x40e: {  	v2 =	vmul.f32 v63, v2;
	v63 =	vld [tilespmem:$0x1EBA0];
	_ =	sdelay $0x3  }
0x40f: {  	[tilespmem:s13+$0x5C40] =	vst v1;
	v1 =	vld [tilespmem:$0x1EBB0]  }
0x410: {  	v0 =	vmul.f32 v63, v0;
	v63 =	vld [tilespmem:$0x1EBC0];
	_ =	sdelay $0x3  }
0x411: {  	[tilespmem:s13+$0x5C50] =	vst v2;
	v2 =	vld [tilespmem:$0x1EBD0]  }
0x412: {  	v1 =	vmul.f32 v63, v1;
	v63 =	vld [tilespmem:$0x1EBE0];
	_ =	sdelay $0x3  }
0x413: {  	[tilespmem:s13+$0x5C60] =	vst v0;
	v0 =	vld [tilespmem:$0x1EBF0]  }
0x414: {  	v2 =	vmul.f32 v63, v2;
	v63 =	vld [tilespmem:$0x1EC00];
	_ =	sdelay $0x3  }
0x415: {  	[tilespmem:s13+$0x5C70] =	vst v1;
	v1 =	vld [tilespmem:$0x1EC10]  }
0x416: {  	v0 =	vmul.f32 v63, v0;
	v63 =	vld [tilespmem:$0x1EC20];
	_ =	sdelay $0x3  }
0x417: {  	[tilespmem:s13+$0x6000] =	vst v2;
	v2 =	vld [tilespmem:$0x1EC30]  }
0x418: {  	v1 =	vmul.f32 v63, v1;
	v63 =	vld [tilespmem:$0x1EC40];
	_ =	sdelay $0x3  }
0x419: {  	[tilespmem:s13+$0x6010] =	vst v0;
	v0 =	vld [tilespmem:$0x1EC50]  }
0x41a: {  	v2 =	vmul.f32 v63, v2;
	v63 =	vld [tilespmem:$0x1EC60];
	_ =	sdelay $0x3  }
0x41b: {  	[tilespmem:s13+$0x6020] =	vst v1;
	v1 =	vld [tilespmem:$0x1EC70]  }
0x41c: {  	v0 =	vmul.f32 v63, v0;
	v63 =	vld [tilespmem:$0x1EC80];
	_ =	sdelay $0x3  }
0x41d: {  	[tilespmem:s13+$0x6030] =	vst v2;
	v2 =	vld [tilespmem:$0x1EC90]  }
0x41e: {  	v1 =	vmul.f32 v63, v1;
	v63 =	vld [tilespmem:$0x1ECA0];
	_ =	sdelay $0x3  }
0x41f: {  	[tilespmem:s13+$0x6040] =	vst v0;
	v0 =	vld [tilespmem:$0x1ECB0]  }
0x420: {  	v2 =	vmul.f32 v63, v2;
	v63 =	vld [tilespmem:$0x1ECC0];
	_ =	sdelay $0x3  }
0x421: {  	[tilespmem:s13+$0x6050] =	vst v1;
	v1 =	vld [tilespmem:$0x1ECD0]  }
0x422: {  	v0 =	vmul.f32 v63, v0;
	v63 =	vld [tilespmem:$0x1ECE0];
	_ =	sdelay $0x3  }
0x423: {  	[tilespmem:s13+$0x6060] =	vst v2;
	v2 =	vld [tilespmem:$0x1ECF0]  }
0x424: {  	v1 =	vmul.f32 v63, v1;
	v63 =	vld [tilespmem:$0x1ED00];
	_ =	sdelay $0x4  }
0x425: {  	v2 =	vmul.f32 v63, v2;
	v63 =	vld [tilespmem:$0x1ED10];
	_ =	sdelay $0x4  }
0x426: {  	[tilespmem:s13+$0x6070] =	vst v0;
	v0 =	vmul.f32 v62, v63;
	v63 =	vld [tilespmem:$0x1ED20];
	_ =	sdelay $0x2  }
0x427: {  	v62 =	vld [tilespmem:$0x1ED40];
	_ =	sdelay $0x1  }
0x428: {  	[tilespmem:s13+$0x6400] =	vst v1;
	v1 =	vmul.f32 v61, v63;
	v61 =	vld [tilespmem:$0x1ED30];
	_ =	sdelay $0x1  }
0x429: {  	v63 =	vld [tilespmem:$0x1ED50]  }
0x42a: {  	[tilespmem:s13+$0x6420] =	vst v0;
	v0 =	vmul.f32 v59, v62;
	v59 =	vld [tilespmem:$0x1ED60]  }
0x42b: {  	v62 =	vld [tilespmem:$0x1ED90]  }
0x42c: {  	[tilespmem:s13+$0x6410] =	vst v2;
	v2 =	vmul.f32 v60, v61;
	v60 =	vld [tilespmem:$0x1ED70]  }
0x42d: {  	v61 =	vld [tilespmem:$0x1ED80]  }
0x42e: {  	[tilespmem:s13+$0x6430] =	vst v1;
	v1 =	vmul.f32 v58, v63;
	v63 =	vld [tilespmem:$0x1EDA0]  }
0x42f: {  	v58 =	vld [tilespmem:$0x1EE00]  }
0x430: {  	[tilespmem:s13+$0x6440] =	vst v2;
	v2 =	vmul.f32 v57, v59;
	v57 =	vld [tilespmem:$0x1EDF0]  }
0x431: {  	v59 =	vld [tilespmem:$0x1EE10]  }
0x432: {  	[tilespmem:s13+$0x6470] =	vst v2;
	v2 =	vmul.f32 v54, v62;
	v54 =	vld [tilespmem:$0x1EDC0]  }
0x433: {  	v62 =	vld [tilespmem:$0x1EE40]  }
0x434: {  	[tilespmem:s13+$0x6460] =	vst v1;
	v1 =	vmul.f32 v55, v61;
	v55 =	vld [tilespmem:$0x1EDD0]  }
0x435: {  	[tilespmem:s13+$0x6450] =	vst v0;
	v0 =	vmul.f32 v56, v60;
	v56 =	vld [tilespmem:$0x1EDE0]  }
0x436: {  	v60 =	vld [tilespmem:$0x1EE20]  }
0x437: {  	v61 =	vld [tilespmem:$0x1EE30]  }
0x438: {  	[tilespmem:s13+$0x6800] =	vst v0;
	v0 =	vmul.f32 v53, v63;
	v53 =	vld [tilespmem:$0x1EDB0]  }
0x439: {  	v63 =	vld [tilespmem:$0x1EE50]  }
0x43a: {  	[tilespmem:s13+$0x6820] =	vst v2;
	v2 =	vmul.f32 v51, v54;
	v51 =	vld [tilespmem:$0x1EEE0]  }
0x43b: {  	v54 =	vld [tilespmem:$0x1EF10]  }
0x43c: {  	[tilespmem:s13+$0x6830] =	vst v0;
	v0 =	vmul.f32 v50, v55;
	v50 =	vld [tilespmem:$0x1EED0]  }
0x43d: {  	v55 =	vld [tilespmem:$0x1EF20]  }
0x43e: {  	[tilespmem:s13+$0x6850] =	vst v2;
	v2 =	vmul.f32 v48, v57;
	v48 =	vld [tilespmem:$0x1EEB0]  }
0x43f: {  	v57 =	vld [tilespmem:$0x1EF40]  }
0x440: {  	[tilespmem:s13+$0x6860] =	vst v0;
	v0 =	vmul.f32 v47, v58;
	v47 =	vld [tilespmem:$0x1EEA0]  }
0x441: {  	[tilespmem:s13+$0x6810] =	vst v1;
	v1 =	vmul.f32 v52, v53;
	v52 =	vld [tilespmem:$0x1EEF0]  }
0x442: {  	v53 =	vld [tilespmem:$0x1EF00]  }
0x443: {  	v58 =	vld [tilespmem:$0x1EF50]  }
0x444: {  	[tilespmem:s13+$0x6C00] =	vst v2;
	v2 =	vmul.f32 v45, v60;
	v45 =	vld [tilespmem:$0x1EE80]  }
0x445: {  	v60 =	vld [tilespmem:$0x1EF70]  }
0x446: {  	[tilespmem:s13+$0x6C10] =	vst v0;
	v0 =	vmul.f32 v44, v61;
	v44 =	vld [tilespmem:$0x1EE70]  }
0x447: {  	[tilespmem:s13+$0x6840] =	vst v1;
	v1 =	vmul.f32 v49, v56;
	v49 =	vld [tilespmem:$0x1EEC0]  }
0x448: {  	v56 =	vld [tilespmem:$0x1EF30]  }
0x449: {  	v61 =	vld [tilespmem:$0x1EF80]  }
0x44a: {  	[tilespmem:s13+$0x6C30] =	vst v2;
	v2 =	vmul.f32 v42, v63;
	v63 =	vld [tilespmem:$0x1EFA0]  }
0x44b: {  	v42 =	vld [tilespmem:$0x1F100]  }
0x44c: {  	[tilespmem:s13+$0x6870] =	vst v1;
	v1 =	vmul.f32 v46, v59;
	v46 =	vld [tilespmem:$0x1EE90]  }
0x44d: {  	v59 =	vld [tilespmem:$0x1EF60]  }
0x44e: {  	[tilespmem:s13+$0x6C20] =	vst v1;
	v1 =	vmul.f32 v43, v62;
	v43 =	vld [tilespmem:$0x1EE60]  }
0x44f: {  	v62 =	vld [tilespmem:$0x1EF90]  }
0x450: {  	[tilespmem:s13+$0x6C60] =	vst v2;
	v2 =	vmul.f32 v38, v45;
	v38 =	vld [tilespmem:$0x1F0D0]  }
0x451: {  	v45 =	vld [tilespmem:$0x1F130]  }
0x452: {  	[tilespmem:s13+$0x7010] =	vst v2;
	v2 =	vmul.f32 v34, v48;
	v34 =	vld [tilespmem:$0x1F0A0]  }
0x453: {  	[tilespmem:s13+$0x6C50] =	vst v1;
	v1 =	vmul.f32 v40, v44;
	v40 =	vld [tilespmem:$0x1F0E0]  }
0x454: {  	v44 =	vld [tilespmem:$0x1F120]  }
0x455: {  	v48 =	vld [tilespmem:$0x1F160]  }
0x456: {  	[tilespmem:s13+$0x7040] =	vst v2;
	v2 =	vmul.f32 v30, v51;
	v30 =	vld [tilespmem:$0x1F070]  }
0x457: {  	[tilespmem:s13+$0x7000] =	vst v1;
	v1 =	vmul.f32 v36, v47;
	v36 =	vld [tilespmem:$0x1F0B0]  }
0x458: {  	v47 =	vld [tilespmem:$0x1F150]  }
0x459: {  	v51 =	vld [tilespmem:$0x1F180]  }
0x45a: {  	[tilespmem:s13+$0x6C40] =	vst v0;
	v0 =	vmul.f32 v41, v43;
	v41 =	vld [tilespmem:$0x1F0F0]  }
0x45b: {  	v43 =	vld [tilespmem:$0x1F110]  }
0x45c: {  	[tilespmem:s13+$0x7070] =	vst v2;
	v2 =	vmul.f32 v26, v54;
	v26 =	vld [tilespmem:$0x1F040]  }
0x45d: {  	[tilespmem:s13+$0x7030] =	vst v1;
	v1 =	vmul.f32 v31, v50;
	v31 =	vld [tilespmem:$0x1F080]  }
0x45e: {  	v54 =	vld [tilespmem:$0x1F1A0]  }
0x45f: {  	[tilespmem:s13+$0x6C70] =	vst v0;
	v0 =	vmul.f32 v37, v46;
	v37 =	vld [tilespmem:$0x1F0C0]  }
0x460: {  	v46 =	vld [tilespmem:$0x1F140];
	[tilespmem:s13+$0x7060] =	vst v1  }
0x461: {  	v1 =	vmul.f32 v27, v53;
	[tilespmem:s13+$0x7420] =	vst v2;
	v2 =	vmul.f32 v22, v57;
	v22 =	vld [tilespmem:$0x1F010]  }
0x462: {  	v27 =	vld [tilespmem:$0x1F050];
	[tilespmem:s13+$0x7020] =	vst v0  }
0x463: {  	v57 =	vld [tilespmem:$0x1F1C0];
	v0 =	vmul.f32 v32, v49;
	[tilespmem:s13+$0x7410] =	vst v1  }
0x464: {  	v32 =	vld [tilespmem:$0x1F090];
	v1 =	vmul.f32 v23, v56;
	[tilespmem:s13+$0x7450] =	vst v2  }
0x465: {  	v49 =	vld [tilespmem:$0x1F170];
	v2 =	vmul.f32 v18, v60;
	[tilespmem:s13+$0x7050] =	vst v0  }
0x466: {  	v18 =	vld [tilespmem:$0x1EFE0];
	v0 =	vmul.f32 v28, v52;
	[tilespmem:s13+$0x7440] =	vst v1  }
0x467: {  	v23 =	vld [tilespmem:$0x1F020];
	v1 =	vmul.f32 v19, v59;
	[tilespmem:s13+$0x7800] =	vst v2  }
0x468: {  	v60 =	vld [tilespmem:$0x1F1E0];
	[tilespmem:s13+$0x7400] =	vst v0;
	v0 =	vmul.f32 v24, v55  }
0x469: {  	v2 =	vmul.f32 v14, v63;
	v14 =	vld [tilespmem:$0x1EFB0];
	[tilespmem:s13+$0x7470] =	vst v1  }
0x46a: {  	v1 =	vmul.f32 v15, v62;
	v15 =	vld [tilespmem:$0x1EFC0];
	[tilespmem:s13+$0x7430] =	vst v0;
	v0 =	vmul.f32 v20, v58  }
0x46b: {  	v28 =	vld [tilespmem:$0x1F060]  }
0x46c: {  	[tilespmem:s13+$0x7460] =	vst v0;
	v0 =	vmul.f32 v16, v61;
	v16 =	vld [tilespmem:$0x1EFD0]  }
0x46d: {  	v19 =	vld [tilespmem:$0x1EFF0];
	[tilespmem:s13+$0x7830] =	vst v2  }
0x46e: {  	v20 =	vld [tilespmem:$0x1F000];
	[tilespmem:s13+$0x7810] =	vst v0;
	v0 =	vmul.f32 v12, v14  }
0x46f: {  	v52 =	vld [tilespmem:$0x1F190];
	[tilespmem:s13+$0x7820] =	vst v1;
	v1 =	vmul.f32 v11, v15  }
0x470: {  	v24 =	vld [tilespmem:$0x1F030];
	[tilespmem:s13+$0x7840] =	vst v0;
	v0 =	vmul.f32 v9, v18  }
0x471: {  	v63 =	vld [tilespmem:$0x1F200];
	[tilespmem:s13+$0x7850] =	vst v1;
	v2 =	vmul.f32 v10, v16  }
0x472: {  	v55 =	vld [tilespmem:$0x1F1B0];
	v1 =	vmul.f32 v7, v19;
	[tilespmem:s13+$0x7870] =	vst v0  }
0x473: {  	v58 =	vld [tilespmem:$0x1F1D0];
	[tilespmem:s13+$0x7860] =	vst v2;
	v2 =	vmul.f32 v6, v20  }
0x474: {  	v61 =	vld [tilespmem:$0x1F1F0];
	v0 =	vmul.f32 v4, v22;
	[tilespmem:s13+$0x7C00] =	vst v1  }
0x475: {  	v11 =	vld [tilespmem:$0x1F230];
	v1 =	vmul.f32 v3, v23;
	[tilespmem:s13+$0x7C10] =	vst v2;
	v2 =	vadd.f32 $1.000000000e+00, v24  }
0x476: {  	v14 =	vld [tilespmem:$0x1F250];
	[tilespmem:s13+$0x7C20] =	vst v0;
	v0 =	vadd.f32 $1.000000000e+00, v27  }
0x477: {  	v19 =	vld [tilespmem:$0x1F280];
	v3 =	vmul.f32 v5, v26;
	[tilespmem:s13+$0x7C30] =	vst v1;
	v1 =	vadd.f32 $1.000000000e+00, v30;
	(erf) = vrcp.f32 v2  }
0x478: {  	v21 =	vpop (erf);
	v10 =	vld [tilespmem:$0x1F220];
	v4 =	vmul.f32 v8, v28;
	(erf) = vrcp.f32 v0;
	v0 =	vadd.f32 $1.000000000e+00, v32  }
0x479: {  	v25 =	vpop (erf);
	v16 =	vld [tilespmem:$0x1F260];
	[tilespmem:s13+$0x7C40] =	vst v3;
	v3 =	vmul.f32 v17, v34;
	(erf) = vrcp.f32 v1;
	v1 =	vadd.f32 $1.000000000e+00, v36  }
0x47a: {  	v29 =	vpop (erf);
	v8 =	vld [tilespmem:$0x1F210];
	[tilespmem:s13+$0x7C50] =	vst v4;
	v4 =	vmul.f32 v21, v37;
	(erf) = vrcp.f32 v0;
	v0 =	vadd.f32 $1.000000000e+00, v38  }
0x47b: {  	v22 =	vld [tilespmem:$0x1F2A0];
	[tilespmem:s13+$0x7C70] =	vst v3;
	v3 =	vmul.f32 v29, v42;
	(erf) = vrcp.f32 v1;
	v1 =	vadd.f32 $1.000000000e+00, v41  }
0x47c: {  	v33 =	vpop (erf);
	v23 =	vld [tilespmem:$0x1F2B0];
	[tilespmem:s13+$0x4080] =	vst v4;
	v2 =	vmul.f32 v13, v31;
	(erf) = vrcp.f32 v0;
	v0 =	vadd.f32 $1.000000000e+00, v43  }
0x47d: {  	v35 =	vpop (erf);
	v26 =	vld [tilespmem:$0x1F2D0];
	v4 =	vmul.f32 v33, v44;
	[tilespmem:s13+$0x40A0] =	vst v3;
	(erf) = vrcp.f32 v1;
	v1 =	vadd.f32 $1.000000000e+00, v45  }
0x47e: {  	v39 =	vpop (erf);
	v28 =	vld [tilespmem:$0x1F2E0];
	[tilespmem:s13+$0x7C60] =	vst v2;
	v2 =	vmul.f32 v25, v40;
	(erf) = vrcp.f32 v0;
	v0 =	vadd.f32 $1.000000000e+00, v47  }
0x47f: {  	v50 =	vpop (erf);
	v20 =	vld [tilespmem:$0x1F290];
	v3 =	vmul.f32 v39, v48;
	[tilespmem:s13+$0x40B0] =	vst v4;
	(erf) = vrcp.f32 v1;
	v1 =	vadd.f32 $1.000000000e+00, v49  }
0x480: {  	v17 =	vld [tilespmem:$0x1F270];
	[tilespmem:s13+$0x4090] =	vst v2;
	v2 =	vmul.f32 v35, v46;
	(erf) = vrcp.f32 v0;
	v0 =	vadd.f32 $1.000000000e+00, v52;
	v53 =	vpop (erf)  }
0x481: {  	v13 =	vld [tilespmem:$0x1F240];
	v4 =	vmul.f32 v50, v51;
	[tilespmem:s13+$0x40D0] =	vst v3;
	(erf) = vrcp.f32 v1;
	v1 =	vadd.f32 $1.000000000e+00, v55;
	v56 =	vpop (erf)  }
0x482: {  	v34 =	vld [tilespmem:$0x1F320];
	[tilespmem:s13+$0x40C0] =	vst v2;
	v2 =	vmul.f32 v53, v54;
	(erf) = vrcp.f32 v0;
	v0 =	vadd.f32 $1.000000000e+00, v58;
	v59 =	vpop (erf)  }
0x483: {  	v37 =	vld [tilespmem:$0x1F340];
	[tilespmem:s13+$0x40E0] =	vst v4;
	v3 =	vmul.f32 v56, v57;
	(erf) = vrcp.f32 v1;
	v1 =	vadd.f32 $1.000000000e+00, v61;
	v62 =	vpop (erf)  }
0x484: {  	v29 =	vld [tilespmem:$0x1F2F0];
	v4 =	vmul.f32 v59, v60;
	[tilespmem:s13+$0x40F0] =	vst v2;
	(erf) = vrcp.f32 v0;
	v9 =	vpop (erf)  }
0x485: {  	v25 =	vld [tilespmem:$0x1F2C0];
	v2 =	vmul.f32 v62, v63;
	[tilespmem:s13+$0x4480] =	vst v3;
	v0 =	vadd.f32 $1.000000000e+00, v8;
	(erf) = vrcp.f32 v1;
	v12 =	vpop (erf)  }
0x486: {  	v31 =	vld [tilespmem:$0x1F300];
	v3 =	vmul.f32 v9, v10;
	[tilespmem:s13+$0x4490] =	vst v4;
	v1 =	vadd.f32 $1.000000000e+00, v11;
	v4 =	vmul.f32 v12, v13;
	v15 =	vpop (erf)  }
0x487: {  	v32 =	vld [tilespmem:$0x1F310];
	(erf) = vrcp.f32 v0;
	[tilespmem:s13+$0x44A0] =	vst v2;
	v0 =	vadd.f32 $1.000000000e+00, v14;
	v2 =	vmul.f32 v15, v16;
	v18 =	vpop (erf)  }
0x488: {  	v40 =	vld [tilespmem:$0x1F360];
	(erf) = vrcp.f32 v1;
	[tilespmem:s13+$0x44B0] =	vst v3;
	v1 =	vadd.f32 $1.000000000e+00, v17;
	v3 =	vmul.f32 v18, v19;
	v21 =	vpop (erf)  }
0x489: {  	v35 =	vld [tilespmem:$0x1F330];
	(erf) = vrcp.f32 v0;
	[tilespmem:s13+$0x44C0] =	vst v4;
	v0 =	vadd.f32 $1.000000000e+00, v20;
	v4 =	vmul.f32 v21, v22;
	v24 =	vpop (erf)  }
0x48a: {  	v38 =	vld [tilespmem:$0x1F350];
	(erf) = vrcp.f32 v1;
	[tilespmem:s13+$0x44D0] =	vst v2;
	v1 =	vadd.f32 $1.000000000e+00, v23;
	v2 =	vmul.f32 v24, v25;
	v27 =	vpop (erf)  }
0x48b: {  	v41 =	vld [tilespmem:$0x1F370];
	(erf) = vrcp.f32 v0;
	[tilespmem:s13+$0x44E0] =	vst v3;
	v0 =	vadd.f32 $1.000000000e+00, v26;
	v3 =	vmul.f32 v27, v28;
	v30 =	vpop (erf)  }
0x48c: {  	(erf) = vrcp.f32 v1;
	[tilespmem:s13+$0x44F0] =	vst v4;
	v1 =	vadd.f32 $1.000000000e+00, v29;
	v4 =	vmul.f32 v30, v31;
	v33 =	vpop (erf)  }
0x48d: {  	(erf) = vrcp.f32 v0;
	[tilespmem:s13+$0x4880] =	vst v2;
	v0 =	vadd.f32 $1.000000000e+00, v32;
	v2 =	vmul.f32 v33, v34;
	v36 =	vpop (erf)  }
0x48e: {  	(erf) = vrcp.f32 v1;
	[tilespmem:s13+$0x4890] =	vst v3;
	v1 =	vadd.f32 $1.000000000e+00, v35;
	v3 =	vmul.f32 v36, v37;
	v39 =	vpop (erf)  }
0x48f: {  	(erf) = vrcp.f32 v0;
	[tilespmem:s13+$0x48A0] =	vst v4;
	v0 =	vadd.f32 $1.000000000e+00, v38;
	v4 =	vmul.f32 v39, v40  }
0x490: {  	v44 =	vld [tilespmem:$0x1F390];
	(erf) = vrcp.f32 v1;
	[tilespmem:s13+$0x48B0] =	vst v2;
	v1 =	vadd.f32 $1.000000000e+00, v41  }
0x491: {  	v46 =	vld [tilespmem:$0x1F3A0];
	v42 =	vpop (erf);
	(erf) = vrcp.f32 v0;
	[tilespmem:s13+$0x48C0] =	vst v3  }
0x492: {  	v43 =	vld [tilespmem:$0x1F380];
	v45 =	vpop (erf);
	(erf) = vrcp.f32 v1;
	[tilespmem:s13+$0x48D0] =	vst v4  }
0x493: {  	v47 =	vld [tilespmem:$0x1F3B0];
	v4 =	vpop (erf)  }
0x494: {  	v48 =	vld [tilespmem:$0x1F3C0]  }
0x495: {  	v49 =	vld [tilespmem:$0x1F3D0]  }
0x496: {  	v51 =	vld [tilespmem:$0x1F3E0]  }
0x497: {  	v52 =	vld [tilespmem:$0x1F3F0]  }
0x498: {  	v54 =	vld [tilespmem:$0x1F400]  }
0x499: {  	v55 =	vld [tilespmem:$0x1F410]  }
0x49a: {  	v57 =	vld [tilespmem:$0x1F420]  }
0x49b: {  	v58 =	vld [tilespmem:$0x1F430]  }
0x49c: {  	v60 =	vld [tilespmem:$0x1F440]  }
0x49d: {  	v61 =	vld [tilespmem:$0x1F450]  }
0x49e: {  	v63 =	vld [tilespmem:$0x1F460]  }
0x49f: {  	v7 =	vld [tilespmem:$0x1F470]  }
0x4a0: {  	v9 =	vld [tilespmem:$0x1F480]  }
0x4a1: {  	v10 =	vld [tilespmem:$0x1F490]  }
0x4a2: {  	v12 =	vld [tilespmem:$0x1F4A0]  }
0x4a3: {  	v13 =	vld [tilespmem:$0x1F4B0]  }
0x4a4: {  	v15 =	vld [tilespmem:$0x1F4C0]  }
0x4a5: {  	v16 =	vld [tilespmem:$0x1F4D0]  }
0x4a6: {  	v18 =	vld [tilespmem:$0x1F4E0]  }
0x4a7: {  	v19 =	vld [tilespmem:$0x1F4F0]  }
0x4a8: {  	v21 =	vld [tilespmem:$0x1F500]  }
0x4a9: {  	v22 =	vld [tilespmem:$0x1F510]  }
0x4aa: {  	v24 =	vld [tilespmem:$0x1F520]  }
0x4ab: {  	v25 =	vld [tilespmem:$0x1F530]  }
0x4ac: {  	v27 =	vld [tilespmem:$0x1F540]  }
0x4ad: {  	v28 =	vld [tilespmem:$0x1F550]  }
0x4ae: {  	v30 =	vld [tilespmem:$0x1F560]  }
0x4af: {  	v31 =	vld [tilespmem:$0x1F570]  }
0x4b0: {  	v33 =	vld [tilespmem:$0x1F580]  }
0x4b1: {  	v34 =	vld [tilespmem:$0x1F590]  }
0x4b2: {  	v36 =	vld [tilespmem:$0x1F5A0]  }
0x4b3: {  	v37 =	vld [tilespmem:$0x1F5B0]  }
0x4b4: {  	v39 =	vld [tilespmem:$0x1F5C0]  }
0x4b5: {  	v40 =	vld [tilespmem:$0x1F5D0]  }
0x4b6: {  	v2 =	vmul.f32 v42, v43;
	v42 =	vld [tilespmem:$0x1F5E0]  }
0x4b7: {  	v43 =	vld [tilespmem:$0x1F5F0]  }
0x4b8: {  	v3 =	vmul.f32 v45, v46;
	v45 =	vld [tilespmem:$0x1F600]  }
0x4b9: {  	v0 =	vadd.f32 $1.000000000e+00, v44;
	v46 =	vld [tilespmem:$0x1F610]  }
0x4ba: {  	v4 =	vmul.f32 v4, v48;
	v48 =	vld [tilespmem:$0x1F620]  }
0x4bb: {  	v1 =	vadd.f32 $1.000000000e+00, v47;
	(erf) = vrcp.f32 v0;
	v50 =	vpop (erf);
	v0 =	vadd.f32 $1.000000000e+00, v49;
	v49 =	vld [tilespmem:$0x1F630]  }
0x4bc: {  	[tilespmem:s13+$0x48E0] =	vst v2;
	v2 =	vmul.f32 v50, v51;
	v51 =	vld [tilespmem:$0x1F640]  }
0x4bd: {  	(erf) = vrcp.f32 v1;
	v53 =	vpop (erf);
	v1 =	vadd.f32 $1.000000000e+00, v52;
	v52 =	vld [tilespmem:$0x1F650]  }
0x4be: {  	[tilespmem:s13+$0x48F0] =	vst v3;
	v3 =	vmul.f32 v53, v54;
	v54 =	vld [tilespmem:$0x1F660]  }
0x4bf: {  	v56 =	vpop (erf);
	(erf) = vrcp.f32 v0;
	v0 =	vadd.f32 $1.000000000e+00, v55;
	v55 =	vld [tilespmem:$0x1F670]  }
0x4c0: {  	v59 =	vpop (erf);
	[tilespmem:s13+$0x4C80] =	vst v4;
	v4 =	vmul.f32 v56, v57;
	v57 =	vld [tilespmem:$0x1F680]  }
0x4c1: {  	v62 =	vpop (erf);
	[tilespmem:s13+$0x4C90] =	vst v2;
	v2 =	vmul.f32 v59, v60;
	v60 =	vld [tilespmem:$0x1F6A0]  }
0x4c2: {  	[tilespmem:s13+$0x4CA0] =	vst v3;
	v3 =	vmul.f32 v62, v63;
	v63 =	vld [tilespmem:$0x1F6C0]  }
0x4c3: {  	(erf) = vrcp.f32 v1;
	v1 =	vadd.f32 $1.000000000e+00, v58;
	v58 =	vld [tilespmem:$0x1F690]  }
0x4c4: {  	v8 =	vpop (erf);
	(erf) = vrcp.f32 v0;
	v0 =	vadd.f32 $1.000000000e+00, v61;
	v61 =	vld [tilespmem:$0x1F6B0]  }
0x4c5: {  	v11 =	vpop (erf);
	[tilespmem:s13+$0x4CB0] =	vst v4;
	v4 =	vmul.f32 v8, v9;
	v9 =	vld [tilespmem:$0x1F6E0]  }
0x4c6: {  	v14 =	vpop (erf);
	[tilespmem:s13+$0x4CC0] =	vst v2;
	v2 =	vmul.f32 v11, v12;
	v12 =	vld [tilespmem:$0x1F700]  }
0x4c7: {  	[tilespmem:s13+$0x4CD0] =	vst v3;
	v3 =	vmul.f32 v14, v15;
	v15 =	vld [tilespmem:$0x1F720]  }
0x4c8: {  	(erf) = vrcp.f32 v1;
	v1 =	vadd.f32 $1.000000000e+00, v7;
	v7 =	vld [tilespmem:$0x1F6D0]  }
0x4c9: {  	v17 =	vpop (erf);
	(erf) = vrcp.f32 v0;
	v0 =	vadd.f32 $1.000000000e+00, v10;
	v10 =	vld [tilespmem:$0x1F6F0]  }
0x4ca: {  	v20 =	vpop (erf);
	[tilespmem:s13+$0x4CE0] =	vst v4;
	v4 =	vmul.f32 v17, v18;
	v18 =	vld [tilespmem:$0x1F740]  }
0x4cb: {  	v23 =	vpop (erf);
	[tilespmem:s13+$0x4CF0] =	vst v2;
	v2 =	vmul.f32 v20, v21;
	v21 =	vld [tilespmem:$0x1F760]  }
0x4cc: {  	[tilespmem:s13+$0x5080] =	vst v3;
	v3 =	vmul.f32 v23, v24;
	v24 =	vld [tilespmem:$0x1F780]  }
0x4cd: {  	(erf) = vrcp.f32 v1;
	v1 =	vadd.f32 $1.000000000e+00, v13;
	v13 =	vld [tilespmem:$0x1F710]  }
0x4ce: {  	(erf) = vrcp.f32 v0;
	v0 =	vadd.f32 $1.000000000e+00, v16;
	v16 =	vld [tilespmem:$0x1F730]  }
0x4cf: {  	(erf) = vrcp.f32 v1;
	v1 =	vadd.f32 $1.000000000e+00, v19;
	v19 =	vld [tilespmem:$0x1F750]  }
0x4d0: {  	(erf) = vrcp.f32 v0;
	v0 =	vadd.f32 $1.000000000e+00, v22;
	v22 =	vld [tilespmem:$0x1F770]  }
0x4d1: {  	(erf) = vrcp.f32 v1;
	v1 =	vadd.f32 $1.000000000e+00, v25;
	v26 =	vpop (erf);
	v25 =	vld [tilespmem:$0x1F790]  }
0x4d2: {  	[tilespmem:s13+$0x5090] =	vst v4;
	v4 =	vmul.f32 v26, v27;
	v27 =	vld [tilespmem:$0x1F7A0]  }
0x4d3: {  	(erf) = vrcp.f32 v0;
	v0 =	vadd.f32 $1.000000000e+00, v28;
	v29 =	vpop (erf);
	v28 =	vld [tilespmem:$0x1F7B0]  }
0x4d4: {  	[tilespmem:s13+$0x50A0] =	vst v2;
	v2 =	vmul.f32 v29, v30;
	v30 =	vld [tilespmem:$0x1F7C0]  }
0x4d5: {  	(erf) = vrcp.f32 v1;
	v1 =	vadd.f32 $1.000000000e+00, v31;
	v32 =	vpop (erf);
	v31 =	vld [tilespmem:$0x1F7D0]  }
0x4d6: {  	[tilespmem:s13+$0x50B0] =	vst v3;
	v3 =	vmul.f32 v32, v33;
	v33 =	vld [tilespmem:$0x1F7E0]  }
0x4d7: {  	(erf) = vrcp.f32 v0;
	v0 =	vadd.f32 $1.000000000e+00, v34;
	v35 =	vpop (erf);
	v34 =	vld [tilespmem:$0x1F7F0]  }
0x4d8: {  	[tilespmem:s13+$0x50C0] =	vst v4;
	v4 =	vmul.f32 v35, v36;
	v36 =	vld [tilespmem:$0x1F800]  }
0x4d9: {  	(erf) = vrcp.f32 v1;
	v1 =	vadd.f32 $1.000000000e+00, v37;
	v38 =	vpop (erf);
	v37 =	vld [tilespmem:$0x1F810]  }
0x4da: {  	[tilespmem:s13+$0x50D0] =	vst v2;
	v2 =	vmul.f32 v38, v39;
	v39 =	vld [tilespmem:$0x1F820]  }
0x4db: {  	(erf) = vrcp.f32 v0;
	v0 =	vadd.f32 $1.000000000e+00, v40;
	v41 =	vpop (erf);
	v40 =	vld [tilespmem:$0x1F830]  }
0x4dc: {  	[tilespmem:s13+$0x50E0] =	vst v3;
	v3 =	vmul.f32 v41, v42;
	v42 =	vld [tilespmem:$0x1F840]  }
0x4dd: {  	(erf) = vrcp.f32 v1;
	v1 =	vadd.f32 $1.000000000e+00, v43;
	v44 =	vpop (erf);
	v43 =	vld [tilespmem:$0x1F850]  }
0x4de: {  	[tilespmem:s13+$0x50F0] =	vst v4;
	v4 =	vmul.f32 v44, v45;
	v45 =	vld [tilespmem:$0x1F860]  }
0x4df: {  	(erf) = vrcp.f32 v0;
	v0 =	vadd.f32 $1.000000000e+00, v46;
	v47 =	vpop (erf);
	v46 =	vld [tilespmem:$0x1F870]  }
0x4e0: {  	[tilespmem:s13+$0x5480] =	vst v2;
	v2 =	vmul.f32 v47, v48;
	v48 =	vld [tilespmem:$0x1F880]  }
0x4e1: {  	(erf) = vrcp.f32 v1;
	v1 =	vadd.f32 $1.000000000e+00, v49;
	v50 =	vpop (erf);
	v49 =	vld [tilespmem:$0x1F890]  }
0x4e2: {  	[tilespmem:s13+$0x5490] =	vst v3;
	v3 =	vmul.f32 v50, v51;
	v51 =	vld [tilespmem:$0x1F8A0]  }
0x4e3: {  	(erf) = vrcp.f32 v0;
	v0 =	vadd.f32 $1.000000000e+00, v52;
	v53 =	vpop (erf);
	v52 =	vld [tilespmem:$0x1F8B0]  }
0x4e4: {  	[tilespmem:s13+$0x54A0] =	vst v4;
	v4 =	vmul.f32 v53, v54;
	v54 =	vld [tilespmem:$0x1F8C0]  }
0x4e5: {  	(erf) = vrcp.f32 v1;
	v1 =	vadd.f32 $1.000000000e+00, v55;
	v56 =	vpop (erf);
	v55 =	vld [tilespmem:$0x1F8D0]  }
0x4e6: {  	[tilespmem:s13+$0x54B0] =	vst v2;
	v2 =	vmul.f32 v56, v57;
	v57 =	vld [tilespmem:$0x1F8E0]  }
0x4e7: {  	(erf) = vrcp.f32 v0;
	v0 =	vadd.f32 $1.000000000e+00, v58;
	v59 =	vpop (erf);
	v58 =	vld [tilespmem:$0x1F8F0]  }
0x4e8: {  	[tilespmem:s13+$0x54C0] =	vst v3;
	v3 =	vmul.f32 v59, v60;
	v60 =	vld [tilespmem:$0x1F900]  }
0x4e9: {  	(erf) = vrcp.f32 v1;
	v1 =	vadd.f32 $1.000000000e+00, v61;
	v62 =	vpop (erf);
	v61 =	vld [tilespmem:$0x1F910]  }
0x4ea: {  	[tilespmem:s13+$0x54D0] =	vst v4;
	v4 =	vmul.f32 v62, v63;
	v63 =	vld [tilespmem:$0x1F920]  }
0x4eb: {  	(erf) = vrcp.f32 v0;
	v0 =	vadd.f32 $1.000000000e+00, v7;
	v8 =	vpop (erf);
	v7 =	vld [tilespmem:$0x1F930]  }
0x4ec: {  	[tilespmem:s13+$0x54E0] =	vst v2;
	v2 =	vmul.f32 v8, v9;
	v9 =	vld [tilespmem:$0x1F940]  }
0x4ed: {  	(erf) = vrcp.f32 v1;
	v1 =	vadd.f32 $1.000000000e+00, v10;
	v11 =	vpop (erf);
	v10 =	vld [tilespmem:$0x1F950]  }
0x4ee: {  	[tilespmem:s13+$0x54F0] =	vst v3;
	v3 =	vmul.f32 v11, v12;
	v12 =	vld [tilespmem:$0x1F960]  }
0x4ef: {  	(erf) = vrcp.f32 v0;
	v0 =	vadd.f32 $1.000000000e+00, v13;
	v14 =	vpop (erf);
	v13 =	vld [tilespmem:$0x1F970]  }
0x4f0: {  	[tilespmem:s13+$0x5880] =	vst v4;
	v4 =	vmul.f32 v14, v15;
	v15 =	vld [tilespmem:$0x1F980]  }
0x4f1: {  	(erf) = vrcp.f32 v1;
	v1 =	vadd.f32 $1.000000000e+00, v16;
	v17 =	vpop (erf);
	v16 =	vld [tilespmem:$0x1F990]  }
0x4f2: {  	[tilespmem:s13+$0x5890] =	vst v2;
	v2 =	vmul.f32 v17, v18;
	v18 =	vld [tilespmem:$0x1F9A0]  }
0x4f3: {  	(erf) = vrcp.f32 v0;
	v0 =	vadd.f32 $1.000000000e+00, v19;
	v20 =	vpop (erf);
	v19 =	vld [tilespmem:$0x1F9B0]  }
0x4f4: {  	[tilespmem:s13+$0x58A0] =	vst v3;
	v3 =	vmul.f32 v20, v21;
	v21 =	vld [tilespmem:$0x1F9C0]  }
0x4f5: {  	(erf) = vrcp.f32 v1;
	v1 =	vadd.f32 $1.000000000e+00, v22;
	v23 =	vpop (erf);
	v22 =	vld [tilespmem:$0x1F9D0]  }
0x4f6: {  	[tilespmem:s13+$0x58B0] =	vst v4;
	v4 =	vmul.f32 v23, v24;
	v24 =	vld [tilespmem:$0x1F9E0]  }
0x4f7: {  	(erf) = vrcp.f32 v0;
	v0 =	vadd.f32 $1.000000000e+00, v25;
	v26 =	vpop (erf);
	v25 =	vld [tilespmem:$0x1F9F0]  }
0x4f8: {  	[tilespmem:s13+$0x58C0] =	vst v2;
	v2 =	vmul.f32 v26, v27;
	v27 =	vld [tilespmem:$0x1FA00]  }
0x4f9: {  	(erf) = vrcp.f32 v1;
	v1 =	vadd.f32 $1.000000000e+00, v28;
	v29 =	vpop (erf);
	v28 =	vld [tilespmem:$0x1FA10]  }
0x4fa: {  	[tilespmem:s13+$0x58D0] =	vst v3;
	v3 =	vmul.f32 v29, v30;
	v30 =	vld [tilespmem:$0x1FA20]  }
0x4fb: {  	(erf) = vrcp.f32 v0;
	v0 =	vadd.f32 $1.000000000e+00, v31;
	v32 =	vpop (erf);
	v31 =	vld [tilespmem:$0x1FA30]  }
0x4fc: {  	[tilespmem:s13+$0x58E0] =	vst v4;
	v4 =	vmul.f32 v32, v33;
	v33 =	vld [tilespmem:$0x1FA40]  }
0x4fd: {  	(erf) = vrcp.f32 v1;
	v1 =	vadd.f32 $1.000000000e+00, v34;
	v35 =	vpop (erf);
	v34 =	vld [tilespmem:$0x1FA50]  }
0x4fe: {  	[tilespmem:s13+$0x58F0] =	vst v2;
	v2 =	vmul.f32 v35, v36;
	v36 =	vld [tilespmem:$0x1FA60]  }
0x4ff: {  	(erf) = vrcp.f32 v0;
	v0 =	vadd.f32 $1.000000000e+00, v37;
	v38 =	vpop (erf);
	v37 =	vld [tilespmem:$0x1FA70]  }
0x500: {  	[tilespmem:s13+$0x5C80] =	vst v3;
	v3 =	vmul.f32 v38, v39;
	v39 =	vld [tilespmem:$0x1FA80]  }
0x501: {  	(erf) = vrcp.f32 v1;
	v1 =	vadd.f32 $1.000000000e+00, v40;
	v41 =	vpop (erf);
	v40 =	vld [tilespmem:$0x1FA90]  }
0x502: {  	[tilespmem:s13+$0x5C90] =	vst v4;
	v4 =	vmul.f32 v41, v42;
	v42 =	vld [tilespmem:$0x1FAA0]  }
0x503: {  	(erf) = vrcp.f32 v0;
	v0 =	vadd.f32 $1.000000000e+00, v43;
	v44 =	vpop (erf);
	v43 =	vld [tilespmem:$0x1FAB0]  }
0x504: {  	[tilespmem:s13+$0x5CA0] =	vst v2;
	v2 =	vmul.f32 v44, v45;
	v45 =	vld [tilespmem:$0x1FAC0]  }
0x505: {  	(erf) = vrcp.f32 v1;
	v1 =	vadd.f32 $1.000000000e+00, v46;
	v47 =	vpop (erf);
	v46 =	vld [tilespmem:$0x1FAD0]  }
0x506: {  	[tilespmem:s13+$0x5CB0] =	vst v3;
	v3 =	vmul.f32 v47, v48;
	v48 =	vld [tilespmem:$0x1FAE0]  }
0x507: {  	(erf) = vrcp.f32 v0;
	v0 =	vadd.f32 $1.000000000e+00, v49;
	v50 =	vpop (erf);
	v49 =	vld [tilespmem:$0x1FAF0]  }
0x508: {  	[tilespmem:s13+$0x5CC0] =	vst v4;
	v4 =	vmul.f32 v50, v51;
	v51 =	vld [tilespmem:$0x1FB00]  }
0x509: {  	(erf) = vrcp.f32 v1;
	v1 =	vadd.f32 $1.000000000e+00, v52;
	v53 =	vpop (erf);
	v52 =	vld [tilespmem:$0x1FB10]  }
0x50a: {  	[tilespmem:s13+$0x5CD0] =	vst v2;
	v2 =	vmul.f32 v53, v54;
	v54 =	vld [tilespmem:$0x1FB20]  }
0x50b: {  	(erf) = vrcp.f32 v0;
	v0 =	vadd.f32 $1.000000000e+00, v55;
	v56 =	vpop (erf);
	v55 =	vld [tilespmem:$0x1FB30]  }
0x50c: {  	[tilespmem:s13+$0x5CE0] =	vst v3;
	v3 =	vmul.f32 v56, v57;
	v57 =	vld [tilespmem:$0x1FB40]  }
0x50d: {  	(erf) = vrcp.f32 v1;
	v1 =	vadd.f32 $1.000000000e+00, v58;
	v59 =	vpop (erf);
	v58 =	vld [tilespmem:$0x1FB50]  }
0x50e: {  	[tilespmem:s13+$0x5CF0] =	vst v4;
	v4 =	vmul.f32 v59, v60;
	v60 =	vld [tilespmem:$0x1FB60]  }
0x50f: {  	(erf) = vrcp.f32 v0;
	v0 =	vadd.f32 $1.000000000e+00, v61;
	v62 =	vpop (erf);
	v61 =	vld [tilespmem:$0x1FB70]  }
0x510: {  	[tilespmem:s13+$0x6080] =	vst v2;
	v2 =	vmul.f32 v62, v63;
	v8 =	vpop (erf);
	v63 =	vld [tilespmem:$0x1FB80]  }
0x511: {  	(erf) = vrcp.f32 v1;
	[tilespmem:s13+$0x6090] =	vst v3;
	v3 =	vmul.f32 v8, v9;
	v8 =	vld [tilespmem:$0x1FB90]  }
0x512: {  	v1 =	vadd.f32 $1.000000000e+00, v7;
	(erf) = vrcp.f32 v0;
	v0 =	vadd.f32 $1.000000000e+00, v10;
	v11 =	vpop (erf);
	v10 =	vld [tilespmem:$0x1FBA0]  }
0x513: {  	[tilespmem:s13+$0x60A0] =	vst v4;
	v4 =	vmul.f32 v11, v12;
	v11 =	vld [tilespmem:$0x1FBB0]  }
0x514: {  	(erf) = vrcp.f32 v1;
	v1 =	vadd.f32 $1.000000000e+00, v13;
	v14 =	vpop (erf);
	v13 =	vld [tilespmem:$0x1FBC0]  }
0x515: {  	[tilespmem:s13+$0x60B0] =	vst v2;
	v2 =	vmul.f32 v14, v15;
	v14 =	vld [tilespmem:$0x1FBD0]  }
0x516: {  	(erf) = vrcp.f32 v0;
	v0 =	vadd.f32 $1.000000000e+00, v16;
	v17 =	vpop (erf);
	v16 =	vld [tilespmem:$0x1FBE0]  }
0x517: {  	[tilespmem:s13+$0x60C0] =	vst v3;
	v3 =	vmul.f32 v17, v18;
	v17 =	vld [tilespmem:$0x1FBF0]  }
0x518: {  	(erf) = vrcp.f32 v1;
	v1 =	vadd.f32 $1.000000000e+00, v19;
	v20 =	vpop (erf);
	v19 =	vld [tilespmem:$0x1FC00]  }
0x519: {  	[tilespmem:s13+$0x60D0] =	vst v4;
	v4 =	vmul.f32 v20, v21;
	v20 =	vld [tilespmem:$0x1FC10]  }
0x51a: {  	(erf) = vrcp.f32 v0;
	v0 =	vadd.f32 $1.000000000e+00, v22;
	v23 =	vpop (erf);
	v22 =	vld [tilespmem:$0x1FC20]  }
0x51b: {  	[tilespmem:s13+$0x60E0] =	vst v2;
	v2 =	vmul.f32 v23, v24;
	v23 =	vld [tilespmem:$0x1FC30]  }
0x51c: {  	(erf) = vrcp.f32 v1;
	v1 =	vadd.f32 $1.000000000e+00, v25;
	v26 =	vpop (erf);
	v25 =	vld [tilespmem:$0x1FC40]  }
0x51d: {  	[tilespmem:s13+$0x60F0] =	vst v3;
	v3 =	vmul.f32 v26, v27;
	v26 =	vld [tilespmem:$0x1FC50]  }
0x51e: {  	(erf) = vrcp.f32 v0;
	v0 =	vadd.f32 $1.000000000e+00, v28;
	v29 =	vpop (erf);
	v28 =	vld [tilespmem:$0x1FC60]  }
0x51f: {  	[tilespmem:s13+$0x6480] =	vst v4;
	v4 =	vmul.f32 v29, v30;
	v29 =	vld [tilespmem:$0x1FC70]  }
0x520: {  	(erf) = vrcp.f32 v1;
	v1 =	vadd.f32 $1.000000000e+00, v31;
	v32 =	vpop (erf);
	v31 =	vld [tilespmem:$0x1FC80]  }
0x521: {  	[tilespmem:s13+$0x6490] =	vst v2;
	v2 =	vmul.f32 v32, v33;
	v32 =	vld [tilespmem:$0x1FC90]  }
0x522: {  	(erf) = vrcp.f32 v0;
	v0 =	vadd.f32 $1.000000000e+00, v34;
	v35 =	vpop (erf);
	v34 =	vld [tilespmem:$0x1FCA0]  }
0x523: {  	[tilespmem:s13+$0x64A0] =	vst v3;
	v3 =	vmul.f32 v35, v36;
	v35 =	vld [tilespmem:$0x1FCB0]  }
0x524: {  	(erf) = vrcp.f32 v1;
	v1 =	vadd.f32 $1.000000000e+00, v37;
	v38 =	vpop (erf);
	v37 =	vld [tilespmem:$0x1FCC0]  }
0x525: {  	[tilespmem:s13+$0x64B0] =	vst v4;
	v4 =	vmul.f32 v38, v39;
	v38 =	vld [tilespmem:$0x1FCD0]  }
0x526: {  	(erf) = vrcp.f32 v0;
	v0 =	vadd.f32 $1.000000000e+00, v40;
	v41 =	vpop (erf);
	v40 =	vld [tilespmem:$0x1FCE0]  }
0x527: {  	[tilespmem:s13+$0x64C0] =	vst v2;
	v2 =	vmul.f32 v41, v42;
	v41 =	vld [tilespmem:$0x1FCF0]  }
0x528: {  	(erf) = vrcp.f32 v1;
	v1 =	vadd.f32 $1.000000000e+00, v43;
	v44 =	vpop (erf);
	v43 =	vld [tilespmem:$0x1FD00]  }
0x529: {  	[tilespmem:s13+$0x64D0] =	vst v3;
	v3 =	vmul.f32 v44, v45;
	v44 =	vld [tilespmem:$0x1FD10]  }
0x52a: {  	(erf) = vrcp.f32 v0;
	v0 =	vadd.f32 $1.000000000e+00, v46;
	v47 =	vpop (erf);
	v46 =	vld [tilespmem:$0x1FD20]  }
0x52b: {  	[tilespmem:s13+$0x64E0] =	vst v4;
	v4 =	vmul.f32 v47, v48;
	v47 =	vld [tilespmem:$0x1FD30]  }
0x52c: {  	(erf) = vrcp.f32 v1;
	v1 =	vadd.f32 $1.000000000e+00, v49;
	v50 =	vpop (erf);
	v49 =	vld [tilespmem:$0x1FD40]  }
0x52d: {  	[tilespmem:s13+$0x64F0] =	vst v2;
	v2 =	vmul.f32 v50, v51;
	v50 =	vld [tilespmem:$0x1FD50]  }
0x52e: {  	(erf) = vrcp.f32 v0;
	v0 =	vadd.f32 $1.000000000e+00, v52;
	v53 =	vpop (erf);
	v52 =	vld [tilespmem:$0x1FD60]  }
0x52f: {  	[tilespmem:s13+$0x6880] =	vst v3;
	v3 =	vmul.f32 v53, v54;
	v53 =	vld [tilespmem:$0x1FD70]  }
0x530: {  	(erf) = vrcp.f32 v1;
	[tilespmem:s13+$0x6890] =	vst v4;
	v1 =	vadd.f32 $1.000000000e+00, v55;
	v56 =	vpop (erf);
	v55 =	vld [tilespmem:$0x1FD80]  }
0x531: {  	v4 =	vmul.f32 v56, v57;
	(erf) = vrcp.f32 v0;
	[tilespmem:s13+$0x68A0] =	vst v2;
	v0 =	vadd.f32 $1.000000000e+00, v58;
	v59 =	vpop (erf);
	v56 =	vld [tilespmem:$0x1FD90]  }
0x532: {  	v58 =	vld [tilespmem:$0x1FDA0];
	v2 =	vmul.f32 v59, v60;
	(erf) = vrcp.f32 v1;
	[tilespmem:s13+$0x68B0] =	vst v3;
	v1 =	vadd.f32 $1.000000000e+00, v61;
	v62 =	vpop (erf)  }
0x533: {  	v59 =	vld [tilespmem:$0x1FDB0];
	v3 =	vmul.f32 v62, v63;
	(erf) = vrcp.f32 v0;
	[tilespmem:s13+$0x68C0] =	vst v4;
	v0 =	vadd.f32 $1.000000000e+00, v8;
	v9 =	vpop (erf)  }
0x534: {  	v61 =	vld [tilespmem:$0x1FDC0];
	v4 =	vmul.f32 v9, v10;
	(erf) = vrcp.f32 v1;
	[tilespmem:s13+$0x68D0] =	vst v2;
	v1 =	vadd.f32 $1.000000000e+00, v11;
	v12 =	vpop (erf)  }
0x535: {  	v62 =	vld [tilespmem:$0x1FDD0];
	v2 =	vmul.f32 v12, v13;
	(erf) = vrcp.f32 v0;
	[tilespmem:s13+$0x68E0] =	vst v3;
	v0 =	vadd.f32 $1.000000000e+00, v14;
	v15 =	vpop (erf)  }
0x536: {  	v8 =	vld [tilespmem:$0x1FDE0];
	v3 =	vmul.f32 v15, v16;
	(erf) = vrcp.f32 v1;
	[tilespmem:s13+$0x68F0] =	vst v4;
	v1 =	vadd.f32 $1.000000000e+00, v17;
	v18 =	vpop (erf)  }
0x537: {  	v9 =	vld [tilespmem:$0x1FDF0];
	v4 =	vmul.f32 v18, v19;
	(erf) = vrcp.f32 v0;
	[tilespmem:s13+$0x6C80] =	vst v2;
	v0 =	vadd.f32 $1.000000000e+00, v20;
	v21 =	vpop (erf)  }
0x538: {  	v11 =	vld [tilespmem:$0x1FE00];
	v2 =	vmul.f32 v21, v22;
	(erf) = vrcp.f32 v1;
	[tilespmem:s13+$0x6C90] =	vst v3;
	v1 =	vadd.f32 $1.000000000e+00, v23;
	v24 =	vpop (erf)  }
0x539: {  	v12 =	vld [tilespmem:$0x1FE10];
	v3 =	vmul.f32 v24, v25;
	(erf) = vrcp.f32 v0;
	v0 =	vadd.f32 $1.000000000e+00, v26;
	[tilespmem:s13+$0x6CA0] =	vst v4;
	v27 =	vpop (erf)  }
0x53a: {  	v14 =	vld [tilespmem:$0x1FE20];
	v4 =	vmul.f32 v27, v28;
	(erf) = vrcp.f32 v1;
	v1 =	vadd.f32 $1.000000000e+00, v29;
	[tilespmem:s13+$0x6CB0] =	vst v2;
	v30 =	vpop (erf)  }
0x53b: {  	v15 =	vld [tilespmem:$0x1FE30];
	v2 =	vmul.f32 v30, v31;
	(erf) = vrcp.f32 v0;
	v0 =	vadd.f32 $1.000000000e+00, v32;
	[tilespmem:s13+$0x6CC0] =	vst v3;
	v33 =	vpop (erf)  }
0x53c: {  	v17 =	vld [tilespmem:$0x1FE40];
	v3 =	vmul.f32 v33, v34;
	(erf) = vrcp.f32 v1;
	v1 =	vadd.f32 $1.000000000e+00, v35;
	[tilespmem:s13+$0x6CD0] =	vst v4;
	v36 =	vpop (erf)  }
0x53d: {  	v18 =	vld [tilespmem:$0x1FE50];
	v4 =	vmul.f32 v36, v37;
	(erf) = vrcp.f32 v0;
	v0 =	vadd.f32 $1.000000000e+00, v38;
	[tilespmem:s13+$0x6CE0] =	vst v2;
	v39 =	vpop (erf)  }
0x53e: {  	v20 =	vld [tilespmem:$0x1FE60];
	v2 =	vmul.f32 v39, v40;
	(erf) = vrcp.f32 v1;
	v1 =	vadd.f32 $1.000000000e+00, v41;
	[tilespmem:s13+$0x6CF0] =	vst v3;
	v42 =	vpop (erf)  }
0x53f: {  	v21 =	vld [tilespmem:$0x1FE70];
	v3 =	vmul.f32 v42, v43;
	(erf) = vrcp.f32 v0;
	v0 =	vadd.f32 $1.000000000e+00, v44;
	[tilespmem:s13+$0x7080] =	vst v4;
	v45 =	vpop (erf)  }
0x540: {  	v23 =	vld [tilespmem:$0x1FE80];
	v4 =	vmul.f32 v45, v46;
	(erf) = vrcp.f32 v1;
	v1 =	vadd.f32 $1.000000000e+00, v47;
	[tilespmem:s13+$0x7090] =	vst v2;
	v48 =	vpop (erf)  }
0x541: {  	v24 =	vld [tilespmem:$0x1FE90];
	v2 =	vmul.f32 v48, v49;
	(erf) = vrcp.f32 v0;
	v0 =	vadd.f32 $1.000000000e+00, v50;
	[tilespmem:s13+$0x70A0] =	vst v3;
	v51 =	vpop (erf)  }
0x542: {  	v26 =	vld [tilespmem:$0x1FEA0];
	v3 =	vmul.f32 v51, v52;
	(erf) = vrcp.f32 v1;
	v1 =	vadd.f32 $1.000000000e+00, v53;
	[tilespmem:s13+$0x70B0] =	vst v4;
	v54 =	vpop (erf)  }
0x543: {  	v27 =	vld [tilespmem:$0x1FEB0];
	v4 =	vmul.f32 v54, v55;
	(erf) = vrcp.f32 v0;
	v0 =	vadd.f32 $1.000000000e+00, v56;
	[tilespmem:s13+$0x70C0] =	vst v2;
	v57 =	vpop (erf)  }
0x544: {  	v29 =	vld [tilespmem:$0x1FEC0];
	v2 =	vmul.f32 v57, v58;
	(erf) = vrcp.f32 v1;
	v1 =	vadd.f32 $1.000000000e+00, v59;
	[tilespmem:s13+$0x70D0] =	vst v3;
	v60 =	vpop (erf)  }
0x545: {  	v30 =	vld [tilespmem:$0x1FED0];
	v3 =	vmul.f32 v60, v61;
	(erf) = vrcp.f32 v0;
	v0 =	vadd.f32 $1.000000000e+00, v62;
	[tilespmem:s13+$0x70E0] =	vst v4;
	v63 =	vpop (erf)  }
0x546: {  	v32 =	vld [tilespmem:$0x1FEE0];
	v4 =	vmul.f32 v63, v8;
	(erf) = vrcp.f32 v1;
	v1 =	vadd.f32 $1.000000000e+00, v9;
	[tilespmem:s13+$0x70F0] =	vst v2;
	v10 =	vpop (erf)  }
0x547: {  	v33 =	vld [tilespmem:$0x1FEF0];
	v2 =	vmul.f32 v10, v11;
	(erf) = vrcp.f32 v0;
	v0 =	vadd.f32 $1.000000000e+00, v12;
	[tilespmem:s13+$0x7480] =	vst v3;
	v13 =	vpop (erf)  }
0x548: {  	v35 =	vld [tilespmem:$0x1FF00];
	v3 =	vmul.f32 v13, v14;
	(erf) = vrcp.f32 v1;
	v1 =	vadd.f32 $1.000000000e+00, v15;
	[tilespmem:s13+$0x7490] =	vst v4;
	v16 =	vpop (erf)  }
0x549: {  	v36 =	vld [tilespmem:$0x1FF10];
	v4 =	vmul.f32 v16, v17;
	(erf) = vrcp.f32 v0;
	v0 =	vadd.f32 $1.000000000e+00, v18;
	[tilespmem:s13+$0x74A0] =	vst v2;
	v19 =	vpop (erf)  }
0x54a: {  	v38 =	vld [tilespmem:$0x1FF20];
	v2 =	vmul.f32 v19, v20;
	(erf) = vrcp.f32 v1;
	v1 =	vadd.f32 $1.000000000e+00, v21;
	[tilespmem:s13+$0x74B0] =	vst v3;
	v22 =	vpop (erf)  }
0x54b: {  	v39 =	vld [tilespmem:$0x1FF30];
	v3 =	vmul.f32 v22, v23;
	(erf) = vrcp.f32 v0;
	v0 =	vadd.f32 $1.000000000e+00, v24;
	[tilespmem:s13+$0x74C0] =	vst v4;
	v25 =	vpop (erf)  }
0x54c: {  	v41 =	vld [tilespmem:$0x1FF40];
	v4 =	vmul.f32 v25, v26;
	(erf) = vrcp.f32 v1;
	v1 =	vadd.f32 $1.000000000e+00, v27;
	[tilespmem:s13+$0x74D0] =	vst v2;
	v28 =	vpop (erf)  }
0x54d: {  	v43 =	vld [tilespmem:$0x1FF50];
	v2 =	vmul.f32 v28, v29;
	(erf) = vrcp.f32 v0;
	v0 =	vadd.f32 $1.000000000e+00, v30;
	[tilespmem:s13+$0x74E0] =	vst v3;
	v31 =	vpop (erf)  }
0x54e: {  	v45 =	vld [tilespmem:$0x1FF60];
	v3 =	vmul.f32 v31, v32;
	(erf) = vrcp.f32 v1;
	v1 =	vadd.f32 $1.000000000e+00, v33;
	[tilespmem:s13+$0x74F0] =	vst v4;
	v34 =	vpop (erf)  }
0x54f: {  	v47 =	vld [tilespmem:$0x1FF70];
	v4 =	vmul.f32 v34, v35;
	(erf) = vrcp.f32 v0;
	v0 =	vadd.f32 $1.000000000e+00, v36;
	[tilespmem:s13+$0x7880] =	vst v2;
	v37 =	vpop (erf)  }
0x550: {  	v49 =	vld [tilespmem:$0x1FF80];
	v2 =	vmul.f32 v37, v38;
	(erf) = vrcp.f32 v1;
	v1 =	vadd.f32 $1.000000000e+00, v39;
	[tilespmem:s13+$0x7890] =	vst v3;
	v40 =	vpop (erf)  }
0x551: {  	v51 =	vld [tilespmem:$0x1FF90];
	v3 =	vmul.f32 v40, v41;
	(erf) = vrcp.f32 v0;
	[tilespmem:s13+$0x78A0] =	vst v4;
	v42 =	vpop (erf)  }
0x552: {  	v53 =	vld [tilespmem:$0x1FFA0];
	v0 =	vmul.f32 v42, v43;
	(erf) = vrcp.f32 v1;
	[tilespmem:s13+$0x78B0] =	vst v2;
	v44 =	vpop (erf)  }
0x553: {  	v55 =	vld [tilespmem:$0x1FFB0];
	v1 =	vmul.f32 v44, v45;
	[tilespmem:s13+$0x78C0] =	vst v3;
	v46 =	vpop (erf)  }
0x554: {  	v57 =	vld [tilespmem:$0x1FFC0];
	v2 =	vmul.f32 v46, v47;
	[tilespmem:s13+$0x78D0] =	vst v0;
	v48 =	vpop (erf)  }
0x555: {  	v59 =	vld [tilespmem:$0x1FFD0];
	v0 =	vmul.f32 v48, v49;
	[tilespmem:s13+$0x78E0] =	vst v1;
	v50 =	vpop (erf)  }
0x556: {  	v61 =	vld [tilespmem:$0x1FFE0];
	v1 =	vmul.f32 v50, v51;
	[tilespmem:s13+$0x78F0] =	vst v2;
	v52 =	vpop (erf)  }
0x557: {  	v63 =	vld [tilespmem:$0x1FFF0];
	v2 =	vmul.f32 v52, v53;
	[tilespmem:s13+$0x7C80] =	vst v0;
	v54 =	vpop (erf)  }
0x558: {  	v0 =	vmul.f32 v54, v55;
	[tilespmem:s13+$0x7C90] =	vst v1;
	v56 =	vpop (erf)  }
0x559: {  	p0 =	sne.s32 s12, $0x3;
	v1 =	vmul.f32 v56, v57;
	[tilespmem:s13+$0x7CA0] =	vst v2;
	v58 =	vpop (erf)  }
.Ltmp0:
0x55a: {  	v2 =	vmul.f32 v58, v59;
	[tilespmem:s13+$0x7CB0] =	vst v0;
	v60 =	vpop (erf);
	(pc) =	sbr.rel @p0 .LBB2_3-.Ltmp0, $4  }
0x55b: {  	v0 =	vmul.f32 v60, v61;
	[tilespmem:s13+$0x7CC0] =	vst v1;
	v62 =	vpop (erf)  }
0x55c: {  	v1 =	vmul.f32 v62, v63;
	[tilespmem:s13+$0x7CD0] =	vst v2  }
0x55d: {  	[tilespmem:s13+$0x7CE0] =	vst v0  }
0x55e: {  	s12 =	sadd.s32 $0x1, s12;
	[tilespmem:s13+$0x7CF0] =	vst v1  }
0x55f: {  	s10 =	sadd.s32 $0x1, s10  }
0x560: {  	p0 =	sne.s32 s10, $0x4  }
.Ltmp1:
0x561: {  	s11 =	sadd.s32 s4, s11;
	(pc) =	sbr.rel @p0 .LBB2_2-.Ltmp1, $4  }
0x562: {  	[hbm4b:s11+s2] =	stream.linear.scatter [tilespmem:s8], [sflag:$0x1], $0x4000, $0x38;
	[tilespmem:$0x8000] =	vst v63  }
0x563: {  	_ =	swait.ge [sflag:s7], $0x4000  }
0x564: {  	[sflag:s7] =	ssyncset.done $0x0  }
0x565: {  	[sflag:s7] =	ssyncadd.s32 $0xFFFFC000  }
0x566: {  	s9 =	sadd.s32 $0x1, s9  }
0x567: {  	p0 =	sne.s32 s9, s6  }
.Ltmp2:
0x568: {  	_ = 	snop;
	(pc) =	sbr.rel @p0 .LBB2_1-.Ltmp2, $1  }
0x569: {  	_ =	sdelay $0x3  }
0x56a: {  	_ =	sfence.sel $0x180000  }
0x56b: {  	[bflag:$0x0] =	sbarrier.arrive $0xFFFF  }
0x56c: {  	p0 =	sne.s32 s3, $0x0;
	_ =	strace $0x90000047  }
0x56d: {  	s0 =	sadd.s32 @!p0 $0x100000, s0;
	[bflag:$0x2] =	sbarrier.arrive $0xFFFF  }
0x56e: {  	[sflag:s0] =	ssyncadd.tile.s32 @!p0 $0x1;
	_ =	shalt  }
.Lfunc_end2:
_tile_overlayer_lowered:
.L_overlay_start_2:
0x56f: {  	(tag) =	ssettag $0x2  }
0x570: {  	s0 =	rddreg [dreg:$0x0];
	s2 =	stileid.u32  }
0x571: {  	s1 =	rddreg [dreg:$0x1];
	p0 =	sne.s32 s2, $0x0  }
0x572: {  	s3 =	rddreg [dreg:$0x2];
	[bflag:$0x3] =	sbarrier.arrive $0xFFFF;
	s2 =	simm.s32 @!p0 $0x1C01  }
0x573: {  	[timem:s3], [sflag:s2] =	dma.local @!p0 [hbm:s0], s1  }
0x574: {  	s0 =	simm.s32 @!p0 $0x1  }
0x575: {  	_ =	swait.ge @!p0 [sflag:s0], s1  }
0x576: {  	s1 =	ssub.s32 @!p0 $0x0, s1;
	[sflag:s0] =	ssyncset.done @!p0 $0x0  }
0x577: {  	[sflag:s0] =	ssyncadd.s32 @!p0 s1  }
0x578: {  	[bflag:$0x3] =	sbarrier.arrive $0xFFFF  }
0x579: {  	_ =	shalt  }

</sc_bundles>
